<compile_context>
chip_gen: v7x
topology: tpu7x:2x2x1
jax: 0.10.2.dev20260603
libtpu: 0.0.44.dev20260713+nightly
codegen_flags: <defaults>
</compile_context>

<pallas_src>
import jax
import jax.numpy as jnp
from jax import lax
from jax.experimental import pallas as pl
from jax.experimental.pallas import tpu as pltpu
from jax.experimental.pallas import tpu_sc as plsc

H = 128
U = 10000
I = 5000
LU = 20
LI = 32
E1 = I * LI
E2 = U * LU
RSQRT_H = 1.0 / float(H) ** 0.5

IB = 200
UB = 400
IBP = 1000
UBP = 2000

C = 256
CH = 128
N1 = E1 // C
JPS = U // C
TAIL = U - JPS * C
N2F = LU * JPS
NF = N1 + N2F
NBUF = 3


def _dot(a, b):
    return lax.dot_general(a, b, (((1,), (0,)), ((), ())),
                           preferred_element_type=jnp.float32)


def _sigmoid(x):
    return 0.5 + 0.5 * jnp.tanh(0.5 * x)



def _item_pre_body(ist_ref, sk_ref, idyn_ref, l1W_ref, l1b_ref, l2W_ref,
                   l2b_ref, l3W_ref, l3b_ref, l4W_ref, l4b_ref, q1W_ref,
                   q1b_ref, Wit_ref, pk_ref, q_ref, pv_ref, idnq_ref):
    ia = (_dot(ist_ref[...], l1W_ref[:H]) + _dot(sk_ref[...], l1W_ref[H:])
          + l1b_ref[...])
    pk_ref[...] = _dot(ia, l2W_ref[H:2 * H]) + l2b_ref[...]
    q_ref[...] = _dot(ia, l3W_ref[...]) + l3b_ref[...]
    pv_ref[...] = _dot(ia, l4W_ref[:H]) + l4b_ref[...]
    idn = _dot(idyn_ref[...], Wit_ref[...])
    idnq_ref[...] = (_dot(idn, q1W_ref[:H]) + _dot(ia, q1W_ref[H:2 * H])
                     + q1b_ref[...])



def _ud2_body(ud_ref, Wu_ref, l2W_ref, out_ref):
    wc = _dot(Wu_ref[...], l2W_ref[:H])
    out_ref[...] = _dot(ud_ref[...], wc)



def _sc_gather_body(t1_hbm, t2_hbm, idx1_hbm, idx2_hbm, out1_hbm, out2_hbm,
                    *refs):
    idxb = refs[0:NBUF]
    rowb = refs[NBUF:2 * NBUF]
    idxt_v = refs[2 * NBUF]
    rowst_v = refs[2 * NBUF + 1]
    sem_i = refs[2 * NBUF + 2:2 * NBUF + 2 + NBUF]
    sem_g = refs[2 * NBUF + 2 + NBUF:2 * NBUF + 2 + 2 * NBUF]
    sem_w = refs[2 * NBUF + 2 + 2 * NBUF:2 * NBUF + 2 + 3 * NBUF]
    sem_t = refs[2 * NBUF + 2 + 3 * NBUF]

    info = plsc.get_sparse_core_info()
    nw = info.num_cores * info.num_subcores
    wid = lax.axis_index("s") * info.num_cores + lax.axis_index("c")

    def idx_src(c):
        d = c - N1
        t = d // JPS
        j = d - t * JPS
        return c < N1, c * C, t * U + j * C

    def issue_idx(b, c):
        side1, b1, b2 = idx_src(c)

        @pl.when(side1)
        def _():
            pltpu.make_async_copy(idx1_hbm.at[pl.ds(pl.multiple_of(b1, C), C)],
                                  idxb[b], sem_i[b]).start()

        @pl.when(jnp.logical_not(side1))
        def _():
            pltpu.make_async_copy(idx2_hbm.at[pl.ds(pl.multiple_of(b2, 16), C)],
                                  idxb[b], sem_i[b]).start()

    def issue_gather(b, c):
        side1 = c < N1

        @pl.when(side1)
        def _():
            for h in range(C // CH):
                pltpu.make_async_copy(
                    t1_hbm.at[idxb[b].at[pl.ds(h * CH, CH)]],
                    rowb[b].at[pl.ds(h * CH, CH)], sem_g[b]).start()

        @pl.when(jnp.logical_not(side1))
        def _():
            for h in range(C // CH):
                pltpu.make_async_copy(
                    t2_hbm.at[idxb[b].at[pl.ds(h * CH, CH)]],
                    rowb[b].at[pl.ds(h * CH, CH)], sem_g[b]).start()

    def issue_wb(b, c):
        side1, b1, b2 = idx_src(c)

        @pl.when(side1)
        def _():
            pltpu.make_async_copy(rowb[b],
                                  out1_hbm.at[pl.ds(pl.multiple_of(b1, C), C)],
                                  sem_w[b]).start()

        @pl.when(jnp.logical_not(side1))
        def _():
            pltpu.make_async_copy(rowb[b],
                                  out2_hbm.at[pl.ds(pl.multiple_of(b2, 16), C)],
                                  sem_w[b]).start()

    def wait_idx(b):
        pltpu.make_async_copy(idx1_hbm.at[pl.ds(0, C)], idxb[b], sem_i[b]).wait()

    def wait_gather(b):
        for h in range(C // CH):
            pltpu.make_async_copy(
                t1_hbm.at[idxb[b].at[pl.ds(h * CH, CH)]],
                rowb[b].at[pl.ds(h * CH, CH)], sem_g[b]).wait()

    def wait_wb(b):
        pltpu.make_async_copy(rowb[b], out1_hbm.at[pl.ds(0, C)], sem_w[b]).wait()

    for b in range(NBUF):
        issue_idx(b, wid + nw * b)

    ng = (NF + nw * NBUF - 1) // (nw * NBUF)

    def group(g, carry):
        k0 = g * NBUF
        for b in range(NBUF):
            c = wid + nw * (k0 + b)
            cprev = c - nw * NBUF

            @pl.when(jnp.logical_and(g > 0, cprev < NF))
            def _():
                wait_wb(b)

            @pl.when(c < NF)
            def _():
                wait_idx(b)
                issue_gather(b, c)
        for b in range(NBUF):
            c = wid + nw * (k0 + b)
            cnext = c + nw * NBUF

            @pl.when(c < NF)
            def _():
                wait_gather(b)
                issue_wb(b, c)

            @pl.when(cnext < NF)
            def _():
                issue_idx(b, cnext)
        return carry

    lax.fori_loop(0, ng, group, 0)

    for b in range(NBUF):
        clast = wid + nw * ((ng - 1) * NBUF + b)

        @pl.when(clast < NF)
        def _():
            wait_wb(b)

    @pl.when(wid < LU)
    def _():
        base = pl.multiple_of(wid * U + JPS * C, 16)
        pltpu.sync_copy(idx2_hbm.at[pl.ds(base, TAIL)], idxt_v)
        pltpu.async_copy(t2_hbm.at[idxt_v], rowst_v, sem_t).wait()
        pltpu.sync_copy(rowst_v, out2_hbm.at[pl.ds(base, TAIL)])



def _attn_body(rh_ref, gk_ref, q_ref, pk_ref, pv_ref, l2W_ref, l4W_ref,
               out_ref, e_ref):
    rh2 = rh_ref[...].reshape(IB * LI, H)
    k2 = gk_ref[...] + _dot(rh2, l2W_ref[2 * H:])
    q = q_ref[...]
    k3 = k2.reshape(IB, LI, H) + pk_ref[...][:, None, :]
    e_ref[...] = jnp.sum(k3 * q[:, None, :], axis=2) * RSQRT_H
    e = e_ref[...]
    m = jnp.max(e, axis=1, keepdims=True)
    a = jnp.exp(e - m)
    al = a / jnp.sum(a, axis=1, keepdims=True)
    v3 = _dot(rh2, l4W_ref[H:]).reshape(IB, LI, H)
    out_ref[...] = pv_ref[...] + jnp.sum(al[:, :, None] * v3, axis=1)



def _rec_body(g_ref, rpT_ref, Wk_ref, Wr_ref, Wq_ref, Lqb_ref, Lob_ref,
              fob_ref, kin_ref, out_ref):
    Wk = Wk_ref[...]
    Wr = Wr_ref[...]
    Wq = Wq_ref[...]
    Lqb = Lqb_ref[...]
    Lob = Lob_ref[...]
    fob = fob_ref[...]
    kkk = jnp.broadcast_to(kin_ref[...], (UB, H))
    for t in range(LU):
        gt = g_ref[t]
        rt = rpT_ref[t]
        A = _dot(kkk, Wk)
        B = _dot(rt, Wr)
        q1 = gt + A[:, :H]
        Cm = _dot(q1, Wq)
        xt = jnp.tanh(Cm[:, :H] + Lqb)
        xx = _sigmoid(Cm[:, H:] + B[:, :H] + Lob) * xt
        foin = _sigmoid(A[:, H:] + B[:, H:] + fob)
        kkk = foin * kkk + (1.0 - foin) * xx
    out_ref[...] = kkk


def _row2(bs):
    return pl.BlockSpec(bs, lambda i: (i, 0))


def _whole2(shape):
    return pl.BlockSpec(shape, lambda i: (0, 0))


def kernel(user_dynamic, item_dynamic, item_static, skill, response_h_by,
           response_h_pby, item_nbr_users, user_nbr_items, W_user, W_item,
           knowledge_init, q1_W, q1_b, Lo_W, Lo_b, Lq_W, Lq_b, fo_W, fo_b,
           l1_W, l1_b, l2_W, l2_b, l3_W, l3_b, l4_W, l4_b):
    f32 = jnp.float32
    l1b = l1_b.reshape(1, H)
    l2b = l2_b.reshape(1, H)
    l3b = l3_b.reshape(1, H)
    l4b = l4_b.reshape(1, H)
    q1b = q1_b.reshape(1, H)
    Lqb = Lq_b.reshape(1, H)
    Lob = Lo_b.reshape(1, H)
    fob = fo_b.reshape(1, H)
    Wk = jnp.concatenate([q1_W[2 * H:], fo_W[H:]], axis=1)
    Wr = jnp.concatenate([Lo_W[H:], fo_W[:H]], axis=1)
    Wq = jnp.concatenate([Lq_W, Lo_W[:H]], axis=1)

    pk, q, pv, idnq = pl.pallas_call(
        _item_pre_body,
        grid=(I // IBP,),
        in_specs=[
            _row2((IBP, H)), _row2((IBP, H)), _row2((IBP, H)),
            _whole2((2 * H, H)), _whole2((1, H)),
            _whole2((3 * H, H)), _whole2((1, H)),
            _whole2((H, H)), _whole2((1, H)),
            _whole2((2 * H, H)), _whole2((1, H)),
            _whole2((3 * H, H)), _whole2((1, H)),
            _whole2((H, H)),
        ],
        out_specs=[_row2((IBP, H))] * 4,
        out_shape=[jax.ShapeDtypeStruct((I, H), f32)] * 4,
    )(item_static, skill, item_dynamic, l1_W, l1b, l2_W, l2b, l3_W, l3b,
      l4_W, l4b, q1_W, q1b, W_item)

    ud2 = pl.pallas_call(
        _ud2_body,
        grid=(U // UBP,),
        in_specs=[_row2((UBP, H)), _whole2((H, H)), _whole2((3 * H, H))],
        out_specs=_row2((UBP, H)),
        out_shape=jax.ShapeDtypeStruct((U, H), f32),
    )(user_dynamic, W_user, l2_W)

    idx1 = item_nbr_users.reshape(E1)
    idx2 = jnp.swapaxes(user_nbr_items, 0, 1).reshape(E2)
    mesh = plsc.VectorSubcoreMesh(core_axis_name="c", subcore_axis_name="s")
    gk, g2 = pl.kernel(
        _sc_gather_body,
        out_type=[jax.ShapeDtypeStruct((E1, H), f32),
                  jax.ShapeDtypeStruct((E2, H), f32)],
        mesh=mesh,
        scratch_types=([pltpu.VMEM((C,), jnp.int32)] * NBUF
                       + [pltpu.VMEM((C, H), f32)] * NBUF
                       + [pltpu.VMEM((TAIL,), jnp.int32),
                          pltpu.VMEM((TAIL, H), f32)]
                       + [pltpu.SemaphoreType.DMA] * (3 * NBUF)
                       + [pltpu.SemaphoreType.DMA]),
    )(ud2, idnq, idx1, idx2)

    item_out = pl.pallas_call(
        _attn_body,
        grid=(I // IB,),
        in_specs=[
            pl.BlockSpec((IB, LI, H), lambda i: (i, 0, 0)),
            _row2((IB * LI, H)),
            _row2((IB, H)), _row2((IB, H)), _row2((IB, H)),
            _whole2((3 * H, H)), _whole2((2 * H, H)),
        ],
        out_specs=_row2((IB, H)),
        out_shape=jax.ShapeDtypeStruct((I, H), f32),
        scratch_shapes=[pltpu.VMEM((IB, LI), f32)],
    )(response_h_by, gk, q, pk, pv, l2_W, l4_W)

    g3 = g2.reshape(LU, U, H)
    rpT = jnp.swapaxes(response_h_pby, 0, 1)
    user_out = pl.pallas_call(
        _rec_body,
        grid=(U // UB,),
        in_specs=[
            pl.BlockSpec((LU, UB, H), lambda i: (0, i, 0)),
            pl.BlockSpec((LU, UB, H), lambda i: (0, i, 0)),
            _whole2((H, 2 * H)), _whole2((H, 2 * H)), _whole2((H, 2 * H)),
            _whole2((1, H)), _whole2((1, H)), _whole2((1, H)),
            _whole2((1, H)),
        ],
        out_specs=_row2((UB, H)),
        out_shape=jax.ShapeDtypeStruct((U, H), f32),
    )(g3, rpT, Wk, Wr, Wq, Lqb, Lob, fob, knowledge_init)

    return user_out, item_out

# --- scband reference (transcript-rebuilt; emitter-appended) ---
"""Pipeline reference for scband-bdgktlayers-62354335203407 (READ-ONLY COPY).

The authoritative reference and input builder live on the scoring server;
editing this copy changes nothing except your own understanding.
"""

import jax, jax.numpy as jnp
import numpy as np

H = 128
U = 10000
I = 5000
LU = 20
LI = 32

def _lin(x, W, b=None):
    y = x @ W
    return y if b is None else y + b

def setup_inputs(seed: int = 0):
    key = jax.random.key(seed)
    ks = jax.random.split(key, 40)
    s = 1.0 / np.sqrt(H)
    def unif(k, shape, bound):
        return jax.random.uniform(k, shape, jnp.float32, -bound, bound)
    inp = {}
    inp['user_dynamic'] = jax.random.normal(ks[0], (U, H), jnp.float32)
    inp['item_dynamic'] = jax.random.normal(ks[1], (I, H), jnp.float32)
    inp['item_static'] = jax.random.normal(ks[2], (I, H), jnp.float32)
    inp['skill'] = jax.random.normal(ks[3], (I, H), jnp.float32)
    inp['response_h_by'] = jax.random.normal(ks[4], (I, LI, H), jnp.float32)
    inp['response_h_pby'] = jax.random.normal(ks[5], (U, LU, H), jnp.float32)
    inp['item_nbr_users'] = jax.random.randint(ks[6], (I, LI), 0, U, jnp.int32)
    inp['user_nbr_items'] = jax.random.randint(ks[7], (U, LU), 0, I, jnp.int32)
    inp['W_user'] = unif(ks[8], (H, H), s)
    inp['W_item'] = unif(ks[9], (H, H), s)
    inp['knowledge_init'] = jax.random.uniform(ks[10], (1, H), jnp.float32)
    s3 = 1.0 / np.sqrt(3 * H)
    s2 = 1.0 / np.sqrt(2 * H)
    inp['q1_W'] = unif(ks[11], (3 * H, H), s3); inp['q1_b'] = unif(ks[12], (H,), s3)
    inp['Lo_W'] = unif(ks[13], (2 * H, H), s2); inp['Lo_b'] = unif(ks[14], (H,), s2)
    inp['Lq_W'] = unif(ks[15], (H, H), s); inp['Lq_b'] = unif(ks[16], (H,), s)
    inp['fo_W'] = unif(ks[17], (2 * H, H), s2); inp['fo_b'] = unif(ks[18], (H,), s2)
    inp['l1_W'] = unif(ks[19], (2 * H, H), s2); inp['l1_b'] = unif(ks[20], (H,), s2)
    inp['l2_W'] = unif(ks[21], (3 * H, H), s3); inp['l2_b'] = unif(ks[22], (H,), s3)
    inp['l3_W'] = unif(ks[23], (H, H), s); inp['l3_b'] = unif(ks[24], (H,), s)
    inp['l4_W'] = unif(ks[25], (2 * H, H), s2); inp['l4_b'] = unif(ks[26], (H,), s2)
    return inp

def _forward(user_dynamic, item_dynamic, item_static, skill, response_h_by, response_h_pby,
             W_user, W_item, knowledge_init, q1_W, q1_b, Lo_W, Lo_b, Lq_W, Lq_b,
             fo_W, fo_b, l1_W, l1_b, l2_W, l2_b, l3_W, l3_b, l4_W, l4_b,
             item_nbr_users, user_nbr_items):
    # feat_drop/attn_drop are identity in eval mode
    ud = user_dynamic @ W_user
    idn = item_dynamic @ W_item
    # ---- item update ('by' edges: user -> item), mailbox of LI user messages per item ----
    u_msg = jnp.take(ud, item_nbr_users, axis=0)                       # [I, LI, H] gather (edges.src['user_dynamic'])
    it_st = jnp.broadcast_to(item_static[:, None, :], (I, LI, H))      # edges.dst['item_static']
    sk_i = jnp.broadcast_to(skill[:, None, :], (I, LI, H))             # edges.dst['skill']
    item_abs = _lin(jnp.concatenate([it_st, sk_i], axis=-1), l1_W, l1_b)
    key_ = _lin(jnp.concatenate([u_msg, item_abs, response_h_by], axis=-1), l2_W, l2_b)
    Query = _lin(item_abs, l3_W, l3_b)
    Value = _lin(jnp.concatenate([item_abs, response_h_by], axis=-1), l4_W, l4_b)
    e = jnp.sum(Query * key_, axis=2) / jnp.sqrt(jnp.asarray(float(H), jnp.float32))
    alpha = jax.nn.softmax(e, axis=1)[:, :, None]
    item_out = jnp.sum(alpha * Value, axis=1)                          # [I, H]
    # ---- user update ('pby' edges: item -> user), sequential knowledge-state recurrence ----
    i_msg = jnp.take(idn, user_nbr_items, axis=0)                      # [U, LU, H] gather (edges.src['item_dynamic'])
    i_st = jnp.take(item_static, user_nbr_items, axis=0)
    sk_u = jnp.take(skill, user_nbr_items, axis=0)
    item_abs_u = _lin(jnp.concatenate([i_st, sk_u], axis=-1), l1_W, l1_b)
    kkk0 = jnp.tile(knowledge_init, (U, 1))
    def step(kkk, xs):
        i_d, i_a, r = xs
        q1 = _lin(jnp.concatenate([i_d, i_a, kkk], axis=-1), q1_W, q1_b)
        xx_title = jnp.tanh(_lin(q1, Lq_W, Lq_b))
        xx = jax.nn.sigmoid(_lin(jnp.concatenate([q1, r], axis=-1), Lo_W, Lo_b)) * xx_title
        foin = jax.nn.sigmoid(_lin(jnp.concatenate([r, kkk], axis=-1), fo_W, fo_b))
        kkk_new = foin * kkk + (1.0 - foin) * xx
        return kkk_new, None
    xs = (jnp.swapaxes(i_msg, 0, 1), jnp.swapaxes(item_abs_u, 0, 1), jnp.swapaxes(response_h_pby, 0, 1))
    user_out, _ = jax.lax.scan(step, kkk0, xs)
    return user_out, item_out

def reference(user_dynamic, item_dynamic, item_static, skill, response_h_by, response_h_pby,
              item_nbr_users, user_nbr_items, W_user, W_item, knowledge_init,
              q1_W, q1_b, Lo_W, Lo_b, Lq_W, Lq_b, fo_W, fo_b,
              l1_W, l1_b, l2_W, l2_b, l3_W, l3_b, l4_W, l4_b):
    return _forward(user_dynamic, item_dynamic, item_static, skill, response_h_by, response_h_pby,
                    W_user, W_item, knowledge_init, q1_W, q1_b, Lo_W, Lo_b, Lq_W, Lq_b,
                    fo_W, fo_b, l1_W, l1_b, l2_W, l2_b, l3_W, l3_b, l4_W, l4_b,
                    item_nbr_users, user_nbr_items)

if __name__ == "__main__":
    import jax
    _d = setup_inputs()
    print(jax.jit(kernel)(*tuple(_d.values())))

</pallas_src>

<mosaic_0001>
#map = affine_map<(d0, d1) -> (0, 0)>
#map1 = affine_map<(d0, d1) -> (0)>
module attributes {stable_mosaic.version = 14 : i64} {
  func.func @_sc_gather_body(%arg0: i32, %arg1: i32, %arg2: memref<10000x128xf32, #tpu.memory_space<hbm>>, %arg3: memref<5000x128xf32, #tpu.memory_space<hbm>>, %arg4: memref<160000xi32, #tpu.memory_space<hbm>>, %arg5: memref<200000xi32, #tpu.memory_space<hbm>>, %arg6: memref<160000x128xf32, #tpu.memory_space<hbm>>, %arg7: memref<200000x128xf32, #tpu.memory_space<hbm>>, %arg8: memref<256xi32, #tpu.memory_space<vmem>>, %arg9: memref<256xi32, #tpu.memory_space<vmem>>, %arg10: memref<256xi32, #tpu.memory_space<vmem>>, %arg11: memref<256x128xf32, #tpu.memory_space<vmem>>, %arg12: memref<256x128xf32, #tpu.memory_space<vmem>>, %arg13: memref<256x128xf32, #tpu.memory_space<vmem>>, %arg14: memref<16xi32, #tpu.memory_space<vmem>>, %arg15: memref<16x128xf32, #tpu.memory_space<vmem>>, %arg16: memref<!tpu.dma_semaphore, #tpu.memory_space<semaphore_mem>>, %arg17: memref<!tpu.dma_semaphore, #tpu.memory_space<semaphore_mem>>, %arg18: memref<!tpu.dma_semaphore, #tpu.memory_space<semaphore_mem>>, %arg19: memref<!tpu.dma_semaphore, #tpu.memory_space<semaphore_mem>>, %arg20: memref<!tpu.dma_semaphore, #tpu.memory_space<semaphore_mem>>, %arg21: memref<!tpu.dma_semaphore, #tpu.memory_space<semaphore_mem>>, %arg22: memref<!tpu.dma_semaphore, #tpu.memory_space<semaphore_mem>>, %arg23: memref<!tpu.dma_semaphore, #tpu.memory_space<semaphore_mem>>, %arg24: memref<!tpu.dma_semaphore, #tpu.memory_space<semaphore_mem>>, %arg25: memref<!tpu.dma_semaphore, #tpu.memory_space<semaphore_mem>>) attributes {dimension_semantics = [#tpu.dimension_semantics<core_parallel>, #tpu.dimension_semantics<subcore_parallel>], iteration_bounds = array<i64: 2, 16>, scalar_prefetch = 0 : i64, scratch_operands = 18 : i64, tpu.core_type = #tpu.core_type<sc_vector_subcore>, window_params = [{transform_indices = #map}, {transform_indices = #map}, {transform_indices = #map1}, {transform_indices = #map1}, {transform_indices = #map}, {transform_indices = #map}]} {
    %mul3A = arith.constant 2 : i32
    %mul3A_0 = arith.muli %arg1, %mul3A : i32
    %add3A = arith.addi %mul3A_0, %arg0 : i32
    %add3A_1 = arith.constant 0 : i32
    %add3A_2 = arith.addi %add3A, %add3A_1 : i32
    %sub3A = arith.constant 625 : i32
    %sub3A_3 = arith.subi %add3A_2, %sub3A : i32
    %jit3A = arith.constant 39 : i32
    %div3A = arith.divsi %sub3A_3, %jit3A : i32
    %sign3A = arith.constant 0 : i32
    %sign3A_4 = arith.cmpi sgt, %sub3A_3, %sign3A : i32
    %sign3A_5 = arith.extui %sign3A_4 : i1 to i32
    %sign3A_6 = arith.constant 0 : i32
    %sign3A_7 = arith.cmpi slt, %sub3A_3, %sign3A_6 : i32
    %sign3A_8 = arith.extui %sign3A_7 : i1 to i32
    %sign3A_9 = arith.subi %sign3A_5, %sign3A_8 : i32
    %sign3A_10 = arith.constant 0 : i32
    %sign3A_11 = arith.cmpi sgt, %jit3A, %sign3A_10 : i32
    %sign3A_12 = arith.extui %sign3A_11 : i1 to i32
    %sign3A_13 = arith.constant 0 : i32
    %sign3A_14 = arith.cmpi slt, %jit3A, %sign3A_13 : i32
    %sign3A_15 = arith.extui %sign3A_14 : i1 to i32
    %sign3A_16 = arith.subi %sign3A_12, %sign3A_15 : i32
    %ne3A = arith.cmpi ne, %sign3A_9, %sign3A_16 : i32
    %rem3A = arith.remsi %sub3A_3, %jit3A : i32
    %ne3A_17 = arith.constant 0 : i32
    %ne3A_18 = arith.cmpi ne, %rem3A, %ne3A_17 : i32
    %and3A = arith.andi %ne3A, %ne3A_18 : i1
    %sub3A_19 = arith.constant 1 : i32
    %sub3A_20 = arith.subi %div3A, %sub3A_19 : i32
    %select_n3A = arith.select %and3A, %sub3A_20, %div3A : i32
    %mul3A_21 = arith.constant 39 : i32
    %mul3A_22 = arith.muli %select_n3A, %mul3A_21 : i32
    %sub3A_23 = arith.subi %sub3A_3, %mul3A_22 : i32
    %lt3A = arith.constant 625 : i32
    %lt3A_24 = arith.cmpi slt, %add3A_2, %lt3A : i32
    %mul3A_25 = arith.constant 256 : i32
    %mul3A_26 = arith.muli %add3A_2, %mul3A_25 : i32
    %mul3A_27 = arith.constant 10000 : i32
    %mul3A_28 = arith.muli %select_n3A, %mul3A_27 : i32
    %mul3A_29 = arith.constant 256 : i32
    %mul3A_30 = arith.muli %sub3A_23, %mul3A_29 : i32
    %add3A_31 = arith.addi %mul3A_28, %mul3A_30 : i32
    %convert_element_type3A = arith.extui %lt3A_24 : i1 to i32
    %cond3A = arith.constant 0 : i32
    %cond3A_32 = arith.cmpi ne, %convert_element_type3A, %cond3A : i32
    scf.if %cond3A_32 {
      %multiple_of3A = tpu.assume_multiple %mul3A_26, 256 : i32
      %dma_start3A = tpu.memref_slice %arg4[%multiple_of3A] : memref<160000xi32, #tpu.memory_space<hbm>> -> memref<256xi32, #tpu.memory_space<hbm>>
      %dma_start3A_164 = tpu.memref_slice %arg4[%multiple_of3A] : memref<160000xi32, #tpu.memory_space<hbm>> -> memref<256xi32, #tpu.memory_space<hbm>>
      tpu.enqueue_dma source(%dma_start3A_164 : memref<256xi32, #tpu.memory_space<hbm>>) target(%arg8 : memref<256xi32, #tpu.memory_space<vmem>>) target_semaphore(%arg16 : memref<!tpu.dma_semaphore, #tpu.memory_space<semaphore_mem>>)
    } else {
    }
    %not3A = arith.constant true
    %not3A_33 = arith.xori %lt3A_24, %not3A : i1
    %convert_element_type3A_34 = arith.extui %not3A_33 : i1 to i32
    %cond3A_35 = arith.constant 0 : i32
    %cond3A_36 = arith.cmpi ne, %convert_element_type3A_34, %cond3A_35 : i32
    scf.if %cond3A_36 {
      %multiple_of3A = tpu.assume_multiple %add3A_31, 16 : i32
      %dma_start3A = tpu.memref_slice %arg5[%multiple_of3A] : memref<200000xi32, #tpu.memory_space<hbm>> -> memref<256xi32, #tpu.memory_space<hbm>>
      %dma_start3A_164 = tpu.memref_slice %arg5[%multiple_of3A] : memref<200000xi32, #tpu.memory_space<hbm>> -> memref<256xi32, #tpu.memory_space<hbm>>
      tpu.enqueue_dma source(%dma_start3A_164 : memref<256xi32, #tpu.memory_space<hbm>>) target(%arg8 : memref<256xi32, #tpu.memory_space<vmem>>) target_semaphore(%arg16 : memref<!tpu.dma_semaphore, #tpu.memory_space<semaphore_mem>>)
    } else {
    }
    %add3A_37 = arith.constant 32 : i32
    %add3A_38 = arith.addi %add3A, %add3A_37 : i32
    %sub3A_39 = arith.constant 625 : i32
    %sub3A_40 = arith.subi %add3A_38, %sub3A_39 : i32
    %jit3A_41 = arith.constant 39 : i32
    %div3A_42 = arith.divsi %sub3A_40, %jit3A_41 : i32
    %sign3A_43 = arith.constant 0 : i32
    %sign3A_44 = arith.cmpi sgt, %sub3A_40, %sign3A_43 : i32
    %sign3A_45 = arith.extui %sign3A_44 : i1 to i32
    %sign3A_46 = arith.constant 0 : i32
    %sign3A_47 = arith.cmpi slt, %sub3A_40, %sign3A_46 : i32
    %sign3A_48 = arith.extui %sign3A_47 : i1 to i32
    %sign3A_49 = arith.subi %sign3A_45, %sign3A_48 : i32
    %sign3A_50 = arith.constant 0 : i32
    %sign3A_51 = arith.cmpi sgt, %jit3A_41, %sign3A_50 : i32
    %sign3A_52 = arith.extui %sign3A_51 : i1 to i32
    %sign3A_53 = arith.constant 0 : i32
    %sign3A_54 = arith.cmpi slt, %jit3A_41, %sign3A_53 : i32
    %sign3A_55 = arith.extui %sign3A_54 : i1 to i32
    %sign3A_56 = arith.subi %sign3A_52, %sign3A_55 : i32
    %ne3A_57 = arith.cmpi ne, %sign3A_49, %sign3A_56 : i32
    %rem3A_58 = arith.remsi %sub3A_40, %jit3A_41 : i32
    %ne3A_59 = arith.constant 0 : i32
    %ne3A_60 = arith.cmpi ne, %rem3A_58, %ne3A_59 : i32
    %and3A_61 = arith.andi %ne3A_57, %ne3A_60 : i1
    %sub3A_62 = arith.constant 1 : i32
    %sub3A_63 = arith.subi %div3A_42, %sub3A_62 : i32
    %select_n3A_64 = arith.select %and3A_61, %sub3A_63, %div3A_42 : i32
    %mul3A_65 = arith.constant 39 : i32
    %mul3A_66 = arith.muli %select_n3A_64, %mul3A_65 : i32
    %sub3A_67 = arith.subi %sub3A_40, %mul3A_66 : i32
    %lt3A_68 = arith.constant 625 : i32
    %lt3A_69 = arith.cmpi slt, %add3A_38, %lt3A_68 : i32
    %mul3A_70 = arith.constant 256 : i32
    %mul3A_71 = arith.muli %add3A_38, %mul3A_70 : i32
    %mul3A_72 = arith.constant 10000 : i32
    %mul3A_73 = arith.muli %select_n3A_64, %mul3A_72 : i32
    %mul3A_74 = arith.constant 256 : i32
    %mul3A_75 = arith.muli %sub3A_67, %mul3A_74 : i32
    %add3A_76 = arith.addi %mul3A_73, %mul3A_75 : i32
    %convert_element_type3A_77 = arith.extui %lt3A_69 : i1 to i32
    %cond3A_78 = arith.constant 0 : i32
    %cond3A_79 = arith.cmpi ne, %convert_element_type3A_77, %cond3A_78 : i32
    scf.if %cond3A_79 {
      %multiple_of3A = tpu.assume_multiple %mul3A_71, 256 : i32
      %dma_start3A = tpu.memref_slice %arg4[%multiple_of3A] : memref<160000xi32, #tpu.memory_space<hbm>> -> memref<256xi32, #tpu.memory_space<hbm>>
      %dma_start3A_164 = tpu.memref_slice %arg4[%multiple_of3A] : memref<160000xi32, #tpu.memory_space<hbm>> -> memref<256xi32, #tpu.memory_space<hbm>>
      tpu.enqueue_dma source(%dma_start3A_164 : memref<256xi32, #tpu.memory_space<hbm>>) target(%arg9 : memref<256xi32, #tpu.memory_space<vmem>>) target_semaphore(%arg17 : memref<!tpu.dma_semaphore, #tpu.memory_space<semaphore_mem>>)
    } else {
    }
    %not3A_80 = arith.constant true
    %not3A_81 = arith.xori %lt3A_69, %not3A_80 : i1
    %convert_element_type3A_82 = arith.extui %not3A_81 : i1 to i32
    %cond3A_83 = arith.constant 0 : i32
    %cond3A_84 = arith.cmpi ne, %convert_element_type3A_82, %cond3A_83 : i32
    scf.if %cond3A_84 {
      %multiple_of3A = tpu.assume_multiple %add3A_76, 16 : i32
      %dma_start3A = tpu.memref_slice %arg5[%multiple_of3A] : memref<200000xi32, #tpu.memory_space<hbm>> -> memref<256xi32, #tpu.memory_space<hbm>>
      %dma_start3A_164 = tpu.memref_slice %arg5[%multiple_of3A] : memref<200000xi32, #tpu.memory_space<hbm>> -> memref<256xi32, #tpu.memory_space<hbm>>
      tpu.enqueue_dma source(%dma_start3A_164 : memref<256xi32, #tpu.memory_space<hbm>>) target(%arg9 : memref<256xi32, #tpu.memory_space<vmem>>) target_semaphore(%arg17 : memref<!tpu.dma_semaphore, #tpu.memory_space<semaphore_mem>>)
    } else {
    }
    %add3A_85 = arith.constant 64 : i32
    %add3A_86 = arith.addi %add3A, %add3A_85 : i32
    %sub3A_87 = arith.constant 625 : i32
    %sub3A_88 = arith.subi %add3A_86, %sub3A_87 : i32
    %jit3A_89 = arith.constant 39 : i32
    %div3A_90 = arith.divsi %sub3A_88, %jit3A_89 : i32
    %sign3A_91 = arith.constant 0 : i32
    %sign3A_92 = arith.cmpi sgt, %sub3A_88, %sign3A_91 : i32
    %sign3A_93 = arith.extui %sign3A_92 : i1 to i32
    %sign3A_94 = arith.constant 0 : i32
    %sign3A_95 = arith.cmpi slt, %sub3A_88, %sign3A_94 : i32
    %sign3A_96 = arith.extui %sign3A_95 : i1 to i32
    %sign3A_97 = arith.subi %sign3A_93, %sign3A_96 : i32
    %sign3A_98 = arith.constant 0 : i32
    %sign3A_99 = arith.cmpi sgt, %jit3A_89, %sign3A_98 : i32
    %sign3A_100 = arith.extui %sign3A_99 : i1 to i32
    %sign3A_101 = arith.constant 0 : i32
    %sign3A_102 = arith.cmpi slt, %jit3A_89, %sign3A_101 : i32
    %sign3A_103 = arith.extui %sign3A_102 : i1 to i32
    %sign3A_104 = arith.subi %sign3A_100, %sign3A_103 : i32
    %ne3A_105 = arith.cmpi ne, %sign3A_97, %sign3A_104 : i32
    %rem3A_106 = arith.remsi %sub3A_88, %jit3A_89 : i32
    %ne3A_107 = arith.constant 0 : i32
    %ne3A_108 = arith.cmpi ne, %rem3A_106, %ne3A_107 : i32
    %and3A_109 = arith.andi %ne3A_105, %ne3A_108 : i1
    %sub3A_110 = arith.constant 1 : i32
    %sub3A_111 = arith.subi %div3A_90, %sub3A_110 : i32
    %select_n3A_112 = arith.select %and3A_109, %sub3A_111, %div3A_90 : i32
    %mul3A_113 = arith.constant 39 : i32
    %mul3A_114 = arith.muli %select_n3A_112, %mul3A_113 : i32
    %sub3A_115 = arith.subi %sub3A_88, %mul3A_114 : i32
    %lt3A_116 = arith.constant 625 : i32
    %lt3A_117 = arith.cmpi slt, %add3A_86, %lt3A_116 : i32
    %mul3A_118 = arith.constant 256 : i32
    %mul3A_119 = arith.muli %add3A_86, %mul3A_118 : i32
    %mul3A_120 = arith.constant 10000 : i32
    %mul3A_121 = arith.muli %select_n3A_112, %mul3A_120 : i32
    %mul3A_122 = arith.constant 256 : i32
    %mul3A_123 = arith.muli %sub3A_115, %mul3A_122 : i32
    %add3A_124 = arith.addi %mul3A_121, %mul3A_123 : i32
    %convert_element_type3A_125 = arith.extui %lt3A_117 : i1 to i32
    %cond3A_126 = arith.constant 0 : i32
    %cond3A_127 = arith.cmpi ne, %convert_element_type3A_125, %cond3A_126 : i32
    scf.if %cond3A_127 {
      %multiple_of3A = tpu.assume_multiple %mul3A_119, 256 : i32
      %dma_start3A = tpu.memref_slice %arg4[%multiple_of3A] : memref<160000xi32, #tpu.memory_space<hbm>> -> memref<256xi32, #tpu.memory_space<hbm>>
      %dma_start3A_164 = tpu.memref_slice %arg4[%multiple_of3A] : memref<160000xi32, #tpu.memory_space<hbm>> -> memref<256xi32, #tpu.memory_space<hbm>>
      tpu.enqueue_dma source(%dma_start3A_164 : memref<256xi32, #tpu.memory_space<hbm>>) target(%arg10 : memref<256xi32, #tpu.memory_space<vmem>>) target_semaphore(%arg18 : memref<!tpu.dma_semaphore, #tpu.memory_space<semaphore_mem>>)
    } else {
    }
    %not3A_128 = arith.constant true
    %not3A_129 = arith.xori %lt3A_117, %not3A_128 : i1
    %convert_element_type3A_130 = arith.extui %not3A_129 : i1 to i32
    %cond3A_131 = arith.constant 0 : i32
    %cond3A_132 = arith.cmpi ne, %convert_element_type3A_130, %cond3A_131 : i32
    scf.if %cond3A_132 {
      %multiple_of3A = tpu.assume_multiple %add3A_124, 16 : i32
      %dma_start3A = tpu.memref_slice %arg5[%multiple_of3A] : memref<200000xi32, #tpu.memory_space<hbm>> -> memref<256xi32, #tpu.memory_space<hbm>>
      %dma_start3A_164 = tpu.memref_slice %arg5[%multiple_of3A] : memref<200000xi32, #tpu.memory_space<hbm>> -> memref<256xi32, #tpu.memory_space<hbm>>
      tpu.enqueue_dma source(%dma_start3A_164 : memref<256xi32, #tpu.memory_space<hbm>>) target(%arg10 : memref<256xi32, #tpu.memory_space<vmem>>) target_semaphore(%arg18 : memref<!tpu.dma_semaphore, #tpu.memory_space<semaphore_mem>>)
    } else {
    }
    %scan3A = arith.constant 0 : i32
    %scan3A_133 = arith.constant 0 : i32
    %scan3A_134 = arith.constant 15 : i32
    %scan3A_135 = arith.addi %scan3A_133, %scan3A_134 : i32
    %scan3A_136 = arith.constant 1 : i32
    scf.for %scan3A_164 = %scan3A_133 to %scan3A_135 step %scan3A_136  : i32 {
      %mul3A_165 = arith.constant 3 : i32
      %mul3A_166 = arith.muli %scan3A_164, %mul3A_165 : i32
      %add3A_167 = arith.constant 0 : i32
      %add3A_168 = arith.addi %mul3A_166, %add3A_167 : i32
      %mul3A_169 = arith.constant 32 : i32
      %mul3A_170 = arith.muli %mul3A_169, %add3A_168 : i32
      %add3A_171 = arith.addi %add3A, %mul3A_170 : i32
      %sub3A_172 = arith.constant 96 : i32
      %sub3A_173 = arith.subi %add3A_171, %sub3A_172 : i32
      %gt3A = arith.constant 0 : i32
      %gt3A_174 = arith.cmpi sgt, %scan3A_164, %gt3A : i32
      %lt3A_175 = arith.constant 1405 : i32
      %lt3A_176 = arith.cmpi slt, %sub3A_173, %lt3A_175 : i32
      %and3A_177 = arith.andi %gt3A_174, %lt3A_176 : i1
      %convert_element_type3A_178 = arith.extui %and3A_177 : i1 to i32
      %cond3A_179 = arith.constant 0 : i32
      %cond3A_180 = arith.cmpi ne, %convert_element_type3A_178, %cond3A_179 : i32
      scf.if %cond3A_180 {
        %dma_wait3A = arith.constant 0 : i32
        %dma_wait3A_277 = arith.constant 0 : i32
        %dma_wait3A_278 = tpu.memref_slice %arg6[%dma_wait3A, %dma_wait3A_277] : memref<160000x128xf32, #tpu.memory_space<hbm>> -> memref<256x128xf32, #tpu.memory_space<hbm>>
        %dma_wait3A_279 = arith.constant 0 : i32
        %dma_wait3A_280 = arith.constant 0 : i32
        %dma_wait3A_281 = tpu.memref_slice %arg6[%dma_wait3A_279, %dma_wait3A_280] : memref<160000x128xf32, #tpu.memory_space<hbm>> -> memref<256x128xf32, #tpu.memory_space<hbm>>
        tpu.wait_dma2 semaphore(%arg22 : memref<!tpu.dma_semaphore, #tpu.memory_space<semaphore_mem>>) src(%arg11 : memref<256x128xf32, #tpu.memory_space<vmem>>) dst(%dma_wait3A_281 : memref<256x128xf32, #tpu.memory_space<hbm>>)
      } else {
      }
      %lt3A_181 = arith.constant 1405 : i32
      %lt3A_182 = arith.cmpi slt, %add3A_171, %lt3A_181 : i32
      %convert_element_type3A_183 = arith.extui %lt3A_182 : i1 to i32
      %cond3A_184 = arith.constant 0 : i32
      %cond3A_185 = arith.cmpi ne, %convert_element_type3A_183, %cond3A_184 : i32
      scf.if %cond3A_185 {
        %dma_wait3A = arith.constant 0 : i32
        %dma_wait3A_277 = tpu.memref_slice %arg4[%dma_wait3A] : memref<160000xi32, #tpu.memory_space<hbm>> -> memref<256xi32, #tpu.memory_space<hbm>>
        %dma_wait3A_278 = arith.constant 0 : i32
        %dma_wait3A_279 = tpu.memref_slice %arg4[%dma_wait3A_278] : memref<160000xi32, #tpu.memory_space<hbm>> -> memref<256xi32, #tpu.memory_space<hbm>>
        tpu.wait_dma2 semaphore(%arg16 : memref<!tpu.dma_semaphore, #tpu.memory_space<semaphore_mem>>) src(%dma_wait3A_279 : memref<256xi32, #tpu.memory_space<hbm>>) dst(%arg8 : memref<256xi32, #tpu.memory_space<vmem>>)
        %lt3A_280 = arith.constant 625 : i32
        %lt3A_281 = arith.cmpi slt, %add3A_171, %lt3A_280 : i32
        %convert_element_type3A_282 = arith.extui %lt3A_281 : i1 to i32
        %cond3A_283 = arith.constant 0 : i32
        %cond3A_284 = arith.cmpi ne, %convert_element_type3A_282, %cond3A_283 : i32
        scf.if %cond3A_284 {
          %dma_start3A = arith.constant 0 : i32
          %dma_start3A_290 = arith.constant 0 : i32
          %dma_start3A_291 = tpu.memref_slice %arg11[%dma_start3A, %dma_start3A_290] : memref<256x128xf32, #tpu.memory_space<vmem>> -> memref<128x128xf32, #tpu.memory_space<vmem>>
          %dma_start3A_292 = arith.constant 0 : i32
          %dma_start3A_293 = tpu.memref_slice %arg8[%dma_start3A_292] : memref<256xi32, #tpu.memory_space<vmem>> -> memref<128xi32, #tpu.memory_space<vmem>>
          %dma_start3A_294 = arith.constant 0 : i32
          %dma_start3A_295 = arith.constant 0 : i32
          %dma_start3A_296 = tpu.memref_slice %arg2[%dma_start3A_294, %dma_start3A_295] : memref<10000x128xf32, #tpu.memory_space<hbm>> -> memref<10000x128xf32, #tpu.memory_space<hbm>>
          tpu.enqueue_indirect_dma source(%dma_start3A_296 : memref<10000x128xf32, #tpu.memory_space<hbm>>) target(%dma_start3A_291 : memref<128x128xf32, #tpu.memory_space<vmem>>) offsets(%dma_start3A_293 : memref<128xi32, #tpu.memory_space<vmem>>) semaphore(%arg19 : memref<!tpu.dma_semaphore, #tpu.memory_space<semaphore_mem>>)
          %dma_start3A_297 = arith.constant 128 : i32
          %dma_start3A_298 = arith.constant 0 : i32
          %dma_start3A_299 = tpu.memref_slice %arg11[%dma_start3A_297, %dma_start3A_298] : memref<256x128xf32, #tpu.memory_space<vmem>> -> memref<128x128xf32, #tpu.memory_space<vmem>>
          %dma_start3A_300 = arith.constant 128 : i32
          %dma_start3A_301 = tpu.memref_slice %arg8[%dma_start3A_300] : memref<256xi32, #tpu.memory_space<vmem>> -> memref<128xi32, #tpu.memory_space<vmem>>
          %dma_start3A_302 = arith.constant 0 : i32
          %dma_start3A_303 = arith.constant 0 : i32
          %dma_start3A_304 = tpu.memref_slice %arg2[%dma_start3A_302, %dma_start3A_303] : memref<10000x128xf32, #tpu.memory_space<hbm>> -> memref<10000x128xf32, #tpu.memory_space<hbm>>
          tpu.enqueue_indirect_dma source(%dma_start3A_304 : memref<10000x128xf32, #tpu.memory_space<hbm>>) target(%dma_start3A_299 : memref<128x128xf32, #tpu.memory_space<vmem>>) offsets(%dma_start3A_301 : memref<128xi32, #tpu.memory_space<vmem>>) semaphore(%arg19 : memref<!tpu.dma_semaphore, #tpu.memory_space<semaphore_mem>>)
        } else {
        }
        %not3A_285 = arith.constant true
        %not3A_286 = arith.xori %lt3A_281, %not3A_285 : i1
        %convert_element_type3A_287 = arith.extui %not3A_286 : i1 to i32
        %cond3A_288 = arith.constant 0 : i32
        %cond3A_289 = arith.cmpi ne, %convert_element_type3A_287, %cond3A_288 : i32
        scf.if %cond3A_289 {
          %dma_start3A = arith.constant 0 : i32
          %dma_start3A_290 = arith.constant 0 : i32
          %dma_start3A_291 = tpu.memref_slice %arg11[%dma_start3A, %dma_start3A_290] : memref<256x128xf32, #tpu.memory_space<vmem>> -> memref<128x128xf32, #tpu.memory_space<vmem>>
          %dma_start3A_292 = arith.constant 0 : i32
          %dma_start3A_293 = tpu.memref_slice %arg8[%dma_start3A_292] : memref<256xi32, #tpu.memory_space<vmem>> -> memref<128xi32, #tpu.memory_space<vmem>>
          %dma_start3A_294 = arith.constant 0 : i32
          %dma_start3A_295 = arith.constant 0 : i32
          %dma_start3A_296 = tpu.memref_slice %arg3[%dma_start3A_294, %dma_start3A_295] : memref<5000x128xf32, #tpu.memory_space<hbm>> -> memref<5000x128xf32, #tpu.memory_space<hbm>>
          tpu.enqueue_indirect_dma source(%dma_start3A_296 : memref<5000x128xf32, #tpu.memory_space<hbm>>) target(%dma_start3A_291 : memref<128x128xf32, #tpu.memory_space<vmem>>) offsets(%dma_start3A_293 : memref<128xi32, #tpu.memory_space<vmem>>) semaphore(%arg19 : memref<!tpu.dma_semaphore, #tpu.memory_space<semaphore_mem>>)
          %dma_start3A_297 = arith.constant 128 : i32
          %dma_start3A_298 = arith.constant 0 : i32
          %dma_start3A_299 = tpu.memref_slice %arg11[%dma_start3A_297, %dma_start3A_298] : memref<256x128xf32, #tpu.memory_space<vmem>> -> memref<128x128xf32, #tpu.memory_space<vmem>>
          %dma_start3A_300 = arith.constant 128 : i32
          %dma_start3A_301 = tpu.memref_slice %arg8[%dma_start3A_300] : memref<256xi32, #tpu.memory_space<vmem>> -> memref<128xi32, #tpu.memory_space<vmem>>
          %dma_start3A_302 = arith.constant 0 : i32
          %dma_start3A_303 = arith.constant 0 : i32
          %dma_start3A_304 = tpu.memref_slice %arg3[%dma_start3A_302, %dma_start3A_303] : memref<5000x128xf32, #tpu.memory_space<hbm>> -> memref<5000x128xf32, #tpu.memory_space<hbm>>
          tpu.enqueue_indirect_dma source(%dma_start3A_304 : memref<5000x128xf32, #tpu.memory_space<hbm>>) target(%dma_start3A_299 : memref<128x128xf32, #tpu.memory_space<vmem>>) offsets(%dma_start3A_301 : memref<128xi32, #tpu.memory_space<vmem>>) semaphore(%arg19 : memref<!tpu.dma_semaphore, #tpu.memory_space<semaphore_mem>>)
        } else {
        }
      } else {
      }
      %add3A_186 = arith.constant 1 : i32
      %add3A_187 = arith.addi %mul3A_166, %add3A_186 : i32
      %mul3A_188 = arith.constant 32 : i32
      %mul3A_189 = arith.muli %mul3A_188, %add3A_187 : i32
      %add3A_190 = arith.addi %add3A, %mul3A_189 : i32
      %sub3A_191 = arith.constant 96 : i32
      %sub3A_192 = arith.subi %add3A_190, %sub3A_191 : i32
      %gt3A_193 = arith.constant 0 : i32
      %gt3A_194 = arith.cmpi sgt, %scan3A_164, %gt3A_193 : i32
      %lt3A_195 = arith.constant 1405 : i32
      %lt3A_196 = arith.cmpi slt, %sub3A_192, %lt3A_195 : i32
      %and3A_197 = arith.andi %gt3A_194, %lt3A_196 : i1
      %convert_element_type3A_198 = arith.extui %and3A_197 : i1 to i32
      %cond3A_199 = arith.constant 0 : i32
      %cond3A_200 = arith.cmpi ne, %convert_element_type3A_198, %cond3A_199 : i32
      scf.if %cond3A_200 {
        %dma_wait3A = arith.constant 0 : i32
        %dma_wait3A_277 = arith.constant 0 : i32
        %dma_wait3A_278 = tpu.memref_slice %arg6[%dma_wait3A, %dma_wait3A_277] : memref<160000x128xf32, #tpu.memory_space<hbm>> -> memref<256x128xf32, #tpu.memory_space<hbm>>
        %dma_wait3A_279 = arith.constant 0 : i32
        %dma_wait3A_280 = arith.constant 0 : i32
        %dma_wait3A_281 = tpu.memref_slice %arg6[%dma_wait3A_279, %dma_wait3A_280] : memref<160000x128xf32, #tpu.memory_space<hbm>> -> memref<256x128xf32, #tpu.memory_space<hbm>>
        tpu.wait_dma2 semaphore(%arg23 : memref<!tpu.dma_semaphore, #tpu.memory_space<semaphore_mem>>) src(%arg12 : memref<256x128xf32, #tpu.memory_space<vmem>>) dst(%dma_wait3A_281 : memref<256x128xf32, #tpu.memory_space<hbm>>)
      } else {
      }
      %lt3A_201 = arith.constant 1405 : i32
      %lt3A_202 = arith.cmpi slt, %add3A_190, %lt3A_201 : i32
      %convert_element_type3A_203 = arith.extui %lt3A_202 : i1 to i32
      %cond3A_204 = arith.constant 0 : i32
      %cond3A_205 = arith.cmpi ne, %convert_element_type3A_203, %cond3A_204 : i32
      scf.if %cond3A_205 {
        %dma_wait3A = arith.constant 0 : i32
        %dma_wait3A_277 = tpu.memref_slice %arg4[%dma_wait3A] : memref<160000xi32, #tpu.memory_space<hbm>> -> memref<256xi32, #tpu.memory_space<hbm>>
        %dma_wait3A_278 = arith.constant 0 : i32
        %dma_wait3A_279 = tpu.memref_slice %arg4[%dma_wait3A_278] : memref<160000xi32, #tpu.memory_space<hbm>> -> memref<256xi32, #tpu.memory_space<hbm>>
        tpu.wait_dma2 semaphore(%arg17 : memref<!tpu.dma_semaphore, #tpu.memory_space<semaphore_mem>>) src(%dma_wait3A_279 : memref<256xi32, #tpu.memory_space<hbm>>) dst(%arg9 : memref<256xi32, #tpu.memory_space<vmem>>)
        %lt3A_280 = arith.constant 625 : i32
        %lt3A_281 = arith.cmpi slt, %add3A_190, %lt3A_280 : i32
        %convert_element_type3A_282 = arith.extui %lt3A_281 : i1 to i32
        %cond3A_283 = arith.constant 0 : i32
        %cond3A_284 = arith.cmpi ne, %convert_element_type3A_282, %cond3A_283 : i32
        scf.if %cond3A_284 {
          %dma_start3A = arith.constant 0 : i32
          %dma_start3A_290 = arith.constant 0 : i32
          %dma_start3A_291 = tpu.memref_slice %arg12[%dma_start3A, %dma_start3A_290] : memref<256x128xf32, #tpu.memory_space<vmem>> -> memref<128x128xf32, #tpu.memory_space<vmem>>
          %dma_start3A_292 = arith.constant 0 : i32
          %dma_start3A_293 = tpu.memref_slice %arg9[%dma_start3A_292] : memref<256xi32, #tpu.memory_space<vmem>> -> memref<128xi32, #tpu.memory_space<vmem>>
          %dma_start3A_294 = arith.constant 0 : i32
          %dma_start3A_295 = arith.constant 0 : i32
          %dma_start3A_296 = tpu.memref_slice %arg2[%dma_start3A_294, %dma_start3A_295] : memref<10000x128xf32, #tpu.memory_space<hbm>> -> memref<10000x128xf32, #tpu.memory_space<hbm>>
          tpu.enqueue_indirect_dma source(%dma_start3A_296 : memref<10000x128xf32, #tpu.memory_space<hbm>>) target(%dma_start3A_291 : memref<128x128xf32, #tpu.memory_space<vmem>>) offsets(%dma_start3A_293 : memref<128xi32, #tpu.memory_space<vmem>>) semaphore(%arg20 : memref<!tpu.dma_semaphore, #tpu.memory_space<semaphore_mem>>)
          %dma_start3A_297 = arith.constant 128 : i32
          %dma_start3A_298 = arith.constant 0 : i32
          %dma_start3A_299 = tpu.memref_slice %arg12[%dma_start3A_297, %dma_start3A_298] : memref<256x128xf32, #tpu.memory_space<vmem>> -> memref<128x128xf32, #tpu.memory_space<vmem>>
          %dma_start3A_300 = arith.constant 128 : i32
          %dma_start3A_301 = tpu.memref_slice %arg9[%dma_start3A_300] : memref<256xi32, #tpu.memory_space<vmem>> -> memref<128xi32, #tpu.memory_space<vmem>>
          %dma_start3A_302 = arith.constant 0 : i32
          %dma_start3A_303 = arith.constant 0 : i32
          %dma_start3A_304 = tpu.memref_slice %arg2[%dma_start3A_302, %dma_start3A_303] : memref<10000x128xf32, #tpu.memory_space<hbm>> -> memref<10000x128xf32, #tpu.memory_space<hbm>>
          tpu.enqueue_indirect_dma source(%dma_start3A_304 : memref<10000x128xf32, #tpu.memory_space<hbm>>) target(%dma_start3A_299 : memref<128x128xf32, #tpu.memory_space<vmem>>) offsets(%dma_start3A_301 : memref<128xi32, #tpu.memory_space<vmem>>) semaphore(%arg20 : memref<!tpu.dma_semaphore, #tpu.memory_space<semaphore_mem>>)
        } else {
        }
        %not3A_285 = arith.constant true
        %not3A_286 = arith.xori %lt3A_281, %not3A_285 : i1
        %convert_element_type3A_287 = arith.extui %not3A_286 : i1 to i32
        %cond3A_288 = arith.constant 0 : i32
        %cond3A_289 = arith.cmpi ne, %convert_element_type3A_287, %cond3A_288 : i32
        scf.if %cond3A_289 {
          %dma_start3A = arith.constant 0 : i32
          %dma_start3A_290 = arith.constant 0 : i32
          %dma_start3A_291 = tpu.memref_slice %arg12[%dma_start3A, %dma_start3A_290] : memref<256x128xf32, #tpu.memory_space<vmem>> -> memref<128x128xf32, #tpu.memory_space<vmem>>
          %dma_start3A_292 = arith.constant 0 : i32
          %dma_start3A_293 = tpu.memref_slice %arg9[%dma_start3A_292] : memref<256xi32, #tpu.memory_space<vmem>> -> memref<128xi32, #tpu.memory_space<vmem>>
          %dma_start3A_294 = arith.constant 0 : i32
          %dma_start3A_295 = arith.constant 0 : i32
          %dma_start3A_296 = tpu.memref_slice %arg3[%dma_start3A_294, %dma_start3A_295] : memref<5000x128xf32, #tpu.memory_space<hbm>> -> memref<5000x128xf32, #tpu.memory_space<hbm>>
          tpu.enqueue_indirect_dma source(%dma_start3A_296 : memref<5000x128xf32, #tpu.memory_space<hbm>>) target(%dma_start3A_291 : memref<128x128xf32, #tpu.memory_space<vmem>>) offsets(%dma_start3A_293 : memref<128xi32, #tpu.memory_space<vmem>>) semaphore(%arg20 : memref<!tpu.dma_semaphore, #tpu.memory_space<semaphore_mem>>)
          %dma_start3A_297 = arith.constant 128 : i32
          %dma_start3A_298 = arith.constant 0 : i32
          %dma_start3A_299 = tpu.memref_slice %arg12[%dma_start3A_297, %dma_start3A_298] : memref<256x128xf32, #tpu.memory_space<vmem>> -> memref<128x128xf32, #tpu.memory_space<vmem>>
          %dma_start3A_300 = arith.constant 128 : i32
          %dma_start3A_301 = tpu.memref_slice %arg9[%dma_start3A_300] : memref<256xi32, #tpu.memory_space<vmem>> -> memref<128xi32, #tpu.memory_space<vmem>>
          %dma_start3A_302 = arith.constant 0 : i32
          %dma_start3A_303 = arith.constant 0 : i32
          %dma_start3A_304 = tpu.memref_slice %arg3[%dma_start3A_302, %dma_start3A_303] : memref<5000x128xf32, #tpu.memory_space<hbm>> -> memref<5000x128xf32, #tpu.memory_space<hbm>>
          tpu.enqueue_indirect_dma source(%dma_start3A_304 : memref<5000x128xf32, #tpu.memory_space<hbm>>) target(%dma_start3A_299 : memref<128x128xf32, #tpu.memory_space<vmem>>) offsets(%dma_start3A_301 : memref<128xi32, #tpu.memory_space<vmem>>) semaphore(%arg20 : memref<!tpu.dma_semaphore, #tpu.memory_space<semaphore_mem>>)
        } else {
        }
      } else {
      }
      %add3A_206 = arith.constant 2 : i32
      %add3A_207 = arith.addi %mul3A_166, %add3A_206 : i32
      %mul3A_208 = arith.constant 32 : i32
      %mul3A_209 = arith.muli %mul3A_208, %add3A_207 : i32
      %add3A_210 = arith.addi %add3A, %mul3A_209 : i32
      %sub3A_211 = arith.constant 96 : i32
      %sub3A_212 = arith.subi %add3A_210, %sub3A_211 : i32
      %gt3A_213 = arith.constant 0 : i32
      %gt3A_214 = arith.cmpi sgt, %scan3A_164, %gt3A_213 : i32
      %lt3A_215 = arith.constant 1405 : i32
      %lt3A_216 = arith.cmpi slt, %sub3A_212, %lt3A_215 : i32
      %and3A_217 = arith.andi %gt3A_214, %lt3A_216 : i1
      %convert_element_type3A_218 = arith.extui %and3A_217 : i1 to i32
      %cond3A_219 = arith.constant 0 : i32
      %cond3A_220 = arith.cmpi ne, %convert_element_type3A_218, %cond3A_219 : i32
      scf.if %cond3A_220 {
        %dma_wait3A = arith.constant 0 : i32
        %dma_wait3A_277 = arith.constant 0 : i32
        %dma_wait3A_278 = tpu.memref_slice %arg6[%dma_wait3A, %dma_wait3A_277] : memref<160000x128xf32, #tpu.memory_space<hbm>> -> memref<256x128xf32, #tpu.memory_space<hbm>>
        %dma_wait3A_279 = arith.constant 0 : i32
        %dma_wait3A_280 = arith.constant 0 : i32
        %dma_wait3A_281 = tpu.memref_slice %arg6[%dma_wait3A_279, %dma_wait3A_280] : memref<160000x128xf32, #tpu.memory_space<hbm>> -> memref<256x128xf32, #tpu.memory_space<hbm>>
        tpu.wait_dma2 semaphore(%arg24 : memref<!tpu.dma_semaphore, #tpu.memory_space<semaphore_mem>>) src(%arg13 : memref<256x128xf32, #tpu.memory_space<vmem>>) dst(%dma_wait3A_281 : memref<256x128xf32, #tpu.memory_space<hbm>>)
      } else {
      }
      %lt3A_221 = arith.constant 1405 : i32
      %lt3A_222 = arith.cmpi slt, %add3A_210, %lt3A_221 : i32
      %convert_element_type3A_223 = arith.extui %lt3A_222 : i1 to i32
      %cond3A_224 = arith.constant 0 : i32
      %cond3A_225 = arith.cmpi ne, %convert_element_type3A_223, %cond3A_224 : i32
      scf.if %cond3A_225 {
        %dma_wait3A = arith.constant 0 : i32
        %dma_wait3A_277 = tpu.memref_slice %arg4[%dma_wait3A] : memref<160000xi32, #tpu.memory_space<hbm>> -> memref<256xi32, #tpu.memory_space<hbm>>
        %dma_wait3A_278 = arith.constant 0 : i32
        %dma_wait3A_279 = tpu.memref_slice %arg4[%dma_wait3A_278] : memref<160000xi32, #tpu.memory_space<hbm>> -> memref<256xi32, #tpu.memory_space<hbm>>
        tpu.wait_dma2 semaphore(%arg18 : memref<!tpu.dma_semaphore, #tpu.memory_space<semaphore_mem>>) src(%dma_wait3A_279 : memref<256xi32, #tpu.memory_space<hbm>>) dst(%arg10 : memref<256xi32, #tpu.memory_space<vmem>>)
        %lt3A_280 = arith.constant 625 : i32
        %lt3A_281 = arith.cmpi slt, %add3A_210, %lt3A_280 : i32
        %convert_element_type3A_282 = arith.extui %lt3A_281 : i1 to i32
        %cond3A_283 = arith.constant 0 : i32
        %cond3A_284 = arith.cmpi ne, %convert_element_type3A_282, %cond3A_283 : i32
        scf.if %cond3A_284 {
          %dma_start3A = arith.constant 0 : i32
          %dma_start3A_290 = arith.constant 0 : i32
          %dma_start3A_291 = tpu.memref_slice %arg13[%dma_start3A, %dma_start3A_290] : memref<256x128xf32, #tpu.memory_space<vmem>> -> memref<128x128xf32, #tpu.memory_space<vmem>>
          %dma_start3A_292 = arith.constant 0 : i32
          %dma_start3A_293 = tpu.memref_slice %arg10[%dma_start3A_292] : memref<256xi32, #tpu.memory_space<vmem>> -> memref<128xi32, #tpu.memory_space<vmem>>
          %dma_start3A_294 = arith.constant 0 : i32
          %dma_start3A_295 = arith.constant 0 : i32
          %dma_start3A_296 = tpu.memref_slice %arg2[%dma_start3A_294, %dma_start3A_295] : memref<10000x128xf32, #tpu.memory_space<hbm>> -> memref<10000x128xf32, #tpu.memory_space<hbm>>
          tpu.enqueue_indirect_dma source(%dma_start3A_296 : memref<10000x128xf32, #tpu.memory_space<hbm>>) target(%dma_start3A_291 : memref<128x128xf32, #tpu.memory_space<vmem>>) offsets(%dma_start3A_293 : memref<128xi32, #tpu.memory_space<vmem>>) semaphore(%arg21 : memref<!tpu.dma_semaphore, #tpu.memory_space<semaphore_mem>>)
          %dma_start3A_297 = arith.constant 128 : i32
          %dma_start3A_298 = arith.constant 0 : i32
          %dma_start3A_299 = tpu.memref_slice %arg13[%dma_start3A_297, %dma_start3A_298] : memref<256x128xf32, #tpu.memory_space<vmem>> -> memref<128x128xf32, #tpu.memory_space<vmem>>
          %dma_start3A_300 = arith.constant 128 : i32
          %dma_start3A_301 = tpu.memref_slice %arg10[%dma_start3A_300] : memref<256xi32, #tpu.memory_space<vmem>> -> memref<128xi32, #tpu.memory_space<vmem>>
          %dma_start3A_302 = arith.constant 0 : i32
          %dma_start3A_303 = arith.constant 0 : i32
          %dma_start3A_304 = tpu.memref_slice %arg2[%dma_start3A_302, %dma_start3A_303] : memref<10000x128xf32, #tpu.memory_space<hbm>> -> memref<10000x128xf32, #tpu.memory_space<hbm>>
          tpu.enqueue_indirect_dma source(%dma_start3A_304 : memref<10000x128xf32, #tpu.memory_space<hbm>>) target(%dma_start3A_299 : memref<128x128xf32, #tpu.memory_space<vmem>>) offsets(%dma_start3A_301 : memref<128xi32, #tpu.memory_space<vmem>>) semaphore(%arg21 : memref<!tpu.dma_semaphore, #tpu.memory_space<semaphore_mem>>)
        } else {
        }
        %not3A_285 = arith.constant true
        %not3A_286 = arith.xori %lt3A_281, %not3A_285 : i1
        %convert_element_type3A_287 = arith.extui %not3A_286 : i1 to i32
        %cond3A_288 = arith.constant 0 : i32
        %cond3A_289 = arith.cmpi ne, %convert_element_type3A_287, %cond3A_288 : i32
        scf.if %cond3A_289 {
          %dma_start3A = arith.constant 0 : i32
          %dma_start3A_290 = arith.constant 0 : i32
          %dma_start3A_291 = tpu.memref_slice %arg13[%dma_start3A, %dma_start3A_290] : memref<256x128xf32, #tpu.memory_space<vmem>> -> memref<128x128xf32, #tpu.memory_space<vmem>>
          %dma_start3A_292 = arith.constant 0 : i32
          %dma_start3A_293 = tpu.memref_slice %arg10[%dma_start3A_292] : memref<256xi32, #tpu.memory_space<vmem>> -> memref<128xi32, #tpu.memory_space<vmem>>
          %dma_start3A_294 = arith.constant 0 : i32
          %dma_start3A_295 = arith.constant 0 : i32
          %dma_start3A_296 = tpu.memref_slice %arg3[%dma_start3A_294, %dma_start3A_295] : memref<5000x128xf32, #tpu.memory_space<hbm>> -> memref<5000x128xf32, #tpu.memory_space<hbm>>
          tpu.enqueue_indirect_dma source(%dma_start3A_296 : memref<5000x128xf32, #tpu.memory_space<hbm>>) target(%dma_start3A_291 : memref<128x128xf32, #tpu.memory_space<vmem>>) offsets(%dma_start3A_293 : memref<128xi32, #tpu.memory_space<vmem>>) semaphore(%arg21 : memref<!tpu.dma_semaphore, #tpu.memory_space<semaphore_mem>>)
          %dma_start3A_297 = arith.constant 128 : i32
          %dma_start3A_298 = arith.constant 0 : i32
          %dma_start3A_299 = tpu.memref_slice %arg13[%dma_start3A_297, %dma_start3A_298] : memref<256x128xf32, #tpu.memory_space<vmem>> -> memref<128x128xf32, #tpu.memory_space<vmem>>
          %dma_start3A_300 = arith.constant 128 : i32
          %dma_start3A_301 = tpu.memref_slice %arg10[%dma_start3A_300] : memref<256xi32, #tpu.memory_space<vmem>> -> memref<128xi32, #tpu.memory_space<vmem>>
          %dma_start3A_302 = arith.constant 0 : i32
          %dma_start3A_303 = arith.constant 0 : i32
          %dma_start3A_304 = tpu.memref_slice %arg3[%dma_start3A_302, %dma_start3A_303] : memref<5000x128xf32, #tpu.memory_space<hbm>> -> memref<5000x128xf32, #tpu.memory_space<hbm>>
          tpu.enqueue_indirect_dma source(%dma_start3A_304 : memref<5000x128xf32, #tpu.memory_space<hbm>>) target(%dma_start3A_299 : memref<128x128xf32, #tpu.memory_space<vmem>>) offsets(%dma_start3A_301 : memref<128xi32, #tpu.memory_space<vmem>>) semaphore(%arg21 : memref<!tpu.dma_semaphore, #tpu.memory_space<semaphore_mem>>)
        } else {
        }
      } else {
      }
      %add3A_226 = arith.constant 0 : i32
      %add3A_227 = arith.addi %mul3A_166, %add3A_226 : i32
      %mul3A_228 = arith.constant 32 : i32
      %mul3A_229 = arith.muli %mul3A_228, %add3A_227 : i32
      %add3A_230 = arith.addi %add3A, %mul3A_229 : i32
      %add3A_231 = arith.constant 96 : i32
      %add3A_232 = arith.addi %add3A_230, %add3A_231 : i32
      %lt3A_233 = arith.constant 1405 : i32
      %lt3A_234 = arith.cmpi slt, %add3A_230, %lt3A_233 : i32
      %convert_element_type3A_235 = arith.extui %lt3A_234 : i1 to i32
      %cond3A_236 = arith.constant 0 : i32
      %cond3A_237 = arith.cmpi ne, %convert_element_type3A_235, %cond3A_236 : i32
      scf.if %cond3A_237 {
        %dma_wait3A = arith.constant 0 : i32
        %dma_wait3A_277 = arith.constant 0 : i32
        %dma_wait3A_278 = tpu.memref_slice %arg11[%dma_wait3A, %dma_wait3A_277] : memref<256x128xf32, #tpu.memory_space<vmem>> -> memref<128x128xf32, #tpu.memory_space<vmem>>
        %dma_wait3A_279 = arith.constant 0 : i32
        %dma_wait3A_280 = tpu.memref_slice %arg8[%dma_wait3A_279] : memref<256xi32, #tpu.memory_space<vmem>> -> memref<128xi32, #tpu.memory_space<vmem>>
        %dma_wait3A_281 = arith.constant 0 : i32
        %dma_wait3A_282 = arith.constant 0 : i32
        %dma_wait3A_283 = tpu.memref_slice %arg2[%dma_wait3A_281, %dma_wait3A_282] : memref<10000x128xf32, #tpu.memory_space<hbm>> -> memref<10000x128xf32, #tpu.memory_space<hbm>>
        tpu.wait_indirect_dma semaphore(%arg19 : memref<!tpu.dma_semaphore, #tpu.memory_space<semaphore_mem>>) src(%dma_wait3A_283 : memref<10000x128xf32, #tpu.memory_space<hbm>>) dst(%dma_wait3A_278 : memref<128x128xf32, #tpu.memory_space<vmem>>)
        %dma_wait3A_284 = arith.constant 128 : i32
        %dma_wait3A_285 = arith.constant 0 : i32
        %dma_wait3A_286 = tpu.memref_slice %arg11[%dma_wait3A_284, %dma_wait3A_285] : memref<256x128xf32, #tpu.memory_space<vmem>> -> memref<128x128xf32, #tpu.memory_space<vmem>>
        %dma_wait3A_287 = arith.constant 128 : i32
        %dma_wait3A_288 = tpu.memref_slice %arg8[%dma_wait3A_287] : memref<256xi32, #tpu.memory_space<vmem>> -> memref<128xi32, #tpu.memory_space<vmem>>
        %dma_wait3A_289 = arith.constant 0 : i32
        %dma_wait3A_290 = arith.constant 0 : i32
        %dma_wait3A_291 = tpu.memref_slice %arg2[%dma_wait3A_289, %dma_wait3A_290] : memref<10000x128xf32, #tpu.memory_space<hbm>> -> memref<10000x128xf32, #tpu.memory_space<hbm>>
        tpu.wait_indirect_dma semaphore(%arg19 : memref<!tpu.dma_semaphore, #tpu.memory_space<semaphore_mem>>) src(%dma_wait3A_291 : memref<10000x128xf32, #tpu.memory_space<hbm>>) dst(%dma_wait3A_286 : memref<128x128xf32, #tpu.memory_space<vmem>>)
        %sub3A_292 = arith.constant 625 : i32
        %sub3A_293 = arith.subi %add3A_230, %sub3A_292 : i32
        %jit3A_294 = arith.constant 39 : i32
        %div3A_295 = arith.divsi %sub3A_293, %jit3A_294 : i32
        %sign3A_296 = arith.constant 0 : i32
        %sign3A_297 = arith.cmpi sgt, %sub3A_293, %sign3A_296 : i32
        %sign3A_298 = arith.extui %sign3A_297 : i1 to i32
        %sign3A_299 = arith.constant 0 : i32
        %sign3A_300 = arith.cmpi slt, %sub3A_293, %sign3A_299 : i32
        %sign3A_301 = arith.extui %sign3A_300 : i1 to i32
        %sign3A_302 = arith.subi %sign3A_298, %sign3A_301 : i32
        %sign3A_303 = arith.constant 0 : i32
        %sign3A_304 = arith.cmpi sgt, %jit3A_294, %sign3A_303 : i32
        %sign3A_305 = arith.extui %sign3A_304 : i1 to i32
        %sign3A_306 = arith.constant 0 : i32
        %sign3A_307 = arith.cmpi slt, %jit3A_294, %sign3A_306 : i32
        %sign3A_308 = arith.extui %sign3A_307 : i1 to i32
        %sign3A_309 = arith.subi %sign3A_305, %sign3A_308 : i32
        %ne3A_310 = arith.cmpi ne, %sign3A_302, %sign3A_309 : i32
        %rem3A_311 = arith.remsi %sub3A_293, %jit3A_294 : i32
        %ne3A_312 = arith.constant 0 : i32
        %ne3A_313 = arith.cmpi ne, %rem3A_311, %ne3A_312 : i32
        %and3A_314 = arith.andi %ne3A_310, %ne3A_313 : i1
        %sub3A_315 = arith.constant 1 : i32
        %sub3A_316 = arith.subi %div3A_295, %sub3A_315 : i32
        %select_n3A_317 = arith.select %and3A_314, %sub3A_316, %div3A_295 : i32
        %mul3A_318 = arith.constant 39 : i32
        %mul3A_319 = arith.muli %select_n3A_317, %mul3A_318 : i32
        %sub3A_320 = arith.subi %sub3A_293, %mul3A_319 : i32
        %lt3A_321 = arith.constant 625 : i32
        %lt3A_322 = arith.cmpi slt, %add3A_230, %lt3A_321 : i32
        %mul3A_323 = arith.constant 256 : i32
        %mul3A_324 = arith.muli %add3A_230, %mul3A_323 : i32
        %mul3A_325 = arith.constant 10000 : i32
        %mul3A_326 = arith.muli %select_n3A_317, %mul3A_325 : i32
        %mul3A_327 = arith.constant 256 : i32
        %mul3A_328 = arith.muli %sub3A_320, %mul3A_327 : i32
        %add3A_329 = arith.addi %mul3A_326, %mul3A_328 : i32
        %convert_element_type3A_330 = arith.extui %lt3A_322 : i1 to i32
        %cond3A_331 = arith.constant 0 : i32
        %cond3A_332 = arith.cmpi ne, %convert_element_type3A_330, %cond3A_331 : i32
        scf.if %cond3A_332 {
          %multiple_of3A = tpu.assume_multiple %mul3A_324, 256 : i32
          %dma_start3A = arith.constant 0 : i32
          %dma_start3A_338 = tpu.memref_slice %arg6[%multiple_of3A, %dma_start3A] : memref<160000x128xf32, #tpu.memory_space<hbm>> -> memref<256x128xf32, #tpu.memory_space<hbm>>
          %dma_start3A_339 = arith.constant 0 : i32
          %dma_start3A_340 = tpu.memref_slice %arg6[%multiple_of3A, %dma_start3A_339] : memref<160000x128xf32, #tpu.memory_space<hbm>> -> memref<256x128xf32, #tpu.memory_space<hbm>>
          tpu.enqueue_dma source(%arg11 : memref<256x128xf32, #tpu.memory_space<vmem>>) target(%dma_start3A_340 : memref<256x128xf32, #tpu.memory_space<hbm>>) target_semaphore(%arg22 : memref<!tpu.dma_semaphore, #tpu.memory_space<semaphore_mem>>)
        } else {
        }
        %not3A_333 = arith.constant true
        %not3A_334 = arith.xori %lt3A_322, %not3A_333 : i1
        %convert_element_type3A_335 = arith.extui %not3A_334 : i1 to i32
        %cond3A_336 = arith.constant 0 : i32
        %cond3A_337 = arith.cmpi ne, %convert_element_type3A_335, %cond3A_336 : i32
        scf.if %cond3A_337 {
          %multiple_of3A = tpu.assume_multiple %add3A_329, 16 : i32
          %dma_start3A = arith.constant 0 : i32
          %dma_start3A_338 = tpu.memref_slice %arg7[%multiple_of3A, %dma_start3A] : memref<200000x128xf32, #tpu.memory_space<hbm>> -> memref<256x128xf32, #tpu.memory_space<hbm>>
          %dma_start3A_339 = arith.constant 0 : i32
          %dma_start3A_340 = tpu.memref_slice %arg7[%multiple_of3A, %dma_start3A_339] : memref<200000x128xf32, #tpu.memory_space<hbm>> -> memref<256x128xf32, #tpu.memory_space<hbm>>
          tpu.enqueue_dma source(%arg11 : memref<256x128xf32, #tpu.memory_space<vmem>>) target(%dma_start3A_340 : memref<256x128xf32, #tpu.memory_space<hbm>>) target_semaphore(%arg22 : memref<!tpu.dma_semaphore, #tpu.memory_space<semaphore_mem>>)
        } else {
        }
      } else {
      }
      %lt3A_238 = arith.constant 1405 : i32
      %lt3A_239 = arith.cmpi slt, %add3A_232, %lt3A_238 : i32
      %convert_element_type3A_240 = arith.extui %lt3A_239 : i1 to i32
      %cond3A_241 = arith.constant 0 : i32
      %cond3A_242 = arith.cmpi ne, %convert_element_type3A_240, %cond3A_241 : i32
      scf.if %cond3A_242 {
        %sub3A_277 = arith.constant 625 : i32
        %sub3A_278 = arith.subi %add3A_232, %sub3A_277 : i32
        %jit3A_279 = arith.constant 39 : i32
        %div3A_280 = arith.divsi %sub3A_278, %jit3A_279 : i32
        %sign3A_281 = arith.constant 0 : i32
        %sign3A_282 = arith.cmpi sgt, %sub3A_278, %sign3A_281 : i32
        %sign3A_283 = arith.extui %sign3A_282 : i1 to i32
        %sign3A_284 = arith.constant 0 : i32
        %sign3A_285 = arith.cmpi slt, %sub3A_278, %sign3A_284 : i32
        %sign3A_286 = arith.extui %sign3A_285 : i1 to i32
        %sign3A_287 = arith.subi %sign3A_283, %sign3A_286 : i32
        %sign3A_288 = arith.constant 0 : i32
        %sign3A_289 = arith.cmpi sgt, %jit3A_279, %sign3A_288 : i32
        %sign3A_290 = arith.extui %sign3A_289 : i1 to i32
        %sign3A_291 = arith.constant 0 : i32
        %sign3A_292 = arith.cmpi slt, %jit3A_279, %sign3A_291 : i32
        %sign3A_293 = arith.extui %sign3A_292 : i1 to i32
        %sign3A_294 = arith.subi %sign3A_290, %sign3A_293 : i32
        %ne3A_295 = arith.cmpi ne, %sign3A_287, %sign3A_294 : i32
        %rem3A_296 = arith.remsi %sub3A_278, %jit3A_279 : i32
        %ne3A_297 = arith.constant 0 : i32
        %ne3A_298 = arith.cmpi ne, %rem3A_296, %ne3A_297 : i32
        %and3A_299 = arith.andi %ne3A_295, %ne3A_298 : i1
        %sub3A_300 = arith.constant 1 : i32
        %sub3A_301 = arith.subi %div3A_280, %sub3A_300 : i32
        %select_n3A_302 = arith.select %and3A_299, %sub3A_301, %div3A_280 : i32
        %mul3A_303 = arith.constant 39 : i32
        %mul3A_304 = arith.muli %select_n3A_302, %mul3A_303 : i32
        %sub3A_305 = arith.subi %sub3A_278, %mul3A_304 : i32
        %lt3A_306 = arith.constant 625 : i32
        %lt3A_307 = arith.cmpi slt, %add3A_232, %lt3A_306 : i32
        %mul3A_308 = arith.constant 256 : i32
        %mul3A_309 = arith.muli %add3A_232, %mul3A_308 : i32
        %mul3A_310 = arith.constant 10000 : i32
        %mul3A_311 = arith.muli %select_n3A_302, %mul3A_310 : i32
        %mul3A_312 = arith.constant 256 : i32
        %mul3A_313 = arith.muli %sub3A_305, %mul3A_312 : i32
        %add3A_314 = arith.addi %mul3A_311, %mul3A_313 : i32
        %convert_element_type3A_315 = arith.extui %lt3A_307 : i1 to i32
        %cond3A_316 = arith.constant 0 : i32
        %cond3A_317 = arith.cmpi ne, %convert_element_type3A_315, %cond3A_316 : i32
        scf.if %cond3A_317 {
          %multiple_of3A = tpu.assume_multiple %mul3A_309, 256 : i32
          %dma_start3A = tpu.memref_slice %arg4[%multiple_of3A] : memref<160000xi32, #tpu.memory_space<hbm>> -> memref<256xi32, #tpu.memory_space<hbm>>
          %dma_start3A_323 = tpu.memref_slice %arg4[%multiple_of3A] : memref<160000xi32, #tpu.memory_space<hbm>> -> memref<256xi32, #tpu.memory_space<hbm>>
          tpu.enqueue_dma source(%dma_start3A_323 : memref<256xi32, #tpu.memory_space<hbm>>) target(%arg8 : memref<256xi32, #tpu.memory_space<vmem>>) target_semaphore(%arg16 : memref<!tpu.dma_semaphore, #tpu.memory_space<semaphore_mem>>)
        } else {
        }
        %not3A_318 = arith.constant true
        %not3A_319 = arith.xori %lt3A_307, %not3A_318 : i1
        %convert_element_type3A_320 = arith.extui %not3A_319 : i1 to i32
        %cond3A_321 = arith.constant 0 : i32
        %cond3A_322 = arith.cmpi ne, %convert_element_type3A_320, %cond3A_321 : i32
        scf.if %cond3A_322 {
          %multiple_of3A = tpu.assume_multiple %add3A_314, 16 : i32
          %dma_start3A = tpu.memref_slice %arg5[%multiple_of3A] : memref<200000xi32, #tpu.memory_space<hbm>> -> memref<256xi32, #tpu.memory_space<hbm>>
          %dma_start3A_323 = tpu.memref_slice %arg5[%multiple_of3A] : memref<200000xi32, #tpu.memory_space<hbm>> -> memref<256xi32, #tpu.memory_space<hbm>>
          tpu.enqueue_dma source(%dma_start3A_323 : memref<256xi32, #tpu.memory_space<hbm>>) target(%arg8 : memref<256xi32, #tpu.memory_space<vmem>>) target_semaphore(%arg16 : memref<!tpu.dma_semaphore, #tpu.memory_space<semaphore_mem>>)
        } else {
        }
      } else {
      }
      %add3A_243 = arith.constant 1 : i32
      %add3A_244 = arith.addi %mul3A_166, %add3A_243 : i32
      %mul3A_245 = arith.constant 32 : i32
      %mul3A_246 = arith.muli %mul3A_245, %add3A_244 : i32
      %add3A_247 = arith.addi %add3A, %mul3A_246 : i32
      %add3A_248 = arith.constant 96 : i32
      %add3A_249 = arith.addi %add3A_247, %add3A_248 : i32
      %lt3A_250 = arith.constant 1405 : i32
      %lt3A_251 = arith.cmpi slt, %add3A_247, %lt3A_250 : i32
      %convert_element_type3A_252 = arith.extui %lt3A_251 : i1 to i32
      %cond3A_253 = arith.constant 0 : i32
      %cond3A_254 = arith.cmpi ne, %convert_element_type3A_252, %cond3A_253 : i32
      scf.if %cond3A_254 {
        %dma_wait3A = arith.constant 0 : i32
        %dma_wait3A_277 = arith.constant 0 : i32
        %dma_wait3A_278 = tpu.memref_slice %arg12[%dma_wait3A, %dma_wait3A_277] : memref<256x128xf32, #tpu.memory_space<vmem>> -> memref<128x128xf32, #tpu.memory_space<vmem>>
        %dma_wait3A_279 = arith.constant 0 : i32
        %dma_wait3A_280 = tpu.memref_slice %arg9[%dma_wait3A_279] : memref<256xi32, #tpu.memory_space<vmem>> -> memref<128xi32, #tpu.memory_space<vmem>>
        %dma_wait3A_281 = arith.constant 0 : i32
        %dma_wait3A_282 = arith.constant 0 : i32
        %dma_wait3A_283 = tpu.memref_slice %arg2[%dma_wait3A_281, %dma_wait3A_282] : memref<10000x128xf32, #tpu.memory_space<hbm>> -> memref<10000x128xf32, #tpu.memory_space<hbm>>
        tpu.wait_indirect_dma semaphore(%arg20 : memref<!tpu.dma_semaphore, #tpu.memory_space<semaphore_mem>>) src(%dma_wait3A_283 : memref<10000x128xf32, #tpu.memory_space<hbm>>) dst(%dma_wait3A_278 : memref<128x128xf32, #tpu.memory_space<vmem>>)
        %dma_wait3A_284 = arith.constant 128 : i32
        %dma_wait3A_285 = arith.constant 0 : i32
        %dma_wait3A_286 = tpu.memref_slice %arg12[%dma_wait3A_284, %dma_wait3A_285] : memref<256x128xf32, #tpu.memory_space<vmem>> -> memref<128x128xf32, #tpu.memory_space<vmem>>
        %dma_wait3A_287 = arith.constant 128 : i32
        %dma_wait3A_288 = tpu.memref_slice %arg9[%dma_wait3A_287] : memref<256xi32, #tpu.memory_space<vmem>> -> memref<128xi32, #tpu.memory_space<vmem>>
        %dma_wait3A_289 = arith.constant 0 : i32
        %dma_wait3A_290 = arith.constant 0 : i32
        %dma_wait3A_291 = tpu.memref_slice %arg2[%dma_wait3A_289, %dma_wait3A_290] : memref<10000x128xf32, #tpu.memory_space<hbm>> -> memref<10000x128xf32, #tpu.memory_space<hbm>>
        tpu.wait_indirect_dma semaphore(%arg20 : memref<!tpu.dma_semaphore, #tpu.memory_space<semaphore_mem>>) src(%dma_wait3A_291 : memref<10000x128xf32, #tpu.memory_space<hbm>>) dst(%dma_wait3A_286 : memref<128x128xf32, #tpu.memory_space<vmem>>)
        %sub3A_292 = arith.constant 625 : i32
        %sub3A_293 = arith.subi %add3A_247, %sub3A_292 : i32
        %jit3A_294 = arith.constant 39 : i32
        %div3A_295 = arith.divsi %sub3A_293, %jit3A_294 : i32
        %sign3A_296 = arith.constant 0 : i32
        %sign3A_297 = arith.cmpi sgt, %sub3A_293, %sign3A_296 : i32
        %sign3A_298 = arith.extui %sign3A_297 : i1 to i32
        %sign3A_299 = arith.constant 0 : i32
        %sign3A_300 = arith.cmpi slt, %sub3A_293, %sign3A_299 : i32
        %sign3A_301 = arith.extui %sign3A_300 : i1 to i32
        %sign3A_302 = arith.subi %sign3A_298, %sign3A_301 : i32
        %sign3A_303 = arith.constant 0 : i32
        %sign3A_304 = arith.cmpi sgt, %jit3A_294, %sign3A_303 : i32
        %sign3A_305 = arith.extui %sign3A_304 : i1 to i32
        %sign3A_306 = arith.constant 0 : i32
        %sign3A_307 = arith.cmpi slt, %jit3A_294, %sign3A_306 : i32
        %sign3A_308 = arith.extui %sign3A_307 : i1 to i32
        %sign3A_309 = arith.subi %sign3A_305, %sign3A_308 : i32
        %ne3A_310 = arith.cmpi ne, %sign3A_302, %sign3A_309 : i32
        %rem3A_311 = arith.remsi %sub3A_293, %jit3A_294 : i32
        %ne3A_312 = arith.constant 0 : i32
        %ne3A_313 = arith.cmpi ne, %rem3A_311, %ne3A_312 : i32
        %and3A_314 = arith.andi %ne3A_310, %ne3A_313 : i1
        %sub3A_315 = arith.constant 1 : i32
        %sub3A_316 = arith.subi %div3A_295, %sub3A_315 : i32
        %select_n3A_317 = arith.select %and3A_314, %sub3A_316, %div3A_295 : i32
        %mul3A_318 = arith.constant 39 : i32
        %mul3A_319 = arith.muli %select_n3A_317, %mul3A_318 : i32
        %sub3A_320 = arith.subi %sub3A_293, %mul3A_319 : i32
        %lt3A_321 = arith.constant 625 : i32
        %lt3A_322 = arith.cmpi slt, %add3A_247, %lt3A_321 : i32
        %mul3A_323 = arith.constant 256 : i32
        %mul3A_324 = arith.muli %add3A_247, %mul3A_323 : i32
        %mul3A_325 = arith.constant 10000 : i32
        %mul3A_326 = arith.muli %select_n3A_317, %mul3A_325 : i32
        %mul3A_327 = arith.constant 256 : i32
        %mul3A_328 = arith.muli %sub3A_320, %mul3A_327 : i32
        %add3A_329 = arith.addi %mul3A_326, %mul3A_328 : i32
        %convert_element_type3A_330 = arith.extui %lt3A_322 : i1 to i32
        %cond3A_331 = arith.constant 0 : i32
        %cond3A_332 = arith.cmpi ne, %convert_element_type3A_330, %cond3A_331 : i32
        scf.if %cond3A_332 {
          %multiple_of3A = tpu.assume_multiple %mul3A_324, 256 : i32
          %dma_start3A = arith.constant 0 : i32
          %dma_start3A_338 = tpu.memref_slice %arg6[%multiple_of3A, %dma_start3A] : memref<160000x128xf32, #tpu.memory_space<hbm>> -> memref<256x128xf32, #tpu.memory_space<hbm>>
          %dma_start3A_339 = arith.constant 0 : i32
          %dma_start3A_340 = tpu.memref_slice %arg6[%multiple_of3A, %dma_start3A_339] : memref<160000x128xf32, #tpu.memory_space<hbm>> -> memref<256x128xf32, #tpu.memory_space<hbm>>
          tpu.enqueue_dma source(%arg12 : memref<256x128xf32, #tpu.memory_space<vmem>>) target(%dma_start3A_340 : memref<256x128xf32, #tpu.memory_space<hbm>>) target_semaphore(%arg23 : memref<!tpu.dma_semaphore, #tpu.memory_space<semaphore_mem>>)
        } else {
        }
        %not3A_333 = arith.constant true
        %not3A_334 = arith.xori %lt3A_322, %not3A_333 : i1
        %convert_element_type3A_335 = arith.extui %not3A_334 : i1 to i32
        %cond3A_336 = arith.constant 0 : i32
        %cond3A_337 = arith.cmpi ne, %convert_element_type3A_335, %cond3A_336 : i32
        scf.if %cond3A_337 {
          %multiple_of3A = tpu.assume_multiple %add3A_329, 16 : i32
          %dma_start3A = arith.constant 0 : i32
          %dma_start3A_338 = tpu.memref_slice %arg7[%multiple_of3A, %dma_start3A] : memref<200000x128xf32, #tpu.memory_space<hbm>> -> memref<256x128xf32, #tpu.memory_space<hbm>>
          %dma_start3A_339 = arith.constant 0 : i32
          %dma_start3A_340 = tpu.memref_slice %arg7[%multiple_of3A, %dma_start3A_339] : memref<200000x128xf32, #tpu.memory_space<hbm>> -> memref<256x128xf32, #tpu.memory_space<hbm>>
          tpu.enqueue_dma source(%arg12 : memref<256x128xf32, #tpu.memory_space<vmem>>) target(%dma_start3A_340 : memref<256x128xf32, #tpu.memory_space<hbm>>) target_semaphore(%arg23 : memref<!tpu.dma_semaphore, #tpu.memory_space<semaphore_mem>>)
        } else {
        }
      } else {
      }
      %lt3A_255 = arith.constant 1405 : i32
      %lt3A_256 = arith.cmpi slt, %add3A_249, %lt3A_255 : i32
      %convert_element_type3A_257 = arith.extui %lt3A_256 : i1 to i32
      %cond3A_258 = arith.constant 0 : i32
      %cond3A_259 = arith.cmpi ne, %convert_element_type3A_257, %cond3A_258 : i32
      scf.if %cond3A_259 {
        %sub3A_277 = arith.constant 625 : i32
        %sub3A_278 = arith.subi %add3A_249, %sub3A_277 : i32
        %jit3A_279 = arith.constant 39 : i32
        %div3A_280 = arith.divsi %sub3A_278, %jit3A_279 : i32
        %sign3A_281 = arith.constant 0 : i32
        %sign3A_282 = arith.cmpi sgt, %sub3A_278, %sign3A_281 : i32
        %sign3A_283 = arith.extui %sign3A_282 : i1 to i32
        %sign3A_284 = arith.constant 0 : i32
        %sign3A_285 = arith.cmpi slt, %sub3A_278, %sign3A_284 : i32
        %sign3A_286 = arith.extui %sign3A_285 : i1 to i32
        %sign3A_287 = arith.subi %sign3A_283, %sign3A_286 : i32
        %sign3A_288 = arith.constant 0 : i32
        %sign3A_289 = arith.cmpi sgt, %jit3A_279, %sign3A_288 : i32
        %sign3A_290 = arith.extui %sign3A_289 : i1 to i32
        %sign3A_291 = arith.constant 0 : i32
        %sign3A_292 = arith.cmpi slt, %jit3A_279, %sign3A_291 : i32
        %sign3A_293 = arith.extui %sign3A_292 : i1 to i32
        %sign3A_294 = arith.subi %sign3A_290, %sign3A_293 : i32
        %ne3A_295 = arith.cmpi ne, %sign3A_287, %sign3A_294 : i32
        %rem3A_296 = arith.remsi %sub3A_278, %jit3A_279 : i32
        %ne3A_297 = arith.constant 0 : i32
        %ne3A_298 = arith.cmpi ne, %rem3A_296, %ne3A_297 : i32
        %and3A_299 = arith.andi %ne3A_295, %ne3A_298 : i1
        %sub3A_300 = arith.constant 1 : i32
        %sub3A_301 = arith.subi %div3A_280, %sub3A_300 : i32
        %select_n3A_302 = arith.select %and3A_299, %sub3A_301, %div3A_280 : i32
        %mul3A_303 = arith.constant 39 : i32
        %mul3A_304 = arith.muli %select_n3A_302, %mul3A_303 : i32
        %sub3A_305 = arith.subi %sub3A_278, %mul3A_304 : i32
        %lt3A_306 = arith.constant 625 : i32
        %lt3A_307 = arith.cmpi slt, %add3A_249, %lt3A_306 : i32
        %mul3A_308 = arith.constant 256 : i32
        %mul3A_309 = arith.muli %add3A_249, %mul3A_308 : i32
        %mul3A_310 = arith.constant 10000 : i32
        %mul3A_311 = arith.muli %select_n3A_302, %mul3A_310 : i32
        %mul3A_312 = arith.constant 256 : i32
        %mul3A_313 = arith.muli %sub3A_305, %mul3A_312 : i32
        %add3A_314 = arith.addi %mul3A_311, %mul3A_313 : i32
        %convert_element_type3A_315 = arith.extui %lt3A_307 : i1 to i32
        %cond3A_316 = arith.constant 0 : i32
        %cond3A_317 = arith.cmpi ne, %convert_element_type3A_315, %cond3A_316 : i32
        scf.if %cond3A_317 {
          %multiple_of3A = tpu.assume_multiple %mul3A_309, 256 : i32
          %dma_start3A = tpu.memref_slice %arg4[%multiple_of3A] : memref<160000xi32, #tpu.memory_space<hbm>> -> memref<256xi32, #tpu.memory_space<hbm>>
          %dma_start3A_323 = tpu.memref_slice %arg4[%multiple_of3A] : memref<160000xi32, #tpu.memory_space<hbm>> -> memref<256xi32, #tpu.memory_space<hbm>>
          tpu.enqueue_dma source(%dma_start3A_323 : memref<256xi32, #tpu.memory_space<hbm>>) target(%arg9 : memref<256xi32, #tpu.memory_space<vmem>>) target_semaphore(%arg17 : memref<!tpu.dma_semaphore, #tpu.memory_space<semaphore_mem>>)
        } else {
        }
        %not3A_318 = arith.constant true
        %not3A_319 = arith.xori %lt3A_307, %not3A_318 : i1
        %convert_element_type3A_320 = arith.extui %not3A_319 : i1 to i32
        %cond3A_321 = arith.constant 0 : i32
        %cond3A_322 = arith.cmpi ne, %convert_element_type3A_320, %cond3A_321 : i32
        scf.if %cond3A_322 {
          %multiple_of3A = tpu.assume_multiple %add3A_314, 16 : i32
          %dma_start3A = tpu.memref_slice %arg5[%multiple_of3A] : memref<200000xi32, #tpu.memory_space<hbm>> -> memref<256xi32, #tpu.memory_space<hbm>>
          %dma_start3A_323 = tpu.memref_slice %arg5[%multiple_of3A] : memref<200000xi32, #tpu.memory_space<hbm>> -> memref<256xi32, #tpu.memory_space<hbm>>
          tpu.enqueue_dma source(%dma_start3A_323 : memref<256xi32, #tpu.memory_space<hbm>>) target(%arg9 : memref<256xi32, #tpu.memory_space<vmem>>) target_semaphore(%arg17 : memref<!tpu.dma_semaphore, #tpu.memory_space<semaphore_mem>>)
        } else {
        }
      } else {
      }
      %add3A_260 = arith.constant 2 : i32
      %add3A_261 = arith.addi %mul3A_166, %add3A_260 : i32
      %mul3A_262 = arith.constant 32 : i32
      %mul3A_263 = arith.muli %mul3A_262, %add3A_261 : i32
      %add3A_264 = arith.addi %add3A, %mul3A_263 : i32
      %add3A_265 = arith.constant 96 : i32
      %add3A_266 = arith.addi %add3A_264, %add3A_265 : i32
      %lt3A_267 = arith.constant 1405 : i32
      %lt3A_268 = arith.cmpi slt, %add3A_264, %lt3A_267 : i32
      %convert_element_type3A_269 = arith.extui %lt3A_268 : i1 to i32
      %cond3A_270 = arith.constant 0 : i32
      %cond3A_271 = arith.cmpi ne, %convert_element_type3A_269, %cond3A_270 : i32
      scf.if %cond3A_271 {
        %dma_wait3A = arith.constant 0 : i32
        %dma_wait3A_277 = arith.constant 0 : i32
        %dma_wait3A_278 = tpu.memref_slice %arg13[%dma_wait3A, %dma_wait3A_277] : memref<256x128xf32, #tpu.memory_space<vmem>> -> memref<128x128xf32, #tpu.memory_space<vmem>>
        %dma_wait3A_279 = arith.constant 0 : i32
        %dma_wait3A_280 = tpu.memref_slice %arg10[%dma_wait3A_279] : memref<256xi32, #tpu.memory_space<vmem>> -> memref<128xi32, #tpu.memory_space<vmem>>
        %dma_wait3A_281 = arith.constant 0 : i32
        %dma_wait3A_282 = arith.constant 0 : i32
        %dma_wait3A_283 = tpu.memref_slice %arg2[%dma_wait3A_281, %dma_wait3A_282] : memref<10000x128xf32, #tpu.memory_space<hbm>> -> memref<10000x128xf32, #tpu.memory_space<hbm>>
        tpu.wait_indirect_dma semaphore(%arg21 : memref<!tpu.dma_semaphore, #tpu.memory_space<semaphore_mem>>) src(%dma_wait3A_283 : memref<10000x128xf32, #tpu.memory_space<hbm>>) dst(%dma_wait3A_278 : memref<128x128xf32, #tpu.memory_space<vmem>>)
        %dma_wait3A_284 = arith.constant 128 : i32
        %dma_wait3A_285 = arith.constant 0 : i32
        %dma_wait3A_286 = tpu.memref_slice %arg13[%dma_wait3A_284, %dma_wait3A_285] : memref<256x128xf32, #tpu.memory_space<vmem>> -> memref<128x128xf32, #tpu.memory_space<vmem>>
        %dma_wait3A_287 = arith.constant 128 : i32
        %dma_wait3A_288 = tpu.memref_slice %arg10[%dma_wait3A_287] : memref<256xi32, #tpu.memory_space<vmem>> -> memref<128xi32, #tpu.memory_space<vmem>>
        %dma_wait3A_289 = arith.constant 0 : i32
        %dma_wait3A_290 = arith.constant 0 : i32
        %dma_wait3A_291 = tpu.memref_slice %arg2[%dma_wait3A_289, %dma_wait3A_290] : memref<10000x128xf32, #tpu.memory_space<hbm>> -> memref<10000x128xf32, #tpu.memory_space<hbm>>
        tpu.wait_indirect_dma semaphore(%arg21 : memref<!tpu.dma_semaphore, #tpu.memory_space<semaphore_mem>>) src(%dma_wait3A_291 : memref<10000x128xf32, #tpu.memory_space<hbm>>) dst(%dma_wait3A_286 : memref<128x128xf32, #tpu.memory_space<vmem>>)
        %sub3A_292 = arith.constant 625 : i32
        %sub3A_293 = arith.subi %add3A_264, %sub3A_292 : i32
        %jit3A_294 = arith.constant 39 : i32
        %div3A_295 = arith.divsi %sub3A_293, %jit3A_294 : i32
        %sign3A_296 = arith.constant 0 : i32
        %sign3A_297 = arith.cmpi sgt, %sub3A_293, %sign3A_296 : i32
        %sign3A_298 = arith.extui %sign3A_297 : i1 to i32
        %sign3A_299 = arith.constant 0 : i32
        %sign3A_300 = arith.cmpi slt, %sub3A_293, %sign3A_299 : i32
        %sign3A_301 = arith.extui %sign3A_300 : i1 to i32
        %sign3A_302 = arith.subi %sign3A_298, %sign3A_301 : i32
        %sign3A_303 = arith.constant 0 : i32
        %sign3A_304 = arith.cmpi sgt, %jit3A_294, %sign3A_303 : i32
        %sign3A_305 = arith.extui %sign3A_304 : i1 to i32
        %sign3A_306 = arith.constant 0 : i32
        %sign3A_307 = arith.cmpi slt, %jit3A_294, %sign3A_306 : i32
        %sign3A_308 = arith.extui %sign3A_307 : i1 to i32
        %sign3A_309 = arith.subi %sign3A_305, %sign3A_308 : i32
        %ne3A_310 = arith.cmpi ne, %sign3A_302, %sign3A_309 : i32
        %rem3A_311 = arith.remsi %sub3A_293, %jit3A_294 : i32
        %ne3A_312 = arith.constant 0 : i32
        %ne3A_313 = arith.cmpi ne, %rem3A_311, %ne3A_312 : i32
        %and3A_314 = arith.andi %ne3A_310, %ne3A_313 : i1
        %sub3A_315 = arith.constant 1 : i32
        %sub3A_316 = arith.subi %div3A_295, %sub3A_315 : i32
        %select_n3A_317 = arith.select %and3A_314, %sub3A_316, %div3A_295 : i32
        %mul3A_318 = arith.constant 39 : i32
        %mul3A_319 = arith.muli %select_n3A_317, %mul3A_318 : i32
        %sub3A_320 = arith.subi %sub3A_293, %mul3A_319 : i32
        %lt3A_321 = arith.constant 625 : i32
        %lt3A_322 = arith.cmpi slt, %add3A_264, %lt3A_321 : i32
        %mul3A_323 = arith.constant 256 : i32
        %mul3A_324 = arith.muli %add3A_264, %mul3A_323 : i32
        %mul3A_325 = arith.constant 10000 : i32
        %mul3A_326 = arith.muli %select_n3A_317, %mul3A_325 : i32
        %mul3A_327 = arith.constant 256 : i32
        %mul3A_328 = arith.muli %sub3A_320, %mul3A_327 : i32
        %add3A_329 = arith.addi %mul3A_326, %mul3A_328 : i32
        %convert_element_type3A_330 = arith.extui %lt3A_322 : i1 to i32
        %cond3A_331 = arith.constant 0 : i32
        %cond3A_332 = arith.cmpi ne, %convert_element_type3A_330, %cond3A_331 : i32
        scf.if %cond3A_332 {
          %multiple_of3A = tpu.assume_multiple %mul3A_324, 256 : i32
          %dma_start3A = arith.constant 0 : i32
          %dma_start3A_338 = tpu.memref_slice %arg6[%multiple_of3A, %dma_start3A] : memref<160000x128xf32, #tpu.memory_space<hbm>> -> memref<256x128xf32, #tpu.memory_space<hbm>>
          %dma_start3A_339 = arith.constant 0 : i32
          %dma_start3A_340 = tpu.memref_slice %arg6[%multiple_of3A, %dma_start3A_339] : memref<160000x128xf32, #tpu.memory_space<hbm>> -> memref<256x128xf32, #tpu.memory_space<hbm>>
          tpu.enqueue_dma source(%arg13 : memref<256x128xf32, #tpu.memory_space<vmem>>) target(%dma_start3A_340 : memref<256x128xf32, #tpu.memory_space<hbm>>) target_semaphore(%arg24 : memref<!tpu.dma_semaphore, #tpu.memory_space<semaphore_mem>>)
        } else {
        }
        %not3A_333 = arith.constant true
        %not3A_334 = arith.xori %lt3A_322, %not3A_333 : i1
        %convert_element_type3A_335 = arith.extui %not3A_334 : i1 to i32
        %cond3A_336 = arith.constant 0 : i32
        %cond3A_337 = arith.cmpi ne, %convert_element_type3A_335, %cond3A_336 : i32
        scf.if %cond3A_337 {
          %multiple_of3A = tpu.assume_multiple %add3A_329, 16 : i32
          %dma_start3A = arith.constant 0 : i32
          %dma_start3A_338 = tpu.memref_slice %arg7[%multiple_of3A, %dma_start3A] : memref<200000x128xf32, #tpu.memory_space<hbm>> -> memref<256x128xf32, #tpu.memory_space<hbm>>
          %dma_start3A_339 = arith.constant 0 : i32
          %dma_start3A_340 = tpu.memref_slice %arg7[%multiple_of3A, %dma_start3A_339] : memref<200000x128xf32, #tpu.memory_space<hbm>> -> memref<256x128xf32, #tpu.memory_space<hbm>>
          tpu.enqueue_dma source(%arg13 : memref<256x128xf32, #tpu.memory_space<vmem>>) target(%dma_start3A_340 : memref<256x128xf32, #tpu.memory_space<hbm>>) target_semaphore(%arg24 : memref<!tpu.dma_semaphore, #tpu.memory_space<semaphore_mem>>)
        } else {
        }
      } else {
      }
      %lt3A_272 = arith.constant 1405 : i32
      %lt3A_273 = arith.cmpi slt, %add3A_266, %lt3A_272 : i32
      %convert_element_type3A_274 = arith.extui %lt3A_273 : i1 to i32
      %cond3A_275 = arith.constant 0 : i32
      %cond3A_276 = arith.cmpi ne, %convert_element_type3A_274, %cond3A_275 : i32
      scf.if %cond3A_276 {
        %sub3A_277 = arith.constant 625 : i32
        %sub3A_278 = arith.subi %add3A_266, %sub3A_277 : i32
        %jit3A_279 = arith.constant 39 : i32
        %div3A_280 = arith.divsi %sub3A_278, %jit3A_279 : i32
        %sign3A_281 = arith.constant 0 : i32
        %sign3A_282 = arith.cmpi sgt, %sub3A_278, %sign3A_281 : i32
        %sign3A_283 = arith.extui %sign3A_282 : i1 to i32
        %sign3A_284 = arith.constant 0 : i32
        %sign3A_285 = arith.cmpi slt, %sub3A_278, %sign3A_284 : i32
        %sign3A_286 = arith.extui %sign3A_285 : i1 to i32
        %sign3A_287 = arith.subi %sign3A_283, %sign3A_286 : i32
        %sign3A_288 = arith.constant 0 : i32
        %sign3A_289 = arith.cmpi sgt, %jit3A_279, %sign3A_288 : i32
        %sign3A_290 = arith.extui %sign3A_289 : i1 to i32
        %sign3A_291 = arith.constant 0 : i32
        %sign3A_292 = arith.cmpi slt, %jit3A_279, %sign3A_291 : i32
        %sign3A_293 = arith.extui %sign3A_292 : i1 to i32
        %sign3A_294 = arith.subi %sign3A_290, %sign3A_293 : i32
        %ne3A_295 = arith.cmpi ne, %sign3A_287, %sign3A_294 : i32
        %rem3A_296 = arith.remsi %sub3A_278, %jit3A_279 : i32
        %ne3A_297 = arith.constant 0 : i32
        %ne3A_298 = arith.cmpi ne, %rem3A_296, %ne3A_297 : i32
        %and3A_299 = arith.andi %ne3A_295, %ne3A_298 : i1
        %sub3A_300 = arith.constant 1 : i32
        %sub3A_301 = arith.subi %div3A_280, %sub3A_300 : i32
        %select_n3A_302 = arith.select %and3A_299, %sub3A_301, %div3A_280 : i32
        %mul3A_303 = arith.constant 39 : i32
        %mul3A_304 = arith.muli %select_n3A_302, %mul3A_303 : i32
        %sub3A_305 = arith.subi %sub3A_278, %mul3A_304 : i32
        %lt3A_306 = arith.constant 625 : i32
        %lt3A_307 = arith.cmpi slt, %add3A_266, %lt3A_306 : i32
        %mul3A_308 = arith.constant 256 : i32
        %mul3A_309 = arith.muli %add3A_266, %mul3A_308 : i32
        %mul3A_310 = arith.constant 10000 : i32
        %mul3A_311 = arith.muli %select_n3A_302, %mul3A_310 : i32
        %mul3A_312 = arith.constant 256 : i32
        %mul3A_313 = arith.muli %sub3A_305, %mul3A_312 : i32
        %add3A_314 = arith.addi %mul3A_311, %mul3A_313 : i32
        %convert_element_type3A_315 = arith.extui %lt3A_307 : i1 to i32
        %cond3A_316 = arith.constant 0 : i32
        %cond3A_317 = arith.cmpi ne, %convert_element_type3A_315, %cond3A_316 : i32
        scf.if %cond3A_317 {
          %multiple_of3A = tpu.assume_multiple %mul3A_309, 256 : i32
          %dma_start3A = tpu.memref_slice %arg4[%multiple_of3A] : memref<160000xi32, #tpu.memory_space<hbm>> -> memref<256xi32, #tpu.memory_space<hbm>>
          %dma_start3A_323 = tpu.memref_slice %arg4[%multiple_of3A] : memref<160000xi32, #tpu.memory_space<hbm>> -> memref<256xi32, #tpu.memory_space<hbm>>
          tpu.enqueue_dma source(%dma_start3A_323 : memref<256xi32, #tpu.memory_space<hbm>>) target(%arg10 : memref<256xi32, #tpu.memory_space<vmem>>) target_semaphore(%arg18 : memref<!tpu.dma_semaphore, #tpu.memory_space<semaphore_mem>>)
        } else {
        }
        %not3A_318 = arith.constant true
        %not3A_319 = arith.xori %lt3A_307, %not3A_318 : i1
        %convert_element_type3A_320 = arith.extui %not3A_319 : i1 to i32
        %cond3A_321 = arith.constant 0 : i32
        %cond3A_322 = arith.cmpi ne, %convert_element_type3A_320, %cond3A_321 : i32
        scf.if %cond3A_322 {
          %multiple_of3A = tpu.assume_multiple %add3A_314, 16 : i32
          %dma_start3A = tpu.memref_slice %arg5[%multiple_of3A] : memref<200000xi32, #tpu.memory_space<hbm>> -> memref<256xi32, #tpu.memory_space<hbm>>
          %dma_start3A_323 = tpu.memref_slice %arg5[%multiple_of3A] : memref<200000xi32, #tpu.memory_space<hbm>> -> memref<256xi32, #tpu.memory_space<hbm>>
          tpu.enqueue_dma source(%dma_start3A_323 : memref<256xi32, #tpu.memory_space<hbm>>) target(%arg10 : memref<256xi32, #tpu.memory_space<vmem>>) target_semaphore(%arg18 : memref<!tpu.dma_semaphore, #tpu.memory_space<semaphore_mem>>)
        } else {
        }
      } else {
      }
    }
    %scan3A_137 = arith.constant 15 : i32
    %add3A_138 = arith.constant 1344 : i32
    %add3A_139 = arith.addi %add3A, %add3A_138 : i32
    %lt3A_140 = arith.constant 1405 : i32
    %lt3A_141 = arith.cmpi slt, %add3A_139, %lt3A_140 : i32
    %convert_element_type3A_142 = arith.extui %lt3A_141 : i1 to i32
    %cond3A_143 = arith.constant 0 : i32
    %cond3A_144 = arith.cmpi ne, %convert_element_type3A_142, %cond3A_143 : i32
    scf.if %cond3A_144 {
      %dma_wait3A = arith.constant 0 : i32
      %dma_wait3A_164 = arith.constant 0 : i32
      %dma_wait3A_165 = tpu.memref_slice %arg6[%dma_wait3A, %dma_wait3A_164] : memref<160000x128xf32, #tpu.memory_space<hbm>> -> memref<256x128xf32, #tpu.memory_space<hbm>>
      %dma_wait3A_166 = arith.constant 0 : i32
      %dma_wait3A_167 = arith.constant 0 : i32
      %dma_wait3A_168 = tpu.memref_slice %arg6[%dma_wait3A_166, %dma_wait3A_167] : memref<160000x128xf32, #tpu.memory_space<hbm>> -> memref<256x128xf32, #tpu.memory_space<hbm>>
      tpu.wait_dma2 semaphore(%arg22 : memref<!tpu.dma_semaphore, #tpu.memory_space<semaphore_mem>>) src(%arg11 : memref<256x128xf32, #tpu.memory_space<vmem>>) dst(%dma_wait3A_168 : memref<256x128xf32, #tpu.memory_space<hbm>>)
    } else {
    }
    %add3A_145 = arith.constant 1376 : i32
    %add3A_146 = arith.addi %add3A, %add3A_145 : i32
    %lt3A_147 = arith.constant 1405 : i32
    %lt3A_148 = arith.cmpi slt, %add3A_146, %lt3A_147 : i32
    %convert_element_type3A_149 = arith.extui %lt3A_148 : i1 to i32
    %cond3A_150 = arith.constant 0 : i32
    %cond3A_151 = arith.cmpi ne, %convert_element_type3A_149, %cond3A_150 : i32
    scf.if %cond3A_151 {
      %dma_wait3A = arith.constant 0 : i32
      %dma_wait3A_164 = arith.constant 0 : i32
      %dma_wait3A_165 = tpu.memref_slice %arg6[%dma_wait3A, %dma_wait3A_164] : memref<160000x128xf32, #tpu.memory_space<hbm>> -> memref<256x128xf32, #tpu.memory_space<hbm>>
      %dma_wait3A_166 = arith.constant 0 : i32
      %dma_wait3A_167 = arith.constant 0 : i32
      %dma_wait3A_168 = tpu.memref_slice %arg6[%dma_wait3A_166, %dma_wait3A_167] : memref<160000x128xf32, #tpu.memory_space<hbm>> -> memref<256x128xf32, #tpu.memory_space<hbm>>
      tpu.wait_dma2 semaphore(%arg23 : memref<!tpu.dma_semaphore, #tpu.memory_space<semaphore_mem>>) src(%arg12 : memref<256x128xf32, #tpu.memory_space<vmem>>) dst(%dma_wait3A_168 : memref<256x128xf32, #tpu.memory_space<hbm>>)
    } else {
    }
    %add3A_152 = arith.constant 1408 : i32
    %add3A_153 = arith.addi %add3A, %add3A_152 : i32
    %lt3A_154 = arith.constant 1405 : i32
    %lt3A_155 = arith.cmpi slt, %add3A_153, %lt3A_154 : i32
    %convert_element_type3A_156 = arith.extui %lt3A_155 : i1 to i32
    %cond3A_157 = arith.constant 0 : i32
    %cond3A_158 = arith.cmpi ne, %convert_element_type3A_156, %cond3A_157 : i32
    scf.if %cond3A_158 {
      %dma_wait3A = arith.constant 0 : i32
      %dma_wait3A_164 = arith.constant 0 : i32
      %dma_wait3A_165 = tpu.memref_slice %arg6[%dma_wait3A, %dma_wait3A_164] : memref<160000x128xf32, #tpu.memory_space<hbm>> -> memref<256x128xf32, #tpu.memory_space<hbm>>
      %dma_wait3A_166 = arith.constant 0 : i32
      %dma_wait3A_167 = arith.constant 0 : i32
      %dma_wait3A_168 = tpu.memref_slice %arg6[%dma_wait3A_166, %dma_wait3A_167] : memref<160000x128xf32, #tpu.memory_space<hbm>> -> memref<256x128xf32, #tpu.memory_space<hbm>>
      tpu.wait_dma2 semaphore(%arg24 : memref<!tpu.dma_semaphore, #tpu.memory_space<semaphore_mem>>) src(%arg13 : memref<256x128xf32, #tpu.memory_space<vmem>>) dst(%dma_wait3A_168 : memref<256x128xf32, #tpu.memory_space<hbm>>)
    } else {
    }
    %lt3A_159 = arith.constant 20 : i32
    %lt3A_160 = arith.cmpi slt, %add3A, %lt3A_159 : i32
    %convert_element_type3A_161 = arith.extui %lt3A_160 : i1 to i32
    %cond3A_162 = arith.constant 0 : i32
    %cond3A_163 = arith.cmpi ne, %convert_element_type3A_161, %cond3A_162 : i32
    scf.if %cond3A_163 {
      %mul3A_164 = arith.constant 10000 : i32
      %mul3A_165 = arith.muli %add3A, %mul3A_164 : i32
      %add3A_166 = arith.constant 9984 : i32
      %add3A_167 = arith.addi %mul3A_165, %add3A_166 : i32
      %multiple_of3A = tpu.assume_multiple %add3A_167, 16 : i32
      "tpu.region"() ({
        %run_scoped3A = tpu.sem_alloc : memref<!tpu.dma_semaphore, #tpu.memory_space<semaphore_mem>>
        %dma_start3A_172 = tpu.memref_slice %arg5[%multiple_of3A] : memref<200000xi32, #tpu.memory_space<hbm>> -> memref<16xi32, #tpu.memory_space<hbm>>
        %dma_start3A_173 = tpu.memref_slice %arg5[%multiple_of3A] : memref<200000xi32, #tpu.memory_space<hbm>> -> memref<16xi32, #tpu.memory_space<hbm>>
        tpu.enqueue_dma source(%dma_start3A_173 : memref<16xi32, #tpu.memory_space<hbm>>) target(%arg14 : memref<16xi32, #tpu.memory_space<vmem>>) target_semaphore(%run_scoped3A : memref<!tpu.dma_semaphore, #tpu.memory_space<semaphore_mem>>)
        %dma_wait3A_174 = tpu.memref_slice %arg5[%multiple_of3A] : memref<200000xi32, #tpu.memory_space<hbm>> -> memref<16xi32, #tpu.memory_space<hbm>>
        %dma_wait3A_175 = tpu.memref_slice %arg5[%multiple_of3A] : memref<200000xi32, #tpu.memory_space<hbm>> -> memref<16xi32, #tpu.memory_space<hbm>>
        tpu.wait_dma2 semaphore(%run_scoped3A : memref<!tpu.dma_semaphore, #tpu.memory_space<semaphore_mem>>) src(%dma_wait3A_175 : memref<16xi32, #tpu.memory_space<hbm>>) dst(%arg14 : memref<16xi32, #tpu.memory_space<vmem>>)
        tpu.yield
      }) : () -> ()
      %dma_start3A = arith.constant 0 : i32
      %dma_start3A_168 = arith.constant 0 : i32
      %dma_start3A_169 = tpu.memref_slice %arg3[%dma_start3A, %dma_start3A_168] : memref<5000x128xf32, #tpu.memory_space<hbm>> -> memref<5000x128xf32, #tpu.memory_space<hbm>>
      tpu.enqueue_indirect_dma source(%dma_start3A_169 : memref<5000x128xf32, #tpu.memory_space<hbm>>) target(%arg15 : memref<16x128xf32, #tpu.memory_space<vmem>>) offsets(%arg14 : memref<16xi32, #tpu.memory_space<vmem>>) semaphore(%arg25 : memref<!tpu.dma_semaphore, #tpu.memory_space<semaphore_mem>>)
      %dma_wait3A = arith.constant 0 : i32
      %dma_wait3A_170 = arith.constant 0 : i32
      %dma_wait3A_171 = tpu.memref_slice %arg3[%dma_wait3A, %dma_wait3A_170] : memref<5000x128xf32, #tpu.memory_space<hbm>> -> memref<5000x128xf32, #tpu.memory_space<hbm>>
      tpu.wait_indirect_dma semaphore(%arg25 : memref<!tpu.dma_semaphore, #tpu.memory_space<semaphore_mem>>) src(%dma_wait3A_171 : memref<5000x128xf32, #tpu.memory_space<hbm>>) dst(%arg15 : memref<16x128xf32, #tpu.memory_space<vmem>>)
      "tpu.region"() ({
        %run_scoped3A = tpu.sem_alloc : memref<!tpu.dma_semaphore, #tpu.memory_space<semaphore_mem>>
        %dma_start3A_172 = arith.constant 0 : i32
        %dma_start3A_173 = tpu.memref_slice %arg7[%multiple_of3A, %dma_start3A_172] : memref<200000x128xf32, #tpu.memory_space<hbm>> -> memref<16x128xf32, #tpu.memory_space<hbm>>
        %dma_start3A_174 = arith.constant 0 : i32
        %dma_start3A_175 = tpu.memref_slice %arg7[%multiple_of3A, %dma_start3A_174] : memref<200000x128xf32, #tpu.memory_space<hbm>> -> memref<16x128xf32, #tpu.memory_space<hbm>>
        tpu.enqueue_dma source(%arg15 : memref<16x128xf32, #tpu.memory_space<vmem>>) target(%dma_start3A_175 : memref<16x128xf32, #tpu.memory_space<hbm>>) target_semaphore(%run_scoped3A : memref<!tpu.dma_semaphore, #tpu.memory_space<semaphore_mem>>)
        %dma_wait3A_176 = arith.constant 0 : i32
        %dma_wait3A_177 = tpu.memref_slice %arg7[%multiple_of3A, %dma_wait3A_176] : memref<200000x128xf32, #tpu.memory_space<hbm>> -> memref<16x128xf32, #tpu.memory_space<hbm>>
        %dma_wait3A_178 = arith.constant 0 : i32
        %dma_wait3A_179 = tpu.memref_slice %arg7[%multiple_of3A, %dma_wait3A_178] : memref<200000x128xf32, #tpu.memory_space<hbm>> -> memref<16x128xf32, #tpu.memory_space<hbm>>
        tpu.wait_dma2 semaphore(%run_scoped3A : memref<!tpu.dma_semaphore, #tpu.memory_space<semaphore_mem>>) src(%arg15 : memref<16x128xf32, #tpu.memory_space<vmem>>) dst(%dma_wait3A_179 : memref<16x128xf32, #tpu.memory_space<hbm>>)
        tpu.yield
      }) : () -> ()
    } else {
    }
    return
  }
}

module attributes {stable_mosaic.version = 14 : i64} {
  func.func @_ud2_body(%arg0: i32, %arg1: memref<2000x128xf32, #tpu.memory_space<vmem>>, %arg2: memref<128x128xf32, #tpu.memory_space<vmem>>, %arg3: memref<384x128xf32, #tpu.memory_space<vmem>>, %arg4: memref<2000x128xf32, #tpu.memory_space<vmem>>) attributes {dimension_semantics = [#tpu.dimension_semantics<arbitrary>], iteration_bounds = array<i64: 5>, scalar_prefetch = 0 : i64, scratch_operands = 0 : i64, tpu.core_type = #tpu.core_type<tc>, window_params = [{transform_indices = @transform_0, window_bounds = array<i64: 2000, 128>}, {pipeline_mode = #tpu.pipeline_mode<synchronous>, transform_indices = @transform_1, window_bounds = array<i64: 128, 128>}, {pipeline_mode = #tpu.pipeline_mode<synchronous>, transform_indices = @transform_2, window_bounds = array<i64: 384, 128>}, {transform_indices = @transform_3, window_bounds = array<i64: 2000, 128>}]} {
    %get3A = arith.constant 0 : index
    %get3A_0 = arith.constant 0 : index
    %get3A_1 = vector.load %arg2[%get3A, %get3A_0] : memref<128x128xf32, #tpu.memory_space<vmem>>, vector<128x128xf32>
    %get3A_2 = arith.constant 0 : index
    %get3A_3 = arith.constant 0 : index
    %get3A_4 = vector.load %arg3[%get3A_2, %get3A_3] : memref<384x128xf32, #tpu.memory_space<vmem>>, vector<128x128xf32>
    %dot_general3A = arith.constant dense<0.000000e+00> : vector<128x128xf32>
    %dot_general3A_5 = tpu.matmul %get3A_1, %get3A_4, %dot_general3A {dimension_numbers = #tpu.dot_dimension_numbers<[1], [0], [0], [1], [0, 0, 1, 1], [], []>, transpose_lhs_hint = false} : vector<128x128xf32>, vector<128x128xf32>, vector<128x128xf32> -> vector<128x128xf32>
    %get3A_6 = arith.constant 0 : index
    %get3A_7 = arith.constant 0 : index
    %get3A_8 = vector.load %arg1[%get3A_6, %get3A_7] : memref<2000x128xf32, #tpu.memory_space<vmem>>, vector<2000x128xf32>
    %dot_general3A_9 = arith.constant dense<0.000000e+00> : vector<2000x128xf32>
    %dot_general3A_10 = tpu.matmul %get3A_8, %dot_general3A_5, %dot_general3A_9 {dimension_numbers = #tpu.dot_dimension_numbers<[1], [0], [0], [1], [0, 0, 1, 1], [], []>, transpose_lhs_hint = false} : vector<2000x128xf32>, vector<128x128xf32>, vector<2000x128xf32> -> vector<2000x128xf32>
    %swap3A = arith.constant 0 : index
    %swap3A_11 = arith.constant 0 : index
    %swap3A_12 = vector.load %arg4[%swap3A, %swap3A_11] : memref<2000x128xf32, #tpu.memory_space<vmem>>, vector<2000x128xf32>
    tpu.vector_store %arg4[%swap3A, %swap3A_11], %dot_general3A_10 {strides = array<i32>} : memref<2000x128xf32, #tpu.memory_space<vmem>>, vector<2000x128xf32>,
    return
  }
  func.func @transform_0(%arg0: i32) -> (i32, i32) {
    %c0_i32 = arith.constant 0 : i32
    %c0_i32_0 = arith.constant 0 : i32
    return %arg0, %c0_i32 : i32, i32
  }
  func.func @transform_1(%arg0: i32) -> (i32, i32) {
    %c0_i32 = arith.constant 0 : i32
    %c0_i32_0 = arith.constant 0 : i32
    %c0_i32_1 = arith.constant 0 : i32
    return %c0_i32, %c0_i32_0 : i32, i32
  }
  func.func @transform_2(%arg0: i32) -> (i32, i32) {
    %c0_i32 = arith.constant 0 : i32
    %c0_i32_0 = arith.constant 0 : i32
    %c0_i32_1 = arith.constant 0 : i32
    return %c0_i32, %c0_i32_0 : i32, i32
  }
  func.func @transform_3(%arg0: i32) -> (i32, i32) {
    %c0_i32 = arith.constant 0 : i32
    %c0_i32_0 = arith.constant 0 : i32
    return %arg0, %c0_i32 : i32, i32
  }
}

module attributes {stable_mosaic.version = 14 : i64} {
  func.func @_item_pre_body(%arg0: i32, %arg1: memref<1000x128xf32, #tpu.memory_space<vmem>>, %arg2: memref<1000x128xf32, #tpu.memory_space<vmem>>, %arg3: memref<1000x128xf32, #tpu.memory_space<vmem>>, %arg4: memref<256x128xf32, #tpu.memory_space<vmem>>, %arg5: memref<1x128xf32, #tpu.memory_space<vmem>>, %arg6: memref<384x128xf32, #tpu.memory_space<vmem>>, %arg7: memref<1x128xf32, #tpu.memory_space<vmem>>, %arg8: memref<128x128xf32, #tpu.memory_space<vmem>>, %arg9: memref<1x128xf32, #tpu.memory_space<vmem>>, %arg10: memref<256x128xf32, #tpu.memory_space<vmem>>, %arg11: memref<1x128xf32, #tpu.memory_space<vmem>>, %arg12: memref<384x128xf32, #tpu.memory_space<vmem>>, %arg13: memref<1x128xf32, #tpu.memory_space<vmem>>, %arg14: memref<128x128xf32, #tpu.memory_space<vmem>>, %arg15: memref<1000x128xf32, #tpu.memory_space<vmem>>, %arg16: memref<1000x128xf32, #tpu.memory_space<vmem>>, %arg17: memref<1000x128xf32, #tpu.memory_space<vmem>>, %arg18: memref<1000x128xf32, #tpu.memory_space<vmem>>) attributes {dimension_semantics = [#tpu.dimension_semantics<arbitrary>], iteration_bounds = array<i64: 5>, scalar_prefetch = 0 : i64, scratch_operands = 0 : i64, tpu.core_type = #tpu.core_type<tc>, window_params = [{transform_indices = @transform_0, window_bounds = array<i64: 1000, 128>}, {transform_indices = @transform_1, window_bounds = array<i64: 1000, 128>}, {transform_indices = @transform_2, window_bounds = array<i64: 1000, 128>}, {pipeline_mode = #tpu.pipeline_mode<synchronous>, transform_indices = @transform_3, window_bounds = array<i64: 256, 128>}, {pipeline_mode = #tpu.pipeline_mode<synchronous>, transform_indices = @transform_4, window_bounds = array<i64: 1, 128>}, {pipeline_mode = #tpu.pipeline_mode<synchronous>, transform_indices = @transform_5, window_bounds = array<i64: 384, 128>}, {pipeline_mode = #tpu.pipeline_mode<synchronous>, transform_indices = @transform_6, window_bounds = array<i64: 1, 128>}, {pipeline_mode = #tpu.pipeline_mode<synchronous>, transform_indices = @transform_7, window_bounds = array<i64: 128, 128>}, {pipeline_mode = #tpu.pipeline_mode<synchronous>, transform_indices = @transform_8, window_bounds = array<i64: 1, 128>}, {pipeline_mode = #tpu.pipeline_mode<synchronous>, transform_indices = @transform_9, window_bounds = array<i64: 256, 128>}, {pipeline_mode = #tpu.pipeline_mode<synchronous>, transform_indices = @transform_10, window_bounds = array<i64: 1, 128>}, {pipeline_mode = #tpu.pipeline_mode<synchronous>, transform_indices = @transform_11, window_bounds = array<i64: 384, 128>}, {pipeline_mode = #tpu.pipeline_mode<synchronous>, transform_indices = @transform_12, window_bounds = array<i64: 1, 128>}, {pipeline_mode = #tpu.pipeline_mode<synchronous>, transform_indices = @transform_13, window_bounds = array<i64: 128, 128>}, {transform_indices = @transform_14, window_bounds = array<i64: 1000, 128>}, {transform_indices = @transform_15, window_bounds = array<i64: 1000, 128>}, {transform_indices = @transform_16, window_bounds = array<i64: 1000, 128>}, {transform_indices = @transform_17, window_bounds = array<i64: 1000, 128>}]} {
    %get3A = arith.constant 0 : index
    %get3A_0 = arith.constant 0 : index
    %get3A_1 = vector.load %arg1[%get3A, %get3A_0] : memref<1000x128xf32, #tpu.memory_space<vmem>>, vector<1000x128xf32>
    %get3A_2 = arith.constant 0 : index
    %get3A_3 = arith.constant 0 : index
    %get3A_4 = vector.load %arg4[%get3A_2, %get3A_3] : memref<256x128xf32, #tpu.memory_space<vmem>>, vector<128x128xf32>
    %dot_general3A = arith.constant dense<0.000000e+00> : vector<1000x128xf32>
    %dot_general3A_5 = tpu.matmul %get3A_1, %get3A_4, %dot_general3A {dimension_numbers = #tpu.dot_dimension_numbers<[1], [0], [0], [1], [0, 0, 1, 1], [], []>, transpose_lhs_hint = false} : vector<1000x128xf32>, vector<128x128xf32>, vector<1000x128xf32> -> vector<1000x128xf32>
    %get3A_6 = arith.constant 0 : index
    %get3A_7 = arith.constant 0 : index
    %get3A_8 = vector.load %arg2[%get3A_6, %get3A_7] : memref<1000x128xf32, #tpu.memory_space<vmem>>, vector<1000x128xf32>
    %get3A_9 = arith.constant 128 : index
    %get3A_10 = arith.constant 0 : index
    %get3A_11 = vector.load %arg4[%get3A_9, %get3A_10] : memref<256x128xf32, #tpu.memory_space<vmem>>, vector<128x128xf32>
    %dot_general3A_12 = arith.constant dense<0.000000e+00> : vector<1000x128xf32>
    %dot_general3A_13 = tpu.matmul %get3A_8, %get3A_11, %dot_general3A_12 {dimension_numbers = #tpu.dot_dimension_numbers<[1], [0], [0], [1], [0, 0, 1, 1], [], []>, transpose_lhs_hint = false} : vector<1000x128xf32>, vector<128x128xf32>, vector<1000x128xf32> -> vector<1000x128xf32>
    %add3A = arith.addf %dot_general3A_5, %dot_general3A_13 : vector<1000x128xf32>
    %get3A_14 = arith.constant 0 : index
    %get3A_15 = arith.constant 0 : index
    %get3A_16 = vector.load %arg5[%get3A_14, %get3A_15] : memref<1x128xf32, #tpu.memory_space<vmem>>, vector<1x128xf32>
    %add3A_17 = vector.broadcast %get3A_16 : vector<1x128xf32> to vector<1000x128xf32>
    %add3A_18 = arith.addf %add3A, %add3A_17 : vector<1000x128xf32>
    %get3A_19 = arith.constant 128 : index
    %get3A_20 = arith.constant 0 : index
    %get3A_21 = vector.load %arg6[%get3A_19, %get3A_20] : memref<384x128xf32, #tpu.memory_space<vmem>>, vector<128x128xf32>
    %dot_general3A_22 = arith.constant dense<0.000000e+00> : vector<1000x128xf32>
    %dot_general3A_23 = tpu.matmul %add3A_18, %get3A_21, %dot_general3A_22 {dimension_numbers = #tpu.dot_dimension_numbers<[1], [0], [0], [1], [0, 0, 1, 1], [], []>, transpose_lhs_hint = false} : vector<1000x128xf32>, vector<128x128xf32>, vector<1000x128xf32> -> vector<1000x128xf32>
    %get3A_24 = arith.constant 0 : index
    %get3A_25 = arith.constant 0 : index
    %get3A_26 = vector.load %arg7[%get3A_24, %get3A_25] : memref<1x128xf32, #tpu.memory_space<vmem>>, vector<1x128xf32>
    %add3A_27 = vector.broadcast %get3A_26 : vector<1x128xf32> to vector<1000x128xf32>
    %add3A_28 = arith.addf %dot_general3A_23, %add3A_27 : vector<1000x128xf32>
    %swap3A = arith.constant 0 : index
    %swap3A_29 = arith.constant 0 : index
    %swap3A_30 = vector.load %arg15[%swap3A, %swap3A_29] : memref<1000x128xf32, #tpu.memory_space<vmem>>, vector<1000x128xf32>
    tpu.vector_store %arg15[%swap3A, %swap3A_29], %add3A_28 {strides = array<i32>} : memref<1000x128xf32, #tpu.memory_space<vmem>>, vector<1000x128xf32>,
    %get3A_31 = arith.constant 0 : index
    %get3A_32 = arith.constant 0 : index
    %get3A_33 = vector.load %arg8[%get3A_31, %get3A_32] : memref<128x128xf32, #tpu.memory_space<vmem>>, vector<128x128xf32>
    %dot_general3A_34 = arith.constant dense<0.000000e+00> : vector<1000x128xf32>
    %dot_general3A_35 = tpu.matmul %add3A_18, %get3A_33, %dot_general3A_34 {dimension_numbers = #tpu.dot_dimension_numbers<[1], [0], [0], [1], [0, 0, 1, 1], [], []>, transpose_lhs_hint = false} : vector<1000x128xf32>, vector<128x128xf32>, vector<1000x128xf32> -> vector<1000x128xf32>
    %get3A_36 = arith.constant 0 : index
    %get3A_37 = arith.constant 0 : index
    %get3A_38 = vector.load %arg9[%get3A_36, %get3A_37] : memref<1x128xf32, #tpu.memory_space<vmem>>, vector<1x128xf32>
    %add3A_39 = vector.broadcast %get3A_38 : vector<1x128xf32> to vector<1000x128xf32>
    %add3A_40 = arith.addf %dot_general3A_35, %add3A_39 : vector<1000x128xf32>
    %swap3A_41 = arith.constant 0 : index
    %swap3A_42 = arith.constant 0 : index
    %swap3A_43 = vector.load %arg16[%swap3A_41, %swap3A_42] : memref<1000x128xf32, #tpu.memory_space<vmem>>, vector<1000x128xf32>
    tpu.vector_store %arg16[%swap3A_41, %swap3A_42], %add3A_40 {strides = array<i32>} : memref<1000x128xf32, #tpu.memory_space<vmem>>, vector<1000x128xf32>,
    %get3A_44 = arith.constant 0 : index
    %get3A_45 = arith.constant 0 : index
    %get3A_46 = vector.load %arg10[%get3A_44, %get3A_45] : memref<256x128xf32, #tpu.memory_space<vmem>>, vector<128x128xf32>
    %dot_general3A_47 = arith.constant dense<0.000000e+00> : vector<1000x128xf32>
    %dot_general3A_48 = tpu.matmul %add3A_18, %get3A_46, %dot_general3A_47 {dimension_numbers = #tpu.dot_dimension_numbers<[1], [0], [0], [1], [0, 0, 1, 1], [], []>, transpose_lhs_hint = false} : vector<1000x128xf32>, vector<128x128xf32>, vector<1000x128xf32> -> vector<1000x128xf32>
    %get3A_49 = arith.constant 0 : index
    %get3A_50 = arith.constant 0 : index
    %get3A_51 = vector.load %arg11[%get3A_49, %get3A_50] : memref<1x128xf32, #tpu.memory_space<vmem>>, vector<1x128xf32>
    %add3A_52 = vector.broadcast %get3A_51 : vector<1x128xf32> to vector<1000x128xf32>
    %add3A_53 = arith.addf %dot_general3A_48, %add3A_52 : vector<1000x128xf32>
    %swap3A_54 = arith.constant 0 : index
    %swap3A_55 = arith.constant 0 : index
    %swap3A_56 = vector.load %arg17[%swap3A_54, %swap3A_55] : memref<1000x128xf32, #tpu.memory_space<vmem>>, vector<1000x128xf32>
    tpu.vector_store %arg17[%swap3A_54, %swap3A_55], %add3A_53 {strides = array<i32>} : memref<1000x128xf32, #tpu.memory_space<vmem>>, vector<1000x128xf32>,
    %get3A_57 = arith.constant 0 : index
    %get3A_58 = arith.constant 0 : index
    %get3A_59 = vector.load %arg3[%get3A_57, %get3A_58] : memref<1000x128xf32, #tpu.memory_space<vmem>>, vector<1000x128xf32>
    %get3A_60 = arith.constant 0 : index
    %get3A_61 = arith.constant 0 : index
    %get3A_62 = vector.load %arg14[%get3A_60, %get3A_61] : memref<128x128xf32, #tpu.memory_space<vmem>>, vector<128x128xf32>
    %dot_general3A_63 = arith.constant dense<0.000000e+00> : vector<1000x128xf32>
    %dot_general3A_64 = tpu.matmul %get3A_59, %get3A_62, %dot_general3A_63 {dimension_numbers = #tpu.dot_dimension_numbers<[1], [0], [0], [1], [0, 0, 1, 1], [], []>, transpose_lhs_hint = false} : vector<1000x128xf32>, vector<128x128xf32>, vector<1000x128xf32> -> vector<1000x128xf32>
    %get3A_65 = arith.constant 0 : index
    %get3A_66 = arith.constant 0 : index
    %get3A_67 = vector.load %arg12[%get3A_65, %get3A_66] : memref<384x128xf32, #tpu.memory_space<vmem>>, vector<128x128xf32>
    %dot_general3A_68 = arith.constant dense<0.000000e+00> : vector<1000x128xf32>
    %dot_general3A_69 = tpu.matmul %dot_general3A_64, %get3A_67, %dot_general3A_68 {dimension_numbers = #tpu.dot_dimension_numbers<[1], [0], [0], [1], [0, 0, 1, 1], [], []>, transpose_lhs_hint = false} : vector<1000x128xf32>, vector<128x128xf32>, vector<1000x128xf32> -> vector<1000x128xf32>
    %get3A_70 = arith.constant 128 : index
    %get3A_71 = arith.constant 0 : index
    %get3A_72 = vector.load %arg12[%get3A_70, %get3A_71] : memref<384x128xf32, #tpu.memory_space<vmem>>, vector<128x128xf32>
    %dot_general3A_73 = arith.constant dense<0.000000e+00> : vector<1000x128xf32>
    %dot_general3A_74 = tpu.matmul %add3A_18, %get3A_72, %dot_general3A_73 {dimension_numbers = #tpu.dot_dimension_numbers<[1], [0], [0], [1], [0, 0, 1, 1], [], []>, transpose_lhs_hint = false} : vector<1000x128xf32>, vector<128x128xf32>, vector<1000x128xf32> -> vector<1000x128xf32>
    %add3A_75 = arith.addf %dot_general3A_69, %dot_general3A_74 : vector<1000x128xf32>
    %get3A_76 = arith.constant 0 : index
    %get3A_77 = arith.constant 0 : index
    %get3A_78 = vector.load %arg13[%get3A_76, %get3A_77] : memref<1x128xf32, #tpu.memory_space<vmem>>, vector<1x128xf32>
    %add3A_79 = vector.broadcast %get3A_78 : vector<1x128xf32> to vector<1000x128xf32>
    %add3A_80 = arith.addf %add3A_75, %add3A_79 : vector<1000x128xf32>
    %swap3A_81 = arith.constant 0 : index
    %swap3A_82 = arith.constant 0 : index
    %swap3A_83 = vector.load %arg18[%swap3A_81, %swap3A_82] : memref<1000x128xf32, #tpu.memory_space<vmem>>, vector<1000x128xf32>
    tpu.vector_store %arg18[%swap3A_81, %swap3A_82], %add3A_80 {strides = array<i32>} : memref<1000x128xf32, #tpu.memory_space<vmem>>, vector<1000x128xf32>,
    return
  }
  func.func @transform_0(%arg0: i32) -> (i32, i32) {
    %c0_i32 = arith.constant 0 : i32
    %c0_i32_0 = arith.constant 0 : i32
    return %arg0, %c0_i32 : i32, i32
  }
  func.func @transform_1(%arg0: i32) -> (i32, i32) {
    %c0_i32 = arith.constant 0 : i32
    %c0_i32_0 = arith.constant 0 : i32
    return %arg0, %c0_i32 : i32, i32
  }
  func.func @transform_2(%arg0: i32) -> (i32, i32) {
    %c0_i32 = arith.constant 0 : i32
    %c0_i32_0 = arith.constant 0 : i32
    return %arg0, %c0_i32 : i32, i32
  }
  func.func @transform_3(%arg0: i32) -> (i32, i32) {
    %c0_i32 = arith.constant 0 : i32
    %c0_i32_0 = arith.constant 0 : i32
    %c0_i32_1 = arith.constant 0 : i32
    return %c0_i32, %c0_i32_0 : i32, i32
  }
  func.func @transform_4(%arg0: i32) -> (i32, i32) {
    %c0_i32 = arith.constant 0 : i32
    %c0_i32_0 = arith.constant 0 : i32
    %c0_i32_1 = arith.constant 0 : i32
    return %c0_i32, %c0_i32_0 : i32, i32
  }
  func.func @transform_5(%arg0: i32) -> (i32, i32) {
    %c0_i32 = arith.constant 0 : i32
    %c0_i32_0 = arith.constant 0 : i32
    %c0_i32_1 = arith.constant 0 : i32
    return %c0_i32, %c0_i32_0 : i32, i32
  }
  func.func @transform_6(%arg0: i32) -> (i32, i32) {
    %c0_i32 = arith.constant 0 : i32
    %c0_i32_0 = arith.constant 0 : i32
    %c0_i32_1 = arith.constant 0 : i32
    return %c0_i32, %c0_i32_0 : i32, i32
  }
  func.func @transform_7(%arg0: i32) -> (i32, i32) {
    %c0_i32 = arith.constant 0 : i32
    %c0_i32_0 = arith.constant 0 : i32
    %c0_i32_1 = arith.constant 0 : i32
    return %c0_i32, %c0_i32_0 : i32, i32
  }
  func.func @transform_8(%arg0: i32) -> (i32, i32) {
    %c0_i32 = arith.constant 0 : i32
    %c0_i32_0 = arith.constant 0 : i32
    %c0_i32_1 = arith.constant 0 : i32
    return %c0_i32, %c0_i32_0 : i32, i32
  }
  func.func @transform_9(%arg0: i32) -> (i32, i32) {
    %c0_i32 = arith.constant 0 : i32
    %c0_i32_0 = arith.constant 0 : i32
    %c0_i32_1 = arith.constant 0 : i32
    return %c0_i32, %c0_i32_0 : i32, i32
  }
  func.func @transform_10(%arg0: i32) -> (i32, i32) {
    %c0_i32 = arith.constant 0 : i32
    %c0_i32_0 = arith.constant 0 : i32
    %c0_i32_1 = arith.constant 0 : i32
    return %c0_i32, %c0_i32_0 : i32, i32
  }
  func.func @transform_11(%arg0: i32) -> (i32, i32) {
    %c0_i32 = arith.constant 0 : i32
    %c0_i32_0 = arith.constant 0 : i32
    %c0_i32_1 = arith.constant 0 : i32
    return %c0_i32, %c0_i32_0 : i32, i32
  }
  func.func @transform_12(%arg0: i32) -> (i32, i32) {
    %c0_i32 = arith.constant 0 : i32
    %c0_i32_0 = arith.constant 0 : i32
    %c0_i32_1 = arith.constant 0 : i32
    return %c0_i32, %c0_i32_0 : i32, i32
  }
  func.func @transform_13(%arg0: i32) -> (i32, i32) {
    %c0_i32 = arith.constant 0 : i32
    %c0_i32_0 = arith.constant 0 : i32
    %c0_i32_1 = arith.constant 0 : i32
    return %c0_i32, %c0_i32_0 : i32, i32
  }
  func.func @transform_14(%arg0: i32) -> (i32, i32) {
    %c0_i32 = arith.constant 0 : i32
    %c0_i32_0 = arith.constant 0 : i32
    return %arg0, %c0_i32 : i32, i32
  }
  func.func @transform_15(%arg0: i32) -> (i32, i32) {
    %c0_i32 = arith.constant 0 : i32
    %c0_i32_0 = arith.constant 0 : i32
    return %arg0, %c0_i32 : i32, i32
  }
  func.func @transform_16(%arg0: i32) -> (i32, i32) {
    %c0_i32 = arith.constant 0 : i32
    %c0_i32_0 = arith.constant 0 : i32
    return %arg0, %c0_i32 : i32, i32
  }
  func.func @transform_17(%arg0: i32) -> (i32, i32) {
    %c0_i32 = arith.constant 0 : i32
    %c0_i32_0 = arith.constant 0 : i32
    return %arg0, %c0_i32 : i32, i32
  }
}

module attributes {stable_mosaic.version = 14 : i64} {
  func.func @_attn_body(%arg0: i32, %arg1: memref<200x32x128xf32, #tpu.memory_space<vmem>>, %arg2: memref<6400x128xf32, #tpu.memory_space<vmem>>, %arg3: memref<200x128xf32, #tpu.memory_space<vmem>>, %arg4: memref<200x128xf32, #tpu.memory_space<vmem>>, %arg5: memref<200x128xf32, #tpu.memory_space<vmem>>, %arg6: memref<384x128xf32, #tpu.memory_space<vmem>>, %arg7: memref<256x128xf32, #tpu.memory_space<vmem>>, %arg8: memref<200x128xf32, #tpu.memory_space<vmem>>, %arg9: memref<200x32xf32, #tpu.memory_space<vmem>>) attributes {dimension_semantics = [#tpu.dimension_semantics<arbitrary>], iteration_bounds = array<i64: 25>, scalar_prefetch = 0 : i64, scratch_operands = 1 : i64, tpu.core_type = #tpu.core_type<tc>, window_params = [{transform_indices = @transform_0, window_bounds = array<i64: 200, 32, 128>}, {transform_indices = @transform_1, window_bounds = array<i64: 6400, 128>}, {transform_indices = @transform_2, window_bounds = array<i64: 200, 128>}, {transform_indices = @transform_3, window_bounds = array<i64: 200, 128>}, {transform_indices = @transform_4, window_bounds = array<i64: 200, 128>}, {pipeline_mode = #tpu.pipeline_mode<synchronous>, transform_indices = @transform_5, window_bounds = array<i64: 384, 128>}, {pipeline_mode = #tpu.pipeline_mode<synchronous>, transform_indices = @transform_6, window_bounds = array<i64: 256, 128>}, {transform_indices = @transform_7, window_bounds = array<i64: 200, 128>}]} {
    %get3A = arith.constant 0 : index
    %get3A_0 = arith.constant 0 : index
    %get3A_1 = arith.constant 0 : index
    %get3A_2 = vector.load %arg1[%get3A, %get3A_0, %get3A_1] : memref<200x32x128xf32, #tpu.memory_space<vmem>>, vector<200x32x128xf32>
    %reshape3A = vector.shape_cast %get3A_2 : vector<200x32x128xf32> to vector<6400x128xf32>
    %get3A_3 = arith.constant 0 : index
    %get3A_4 = arith.constant 0 : index
    %get3A_5 = vector.load %arg2[%get3A_3, %get3A_4] : memref<6400x128xf32, #tpu.memory_space<vmem>>, vector<6400x128xf32>
    %get3A_6 = arith.constant 256 : index
    %get3A_7 = arith.constant 0 : index
    %get3A_8 = vector.load %arg6[%get3A_6, %get3A_7] : memref<384x128xf32, #tpu.memory_space<vmem>>, vector<128x128xf32>
    %dot_general3A = arith.constant dense<0.000000e+00> : vector<6400x128xf32>
    %dot_general3A_9 = tpu.matmul %reshape3A, %get3A_8, %dot_general3A {dimension_numbers = #tpu.dot_dimension_numbers<[1], [0], [0], [1], [0, 0, 1, 1], [], []>, transpose_lhs_hint = false} : vector<6400x128xf32>, vector<128x128xf32>, vector<6400x128xf32> -> vector<6400x128xf32>
    %add3A = arith.addf %get3A_5, %dot_general3A_9 : vector<6400x128xf32>
    %get3A_10 = arith.constant 0 : index
    %get3A_11 = arith.constant 0 : index
    %get3A_12 = vector.load %arg3[%get3A_10, %get3A_11] : memref<200x128xf32, #tpu.memory_space<vmem>>, vector<200x128xf32>
    %reshape3A_13 = vector.shape_cast %add3A : vector<6400x128xf32> to vector<200x32x128xf32>
    %get3A_14 = arith.constant 0 : index
    %get3A_15 = arith.constant 0 : index
    %get3A_16 = vector.load %arg4[%get3A_14, %get3A_15] : memref<200x128xf32, #tpu.memory_space<vmem>>, vector<200x128xf32>
    %broadcast_in_dim3A = vector.shape_cast %get3A_16 : vector<200x128xf32> to vector<200x1x128xf32>
    %add3A_17 = vector.broadcast %broadcast_in_dim3A : vector<200x1x128xf32> to vector<200x32x128xf32>
    %add3A_18 = arith.addf %reshape3A_13, %add3A_17 : vector<200x32x128xf32>
    %broadcast_in_dim3A_19 = vector.shape_cast %get3A_12 : vector<200x128xf32> to vector<200x1x128xf32>
    %mul3A = vector.broadcast %broadcast_in_dim3A_19 : vector<200x1x128xf32> to vector<200x32x128xf32>
    %mul3A_20 = arith.mulf %add3A_18, %mul3A : vector<200x32x128xf32>
    %reduce_sum3A = arith.constant dense<0.000000e+00> : vector<200x32xf32>
    %reduce_sum3A_21 = vector.multi_reduction <add>, %mul3A_20, %reduce_sum3A [2] : vector<200x32x128xf32> to vector<200x32xf32>
    %mul3A_22 = arith.constant 0.0883883461 : f32
    %mul3A_23 = vector.broadcast %mul3A_22 : f32 to vector<200x32xf32>
    %mul3A_24 = arith.mulf %reduce_sum3A_21, %mul3A_23 : vector<200x32xf32>
    %swap3A = arith.constant 0 : index
    %swap3A_25 = arith.constant 0 : index
    %swap3A_26 = vector.load %arg9[%swap3A, %swap3A_25] : memref<200x32xf32, #tpu.memory_space<vmem>>, vector<200x32xf32>
    tpu.vector_store %arg9[%swap3A, %swap3A_25], %mul3A_24 {strides = array<i32>} : memref<200x32xf32, #tpu.memory_space<vmem>>, vector<200x32xf32>,
    %get3A_27 = arith.constant 0 : index
    %get3A_28 = arith.constant 0 : index
    %get3A_29 = vector.load %arg9[%get3A_27, %get3A_28] : memref<200x32xf32, #tpu.memory_space<vmem>>, vector<200x32xf32>
    %reduce_max3A = arith.constant dense<0xFF800000> : vector<200xf32>
    %reduce_max3A_30 = vector.multi_reduction <maximumf>, %get3A_29, %reduce_max3A [1] : vector<200x32xf32> to vector<200xf32>
    %broadcast_in_dim3A_31 = vector.shape_cast %reduce_max3A_30 : vector<200xf32> to vector<200x1xf32>
    %sub3A = vector.broadcast %broadcast_in_dim3A_31 : vector<200x1xf32> to vector<200x32xf32>
    %sub3A_32 = arith.subf %get3A_29, %sub3A : vector<200x32xf32>
    %exp3A = math.exp %sub3A_32 : vector<200x32xf32>
    %reduce_sum3A_33 = arith.constant dense<0.000000e+00> : vector<200xf32>
    %reduce_sum3A_34 = vector.multi_reduction <add>, %exp3A, %reduce_sum3A_33 [1] : vector<200x32xf32> to vector<200xf32>
    %broadcast_in_dim3A_35 = vector.shape_cast %reduce_sum3A_34 : vector<200xf32> to vector<200x1xf32>
    %div3A = vector.broadcast %broadcast_in_dim3A_35 : vector<200x1xf32> to vector<200x32xf32>
    %div3A_36 = arith.divf %exp3A, %div3A : vector<200x32xf32>
    %get3A_37 = arith.constant 128 : index
    %get3A_38 = arith.constant 0 : index
    %get3A_39 = vector.load %arg7[%get3A_37, %get3A_38] : memref<256x128xf32, #tpu.memory_space<vmem>>, vector<128x128xf32>
    %dot_general3A_40 = arith.constant dense<0.000000e+00> : vector<6400x128xf32>
    %dot_general3A_41 = tpu.matmul %reshape3A, %get3A_39, %dot_general3A_40 {dimension_numbers = #tpu.dot_dimension_numbers<[1], [0], [0], [1], [0, 0, 1, 1], [], []>, transpose_lhs_hint = false} : vector<6400x128xf32>, vector<128x128xf32>, vector<6400x128xf32> -> vector<6400x128xf32>
    %reshape3A_42 = vector.shape_cast %dot_general3A_41 : vector<6400x128xf32> to vector<200x32x128xf32>
    %get3A_43 = arith.constant 0 : index
    %get3A_44 = arith.constant 0 : index
    %get3A_45 = vector.load %arg5[%get3A_43, %get3A_44] : memref<200x128xf32, #tpu.memory_space<vmem>>, vector<200x128xf32>
    %broadcast_in_dim3A_46 = vector.shape_cast %div3A_36 : vector<200x32xf32> to vector<200x32x1xf32>
    %mul3A_47 = vector.broadcast %broadcast_in_dim3A_46 : vector<200x32x1xf32> to vector<200x32x128xf32>
    %mul3A_48 = arith.mulf %mul3A_47, %reshape3A_42 : vector<200x32x128xf32>
    %reduce_sum3A_49 = arith.constant dense<0.000000e+00> : vector<200x128xf32>
    %reduce_sum3A_50 = vector.multi_reduction <add>, %mul3A_48, %reduce_sum3A_49 [1] : vector<200x32x128xf32> to vector<200x128xf32>
    %add3A_51 = arith.addf %get3A_45, %reduce_sum3A_50 : vector<200x128xf32>
    %swap3A_52 = arith.constant 0 : index
    %swap3A_53 = arith.constant 0 : index
    %swap3A_54 = vector.load %arg8[%swap3A_52, %swap3A_53] : memref<200x128xf32, #tpu.memory_space<vmem>>, vector<200x128xf32>
    tpu.vector_store %arg8[%swap3A_52, %swap3A_53], %add3A_51 {strides = array<i32>} : memref<200x128xf32, #tpu.memory_space<vmem>>, vector<200x128xf32>,
    return
  }
  func.func @transform_0(%arg0: i32) -> (i32, i32, i32) {
    %c0_i32 = arith.constant 0 : i32
    %c0_i32_0 = arith.constant 0 : i32
    %c0_i32_1 = arith.constant 0 : i32
    return %arg0, %c0_i32, %c0_i32_0 : i32, i32, i32
  }
  func.func @transform_1(%arg0: i32) -> (i32, i32) {
    %c0_i32 = arith.constant 0 : i32
    %c0_i32_0 = arith.constant 0 : i32
    return %arg0, %c0_i32 : i32, i32
  }
  func.func @transform_2(%arg0: i32) -> (i32, i32) {
    %c0_i32 = arith.constant 0 : i32
    %c0_i32_0 = arith.constant 0 : i32
    return %arg0, %c0_i32 : i32, i32
  }
  func.func @transform_3(%arg0: i32) -> (i32, i32) {
    %c0_i32 = arith.constant 0 : i32
    %c0_i32_0 = arith.constant 0 : i32
    return %arg0, %c0_i32 : i32, i32
  }
  func.func @transform_4(%arg0: i32) -> (i32, i32) {
    %c0_i32 = arith.constant 0 : i32
    %c0_i32_0 = arith.constant 0 : i32
    return %arg0, %c0_i32 : i32, i32
  }
  func.func @transform_5(%arg0: i32) -> (i32, i32) {
    %c0_i32 = arith.constant 0 : i32
    %c0_i32_0 = arith.constant 0 : i32
    %c0_i32_1 = arith.constant 0 : i32
    return %c0_i32, %c0_i32_0 : i32, i32
  }
  func.func @transform_6(%arg0: i32) -> (i32, i32) {
    %c0_i32 = arith.constant 0 : i32
    %c0_i32_0 = arith.constant 0 : i32
    %c0_i32_1 = arith.constant 0 : i32
    return %c0_i32, %c0_i32_0 : i32, i32
  }
  func.func @transform_7(%arg0: i32) -> (i32, i32) {
    %c0_i32 = arith.constant 0 : i32
    %c0_i32_0 = arith.constant 0 : i32
    return %arg0, %c0_i32 : i32, i32
  }
}

module attributes {stable_mosaic.version = 14 : i64} {
  func.func @_rec_body(%arg0: i32, %arg1: memref<20x400x128xf32, #tpu.memory_space<vmem>>, %arg2: memref<20x400x128xf32, #tpu.memory_space<vmem>>, %arg3: memref<128x256xf32, #tpu.memory_space<vmem>>, %arg4: memref<128x256xf32, #tpu.memory_space<vmem>>, %arg5: memref<128x256xf32, #tpu.memory_space<vmem>>, %arg6: memref<1x128xf32, #tpu.memory_space<vmem>>, %arg7: memref<1x128xf32, #tpu.memory_space<vmem>>, %arg8: memref<1x128xf32, #tpu.memory_space<vmem>>, %arg9: memref<1x128xf32, #tpu.memory_space<vmem>>, %arg10: memref<400x128xf32, #tpu.memory_space<vmem>>) attributes {dimension_semantics = [#tpu.dimension_semantics<arbitrary>], iteration_bounds = array<i64: 25>, scalar_prefetch = 0 : i64, scratch_operands = 0 : i64, tpu.core_type = #tpu.core_type<tc>, window_params = [{transform_indices = @transform_0, window_bounds = array<i64: 20, 400, 128>}, {transform_indices = @transform_1, window_bounds = array<i64: 20, 400, 128>}, {pipeline_mode = #tpu.pipeline_mode<synchronous>, transform_indices = @transform_2, window_bounds = array<i64: 128, 256>}, {pipeline_mode = #tpu.pipeline_mode<synchronous>, transform_indices = @transform_3, window_bounds = array<i64: 128, 256>}, {pipeline_mode = #tpu.pipeline_mode<synchronous>, transform_indices = @transform_4, window_bounds = array<i64: 128, 256>}, {pipeline_mode = #tpu.pipeline_mode<synchronous>, transform_indices = @transform_5, window_bounds = array<i64: 1, 128>}, {pipeline_mode = #tpu.pipeline_mode<synchronous>, transform_indices = @transform_6, window_bounds = array<i64: 1, 128>}, {pipeline_mode = #tpu.pipeline_mode<synchronous>, transform_indices = @transform_7, window_bounds = array<i64: 1, 128>}, {pipeline_mode = #tpu.pipeline_mode<synchronous>, transform_indices = @transform_8, window_bounds = array<i64: 1, 128>}, {transform_indices = @transform_9, window_bounds = array<i64: 400, 128>}]} {
    %get3A = arith.constant 0 : index
    %get3A_0 = arith.constant 0 : index
    %get3A_1 = vector.load %arg3[%get3A, %get3A_0] : memref<128x256xf32, #tpu.memory_space<vmem>>, vector<128x256xf32>
    %get3A_2 = arith.constant 0 : index
    %get3A_3 = arith.constant 0 : index
    %get3A_4 = vector.load %arg4[%get3A_2, %get3A_3] : memref<128x256xf32, #tpu.memory_space<vmem>>, vector<128x256xf32>
    %get3A_5 = arith.constant 0 : index
    %get3A_6 = arith.constant 0 : index
    %get3A_7 = vector.load %arg5[%get3A_5, %get3A_6] : memref<128x256xf32, #tpu.memory_space<vmem>>, vector<128x256xf32>
    %get3A_8 = arith.constant 0 : index
    %get3A_9 = arith.constant 0 : index
    %get3A_10 = vector.load %arg6[%get3A_8, %get3A_9] : memref<1x128xf32, #tpu.memory_space<vmem>>, vector<1x128xf32>
    %get3A_11 = arith.constant 0 : index
    %get3A_12 = arith.constant 0 : index
    %get3A_13 = vector.load %arg7[%get3A_11, %get3A_12] : memref<1x128xf32, #tpu.memory_space<vmem>>, vector<1x128xf32>
    %get3A_14 = arith.constant 0 : index
    %get3A_15 = arith.constant 0 : index
    %get3A_16 = vector.load %arg8[%get3A_14, %get3A_15] : memref<1x128xf32, #tpu.memory_space<vmem>>, vector<1x128xf32>
    %get3A_17 = arith.constant 0 : index
    %get3A_18 = arith.constant 0 : index
    %get3A_19 = vector.load %arg9[%get3A_17, %get3A_18] : memref<1x128xf32, #tpu.memory_space<vmem>>, vector<1x128xf32>
    %broadcast_in_dim3A = vector.shape_cast %get3A_19 : vector<1x128xf32> to vector<1x128xf32>
    %broadcast_in_dim3A_20 = vector.broadcast %broadcast_in_dim3A : vector<1x128xf32> to vector<400x128xf32>
    %get3A_21 = arith.constant 0 : index
    %get3A_22 = arith.constant 0 : index
    %get3A_23 = arith.constant 0 : index
    %get3A_24 = vector.load %arg1[%get3A_21, %get3A_22, %get3A_23] : memref<20x400x128xf32, #tpu.memory_space<vmem>>, vector<1x400x128xf32>
    %get3A_25 = vector.shape_cast %get3A_24 : vector<1x400x128xf32> to vector<400x128xf32>
    %get3A_26 = arith.constant 0 : index
    %get3A_27 = arith.constant 0 : index
    %get3A_28 = arith.constant 0 : index
    %get3A_29 = vector.load %arg2[%get3A_26, %get3A_27, %get3A_28] : memref<20x400x128xf32, #tpu.memory_space<vmem>>, vector<1x400x128xf32>
    %get3A_30 = vector.shape_cast %get3A_29 : vector<1x400x128xf32> to vector<400x128xf32>
    %dot_general3A = arith.constant dense<0.000000e+00> : vector<400x256xf32>
    %dot_general3A_31 = tpu.matmul %broadcast_in_dim3A_20, %get3A_1, %dot_general3A {dimension_numbers = #tpu.dot_dimension_numbers<[1], [0], [0], [1], [0, 0, 1, 1], [], []>, transpose_lhs_hint = false} : vector<400x128xf32>, vector<128x256xf32>, vector<400x256xf32> -> vector<400x256xf32>
    %dot_general3A_32 = arith.constant dense<0.000000e+00> : vector<400x256xf32>
    %dot_general3A_33 = tpu.matmul %get3A_30, %get3A_4, %dot_general3A_32 {dimension_numbers = #tpu.dot_dimension_numbers<[1], [0], [0], [1], [0, 0, 1, 1], [], []>, transpose_lhs_hint = false} : vector<400x128xf32>, vector<128x256xf32>, vector<400x256xf32> -> vector<400x256xf32>
    %slice3A = vector.extract_strided_slice %dot_general3A_31 {offsets = [0, 0], sizes = [400, 128], strides = [1, 1]} : vector<400x256xf32> to vector<400x128xf32>
    %add3A = arith.addf %get3A_25, %slice3A : vector<400x128xf32>
    %dot_general3A_34 = arith.constant dense<0.000000e+00> : vector<400x256xf32>
    %dot_general3A_35 = tpu.matmul %add3A, %get3A_7, %dot_general3A_34 {dimension_numbers = #tpu.dot_dimension_numbers<[1], [0], [0], [1], [0, 0, 1, 1], [], []>, transpose_lhs_hint = false} : vector<400x128xf32>, vector<128x256xf32>, vector<400x256xf32> -> vector<400x256xf32>
    %slice3A_36 = vector.extract_strided_slice %dot_general3A_35 {offsets = [0, 0], sizes = [400, 128], strides = [1, 1]} : vector<400x256xf32> to vector<400x128xf32>
    %add3A_37 = vector.broadcast %get3A_10 : vector<1x128xf32> to vector<400x128xf32>
    %add3A_38 = arith.addf %slice3A_36, %add3A_37 : vector<400x128xf32>
    %tanh3A = math.tanh %add3A_38 : vector<400x128xf32>
    %slice3A_39 = vector.extract_strided_slice %dot_general3A_35 {offsets = [0, 128], sizes = [400, 128], strides = [1, 1]} : vector<400x256xf32> to vector<400x128xf32>
    %slice3A_40 = vector.extract_strided_slice %dot_general3A_33 {offsets = [0, 0], sizes = [400, 128], strides = [1, 1]} : vector<400x256xf32> to vector<400x128xf32>
    %add3A_41 = arith.addf %slice3A_39, %slice3A_40 : vector<400x128xf32>
    %add3A_42 = vector.broadcast %get3A_13 : vector<1x128xf32> to vector<400x128xf32>
    %add3A_43 = arith.addf %add3A_41, %add3A_42 : vector<400x128xf32>
    %mul3A = arith.constant 5.000000e-01 : f32
    %mul3A_44 = vector.broadcast %mul3A : f32 to vector<400x128xf32>
    %mul3A_45 = arith.mulf %mul3A_44, %add3A_43 : vector<400x128xf32>
    %tanh3A_46 = math.tanh %mul3A_45 : vector<400x128xf32>
    %mul3A_47 = arith.constant 5.000000e-01 : f32
    %mul3A_48 = vector.broadcast %mul3A_47 : f32 to vector<400x128xf32>
    %mul3A_49 = arith.mulf %mul3A_48, %tanh3A_46 : vector<400x128xf32>
    %add3A_50 = arith.constant 5.000000e-01 : f32
    %add3A_51 = vector.broadcast %add3A_50 : f32 to vector<400x128xf32>
    %add3A_52 = arith.addf %add3A_51, %mul3A_49 : vector<400x128xf32>
    %mul3A_53 = arith.mulf %add3A_52, %tanh3A : vector<400x128xf32>
    %slice3A_54 = vector.extract_strided_slice %dot_general3A_31 {offsets = [0, 128], sizes = [400, 128], strides = [1, 1]} : vector<400x256xf32> to vector<400x128xf32>
    %slice3A_55 = vector.extract_strided_slice %dot_general3A_33 {offsets = [0, 128], sizes = [400, 128], strides = [1, 1]} : vector<400x256xf32> to vector<400x128xf32>
    %add3A_56 = arith.addf %slice3A_54, %slice3A_55 : vector<400x128xf32>
    %add3A_57 = vector.broadcast %get3A_16 : vector<1x128xf32> to vector<400x128xf32>
    %add3A_58 = arith.addf %add3A_56, %add3A_57 : vector<400x128xf32>
    %mul3A_59 = arith.constant 5.000000e-01 : f32
    %mul3A_60 = vector.broadcast %mul3A_59 : f32 to vector<400x128xf32>
    %mul3A_61 = arith.mulf %mul3A_60, %add3A_58 : vector<400x128xf32>
    %tanh3A_62 = math.tanh %mul3A_61 : vector<400x128xf32>
    %mul3A_63 = arith.constant 5.000000e-01 : f32
    %mul3A_64 = vector.broadcast %mul3A_63 : f32 to vector<400x128xf32>
    %mul3A_65 = arith.mulf %mul3A_64, %tanh3A_62 : vector<400x128xf32>
    %add3A_66 = arith.constant 5.000000e-01 : f32
    %add3A_67 = vector.broadcast %add3A_66 : f32 to vector<400x128xf32>
    %add3A_68 = arith.addf %add3A_67, %mul3A_65 : vector<400x128xf32>
    %mul3A_69 = arith.mulf %add3A_68, %broadcast_in_dim3A_20 : vector<400x128xf32>
    %sub3A = arith.constant 1.000000e+00 : f32
    %sub3A_70 = vector.broadcast %sub3A : f32 to vector<400x128xf32>
    %sub3A_71 = arith.subf %sub3A_70, %add3A_68 : vector<400x128xf32>
    %mul3A_72 = arith.mulf %sub3A_71, %mul3A_53 : vector<400x128xf32>
    %add3A_73 = arith.addf %mul3A_69, %mul3A_72 : vector<400x128xf32>
    %get3A_74 = arith.constant 1 : index
    %get3A_75 = arith.constant 0 : index
    %get3A_76 = arith.constant 0 : index
    %get3A_77 = vector.load %arg1[%get3A_74, %get3A_75, %get3A_76] : memref<20x400x128xf32, #tpu.memory_space<vmem>>, vector<1x400x128xf32>
    %get3A_78 = vector.shape_cast %get3A_77 : vector<1x400x128xf32> to vector<400x128xf32>
    %get3A_79 = arith.constant 1 : index
    %get3A_80 = arith.constant 0 : index
    %get3A_81 = arith.constant 0 : index
    %get3A_82 = vector.load %arg2[%get3A_79, %get3A_80, %get3A_81] : memref<20x400x128xf32, #tpu.memory_space<vmem>>, vector<1x400x128xf32>
    %get3A_83 = vector.shape_cast %get3A_82 : vector<1x400x128xf32> to vector<400x128xf32>
    %dot_general3A_84 = arith.constant dense<0.000000e+00> : vector<400x256xf32>
    %dot_general3A_85 = tpu.matmul %add3A_73, %get3A_1, %dot_general3A_84 {dimension_numbers = #tpu.dot_dimension_numbers<[1], [0], [0], [1], [0, 0, 1, 1], [], []>, transpose_lhs_hint = false} : vector<400x128xf32>, vector<128x256xf32>, vector<400x256xf32> -> vector<400x256xf32>
    %dot_general3A_86 = arith.constant dense<0.000000e+00> : vector<400x256xf32>
    %dot_general3A_87 = tpu.matmul %get3A_83, %get3A_4, %dot_general3A_86 {dimension_numbers = #tpu.dot_dimension_numbers<[1], [0], [0], [1], [0, 0, 1, 1], [], []>, transpose_lhs_hint = false} : vector<400x128xf32>, vector<128x256xf32>, vector<400x256xf32> -> vector<400x256xf32>
    %slice3A_88 = vector.extract_strided_slice %dot_general3A_85 {offsets = [0, 0], sizes = [400, 128], strides = [1, 1]} : vector<400x256xf32> to vector<400x128xf32>
    %add3A_89 = arith.addf %get3A_78, %slice3A_88 : vector<400x128xf32>
    %dot_general3A_90 = arith.constant dense<0.000000e+00> : vector<400x256xf32>
    %dot_general3A_91 = tpu.matmul %add3A_89, %get3A_7, %dot_general3A_90 {dimension_numbers = #tpu.dot_dimension_numbers<[1], [0], [0], [1], [0, 0, 1, 1], [], []>, transpose_lhs_hint = false} : vector<400x128xf32>, vector<128x256xf32>, vector<400x256xf32> -> vector<400x256xf32>
    %slice3A_92 = vector.extract_strided_slice %dot_general3A_91 {offsets = [0, 0], sizes = [400, 128], strides = [1, 1]} : vector<400x256xf32> to vector<400x128xf32>
    %add3A_93 = vector.broadcast %get3A_10 : vector<1x128xf32> to vector<400x128xf32>
    %add3A_94 = arith.addf %slice3A_92, %add3A_93 : vector<400x128xf32>
    %tanh3A_95 = math.tanh %add3A_94 : vector<400x128xf32>
    %slice3A_96 = vector.extract_strided_slice %dot_general3A_91 {offsets = [0, 128], sizes = [400, 128], strides = [1, 1]} : vector<400x256xf32> to vector<400x128xf32>
    %slice3A_97 = vector.extract_strided_slice %dot_general3A_87 {offsets = [0, 0], sizes = [400, 128], strides = [1, 1]} : vector<400x256xf32> to vector<400x128xf32>
    %add3A_98 = arith.addf %slice3A_96, %slice3A_97 : vector<400x128xf32>
    %add3A_99 = vector.broadcast %get3A_13 : vector<1x128xf32> to vector<400x128xf32>
    %add3A_100 = arith.addf %add3A_98, %add3A_99 : vector<400x128xf32>
    %mul3A_101 = arith.constant 5.000000e-01 : f32
    %mul3A_102 = vector.broadcast %mul3A_101 : f32 to vector<400x128xf32>
    %mul3A_103 = arith.mulf %mul3A_102, %add3A_100 : vector<400x128xf32>
    %tanh3A_104 = math.tanh %mul3A_103 : vector<400x128xf32>
    %mul3A_105 = arith.constant 5.000000e-01 : f32
    %mul3A_106 = vector.broadcast %mul3A_105 : f32 to vector<400x128xf32>
    %mul3A_107 = arith.mulf %mul3A_106, %tanh3A_104 : vector<400x128xf32>
    %add3A_108 = arith.constant 5.000000e-01 : f32
    %add3A_109 = vector.broadcast %add3A_108 : f32 to vector<400x128xf32>
    %add3A_110 = arith.addf %add3A_109, %mul3A_107 : vector<400x128xf32>
    %mul3A_111 = arith.mulf %add3A_110, %tanh3A_95 : vector<400x128xf32>
    %slice3A_112 = vector.extract_strided_slice %dot_general3A_85 {offsets = [0, 128], sizes = [400, 128], strides = [1, 1]} : vector<400x256xf32> to vector<400x128xf32>
    %slice3A_113 = vector.extract_strided_slice %dot_general3A_87 {offsets = [0, 128], sizes = [400, 128], strides = [1, 1]} : vector<400x256xf32> to vector<400x128xf32>
    %add3A_114 = arith.addf %slice3A_112, %slice3A_113 : vector<400x128xf32>
    %add3A_115 = vector.broadcast %get3A_16 : vector<1x128xf32> to vector<400x128xf32>
    %add3A_116 = arith.addf %add3A_114, %add3A_115 : vector<400x128xf32>
    %mul3A_117 = arith.constant 5.000000e-01 : f32
    %mul3A_118 = vector.broadcast %mul3A_117 : f32 to vector<400x128xf32>
    %mul3A_119 = arith.mulf %mul3A_118, %add3A_116 : vector<400x128xf32>
    %tanh3A_120 = math.tanh %mul3A_119 : vector<400x128xf32>
    %mul3A_121 = arith.constant 5.000000e-01 : f32
    %mul3A_122 = vector.broadcast %mul3A_121 : f32 to vector<400x128xf32>
    %mul3A_123 = arith.mulf %mul3A_122, %tanh3A_120 : vector<400x128xf32>
    %add3A_124 = arith.constant 5.000000e-01 : f32
    %add3A_125 = vector.broadcast %add3A_124 : f32 to vector<400x128xf32>
    %add3A_126 = arith.addf %add3A_125, %mul3A_123 : vector<400x128xf32>
    %mul3A_127 = arith.mulf %add3A_126, %add3A_73 : vector<400x128xf32>
    %sub3A_128 = arith.constant 1.000000e+00 : f32
    %sub3A_129 = vector.broadcast %sub3A_128 : f32 to vector<400x128xf32>
    %sub3A_130 = arith.subf %sub3A_129, %add3A_126 : vector<400x128xf32>
    %mul3A_131 = arith.mulf %sub3A_130, %mul3A_111 : vector<400x128xf32>
    %add3A_132 = arith.addf %mul3A_127, %mul3A_131 : vector<400x128xf32>
    %get3A_133 = arith.constant 2 : index
    %get3A_134 = arith.constant 0 : index
    %get3A_135 = arith.constant 0 : index
    %get3A_136 = vector.load %arg1[%get3A_133, %get3A_134, %get3A_135] : memref<20x400x128xf32, #tpu.memory_space<vmem>>, vector<1x400x128xf32>
    %get3A_137 = vector.shape_cast %get3A_136 : vector<1x400x128xf32> to vector<400x128xf32>
    %get3A_138 = arith.constant 2 : index
    %get3A_139 = arith.constant 0 : index
    %get3A_140 = arith.constant 0 : index
    %get3A_141 = vector.load %arg2[%get3A_138, %get3A_139, %get3A_140] : memref<20x400x128xf32, #tpu.memory_space<vmem>>, vector<1x400x128xf32>
    %get3A_142 = vector.shape_cast %get3A_141 : vector<1x400x128xf32> to vector<400x128xf32>
    %dot_general3A_143 = arith.constant dense<0.000000e+00> : vector<400x256xf32>
    %dot_general3A_144 = tpu.matmul %add3A_132, %get3A_1, %dot_general3A_143 {dimension_numbers = #tpu.dot_dimension_numbers<[1], [0], [0], [1], [0, 0, 1, 1], [], []>, transpose_lhs_hint = false} : vector<400x128xf32>, vector<128x256xf32>, vector<400x256xf32> -> vector<400x256xf32>
    %dot_general3A_145 = arith.constant dense<0.000000e+00> : vector<400x256xf32>
    %dot_general3A_146 = tpu.matmul %get3A_142, %get3A_4, %dot_general3A_145 {dimension_numbers = #tpu.dot_dimension_numbers<[1], [0], [0], [1], [0, 0, 1, 1], [], []>, transpose_lhs_hint = false} : vector<400x128xf32>, vector<128x256xf32>, vector<400x256xf32> -> vector<400x256xf32>
    %slice3A_147 = vector.extract_strided_slice %dot_general3A_144 {offsets = [0, 0], sizes = [400, 128], strides = [1, 1]} : vector<400x256xf32> to vector<400x128xf32>
    %add3A_148 = arith.addf %get3A_137, %slice3A_147 : vector<400x128xf32>
    %dot_general3A_149 = arith.constant dense<0.000000e+00> : vector<400x256xf32>
    %dot_general3A_150 = tpu.matmul %add3A_148, %get3A_7, %dot_general3A_149 {dimension_numbers = #tpu.dot_dimension_numbers<[1], [0], [0], [1], [0, 0, 1, 1], [], []>, transpose_lhs_hint = false} : vector<400x128xf32>, vector<128x256xf32>, vector<400x256xf32> -> vector<400x256xf32>
    %slice3A_151 = vector.extract_strided_slice %dot_general3A_150 {offsets = [0, 0], sizes = [400, 128], strides = [1, 1]} : vector<400x256xf32> to vector<400x128xf32>
    %add3A_152 = vector.broadcast %get3A_10 : vector<1x128xf32> to vector<400x128xf32>
    %add3A_153 = arith.addf %slice3A_151, %add3A_152 : vector<400x128xf32>
    %tanh3A_154 = math.tanh %add3A_153 : vector<400x128xf32>
    %slice3A_155 = vector.extract_strided_slice %dot_general3A_150 {offsets = [0, 128], sizes = [400, 128], strides = [1, 1]} : vector<400x256xf32> to vector<400x128xf32>
    %slice3A_156 = vector.extract_strided_slice %dot_general3A_146 {offsets = [0, 0], sizes = [400, 128], strides = [1, 1]} : vector<400x256xf32> to vector<400x128xf32>
    %add3A_157 = arith.addf %slice3A_155, %slice3A_156 : vector<400x128xf32>
    %add3A_158 = vector.broadcast %get3A_13 : vector<1x128xf32> to vector<400x128xf32>
    %add3A_159 = arith.addf %add3A_157, %add3A_158 : vector<400x128xf32>
    %mul3A_160 = arith.constant 5.000000e-01 : f32
    %mul3A_161 = vector.broadcast %mul3A_160 : f32 to vector<400x128xf32>
    %mul3A_162 = arith.mulf %mul3A_161, %add3A_159 : vector<400x128xf32>
    %tanh3A_163 = math.tanh %mul3A_162 : vector<400x128xf32>
    %mul3A_164 = arith.constant 5.000000e-01 : f32
    %mul3A_165 = vector.broadcast %mul3A_164 : f32 to vector<400x128xf32>
    %mul3A_166 = arith.mulf %mul3A_165, %tanh3A_163 : vector<400x128xf32>
    %add3A_167 = arith.constant 5.000000e-01 : f32
    %add3A_168 = vector.broadcast %add3A_167 : f32 to vector<400x128xf32>
    %add3A_169 = arith.addf %add3A_168, %mul3A_166 : vector<400x128xf32>
    %mul3A_170 = arith.mulf %add3A_169, %tanh3A_154 : vector<400x128xf32>
    %slice3A_171 = vector.extract_strided_slice %dot_general3A_144 {offsets = [0, 128], sizes = [400, 128], strides = [1, 1]} : vector<400x256xf32> to vector<400x128xf32>
    %slice3A_172 = vector.extract_strided_slice %dot_general3A_146 {offsets = [0, 128], sizes = [400, 128], strides = [1, 1]} : vector<400x256xf32> to vector<400x128xf32>
    %add3A_173 = arith.addf %slice3A_171, %slice3A_172 : vector<400x128xf32>
    %add3A_174 = vector.broadcast %get3A_16 : vector<1x128xf32> to vector<400x128xf32>
    %add3A_175 = arith.addf %add3A_173, %add3A_174 : vector<400x128xf32>
    %mul3A_176 = arith.constant 5.000000e-01 : f32
    %mul3A_177 = vector.broadcast %mul3A_176 : f32 to vector<400x128xf32>
    %mul3A_178 = arith.mulf %mul3A_177, %add3A_175 : vector<400x128xf32>
    %tanh3A_179 = math.tanh %mul3A_178 : vector<400x128xf32>
    %mul3A_180 = arith.constant 5.000000e-01 : f32
    %mul3A_181 = vector.broadcast %mul3A_180 : f32 to vector<400x128xf32>
    %mul3A_182 = arith.mulf %mul3A_181, %tanh3A_179 : vector<400x128xf32>
    %add3A_183 = arith.constant 5.000000e-01 : f32
    %add3A_184 = vector.broadcast %add3A_183 : f32 to vector<400x128xf32>
    %add3A_185 = arith.addf %add3A_184, %mul3A_182 : vector<400x128xf32>
    %mul3A_186 = arith.mulf %add3A_185, %add3A_132 : vector<400x128xf32>
    %sub3A_187 = arith.constant 1.000000e+00 : f32
    %sub3A_188 = vector.broadcast %sub3A_187 : f32 to vector<400x128xf32>
    %sub3A_189 = arith.subf %sub3A_188, %add3A_185 : vector<400x128xf32>
    %mul3A_190 = arith.mulf %sub3A_189, %mul3A_170 : vector<400x128xf32>
    %add3A_191 = arith.addf %mul3A_186, %mul3A_190 : vector<400x128xf32>
    %get3A_192 = arith.constant 3 : index
    %get3A_193 = arith.constant 0 : index
    %get3A_194 = arith.constant 0 : index
    %get3A_195 = vector.load %arg1[%get3A_192, %get3A_193, %get3A_194] : memref<20x400x128xf32, #tpu.memory_space<vmem>>, vector<1x400x128xf32>
    %get3A_196 = vector.shape_cast %get3A_195 : vector<1x400x128xf32> to vector<400x128xf32>
    %get3A_197 = arith.constant 3 : index
    %get3A_198 = arith.constant 0 : index
    %get3A_199 = arith.constant 0 : index
    %get3A_200 = vector.load %arg2[%get3A_197, %get3A_198, %get3A_199] : memref<20x400x128xf32, #tpu.memory_space<vmem>>, vector<1x400x128xf32>
    %get3A_201 = vector.shape_cast %get3A_200 : vector<1x400x128xf32> to vector<400x128xf32>
    %dot_general3A_202 = arith.constant dense<0.000000e+00> : vector<400x256xf32>
    %dot_general3A_203 = tpu.matmul %add3A_191, %get3A_1, %dot_general3A_202 {dimension_numbers = #tpu.dot_dimension_numbers<[1], [0], [0], [1], [0, 0, 1, 1], [], []>, transpose_lhs_hint = false} : vector<400x128xf32>, vector<128x256xf32>, vector<400x256xf32> -> vector<400x256xf32>
    %dot_general3A_204 = arith.constant dense<0.000000e+00> : vector<400x256xf32>
    %dot_general3A_205 = tpu.matmul %get3A_201, %get3A_4, %dot_general3A_204 {dimension_numbers = #tpu.dot_dimension_numbers<[1], [0], [0], [1], [0, 0, 1, 1], [], []>, transpose_lhs_hint = false} : vector<400x128xf32>, vector<128x256xf32>, vector<400x256xf32> -> vector<400x256xf32>
    %slice3A_206 = vector.extract_strided_slice %dot_general3A_203 {offsets = [0, 0], sizes = [400, 128], strides = [1, 1]} : vector<400x256xf32> to vector<400x128xf32>
    %add3A_207 = arith.addf %get3A_196, %slice3A_206 : vector<400x128xf32>
    %dot_general3A_208 = arith.constant dense<0.000000e+00> : vector<400x256xf32>
    %dot_general3A_209 = tpu.matmul %add3A_207, %get3A_7, %dot_general3A_208 {dimension_numbers = #tpu.dot_dimension_numbers<[1], [0], [0], [1], [0, 0, 1, 1], [], []>, transpose_lhs_hint = false} : vector<400x128xf32>, vector<128x256xf32>, vector<400x256xf32> -> vector<400x256xf32>
    %slice3A_210 = vector.extract_strided_slice %dot_general3A_209 {offsets = [0, 0], sizes = [400, 128], strides = [1, 1]} : vector<400x256xf32> to vector<400x128xf32>
    %add3A_211 = vector.broadcast %get3A_10 : vector<1x128xf32> to vector<400x128xf32>
    %add3A_212 = arith.addf %slice3A_210, %add3A_211 : vector<400x128xf32>
    %tanh3A_213 = math.tanh %add3A_212 : vector<400x128xf32>
    %slice3A_214 = vector.extract_strided_slice %dot_general3A_209 {offsets = [0, 128], sizes = [400, 128], strides = [1, 1]} : vector<400x256xf32> to vector<400x128xf32>
    %slice3A_215 = vector.extract_strided_slice %dot_general3A_205 {offsets = [0, 0], sizes = [400, 128], strides = [1, 1]} : vector<400x256xf32> to vector<400x128xf32>
    %add3A_216 = arith.addf %slice3A_214, %slice3A_215 : vector<400x128xf32>
    %add3A_217 = vector.broadcast %get3A_13 : vector<1x128xf32> to vector<400x128xf32>
    %add3A_218 = arith.addf %add3A_216, %add3A_217 : vector<400x128xf32>
    %mul3A_219 = arith.constant 5.000000e-01 : f32
    %mul3A_220 = vector.broadcast %mul3A_219 : f32 to vector<400x128xf32>
    %mul3A_221 = arith.mulf %mul3A_220, %add3A_218 : vector<400x128xf32>
    %tanh3A_222 = math.tanh %mul3A_221 : vector<400x128xf32>
    %mul3A_223 = arith.constant 5.000000e-01 : f32
    %mul3A_224 = vector.broadcast %mul3A_223 : f32 to vector<400x128xf32>
    %mul3A_225 = arith.mulf %mul3A_224, %tanh3A_222 : vector<400x128xf32>
    %add3A_226 = arith.constant 5.000000e-01 : f32
    %add3A_227 = vector.broadcast %add3A_226 : f32 to vector<400x128xf32>
    %add3A_228 = arith.addf %add3A_227, %mul3A_225 : vector<400x128xf32>
    %mul3A_229 = arith.mulf %add3A_228, %tanh3A_213 : vector<400x128xf32>
    %slice3A_230 = vector.extract_strided_slice %dot_general3A_203 {offsets = [0, 128], sizes = [400, 128], strides = [1, 1]} : vector<400x256xf32> to vector<400x128xf32>
    %slice3A_231 = vector.extract_strided_slice %dot_general3A_205 {offsets = [0, 128], sizes = [400, 128], strides = [1, 1]} : vector<400x256xf32> to vector<400x128xf32>
    %add3A_232 = arith.addf %slice3A_230, %slice3A_231 : vector<400x128xf32>
    %add3A_233 = vector.broadcast %get3A_16 : vector<1x128xf32> to vector<400x128xf32>
    %add3A_234 = arith.addf %add3A_232, %add3A_233 : vector<400x128xf32>
    %mul3A_235 = arith.constant 5.000000e-01 : f32
    %mul3A_236 = vector.broadcast %mul3A_235 : f32 to vector<400x128xf32>
    %mul3A_237 = arith.mulf %mul3A_236, %add3A_234 : vector<400x128xf32>
    %tanh3A_238 = math.tanh %mul3A_237 : vector<400x128xf32>
    %mul3A_239 = arith.constant 5.000000e-01 : f32
    %mul3A_240 = vector.broadcast %mul3A_239 : f32 to vector<400x128xf32>
    %mul3A_241 = arith.mulf %mul3A_240, %tanh3A_238 : vector<400x128xf32>
    %add3A_242 = arith.constant 5.000000e-01 : f32
    %add3A_243 = vector.broadcast %add3A_242 : f32 to vector<400x128xf32>
    %add3A_244 = arith.addf %add3A_243, %mul3A_241 : vector<400x128xf32>
    %mul3A_245 = arith.mulf %add3A_244, %add3A_191 : vector<400x128xf32>
    %sub3A_246 = arith.constant 1.000000e+00 : f32
    %sub3A_247 = vector.broadcast %sub3A_246 : f32 to vector<400x128xf32>
    %sub3A_248 = arith.subf %sub3A_247, %add3A_244 : vector<400x128xf32>
    %mul3A_249 = arith.mulf %sub3A_248, %mul3A_229 : vector<400x128xf32>
    %add3A_250 = arith.addf %mul3A_245, %mul3A_249 : vector<400x128xf32>
    %get3A_251 = arith.constant 4 : index
    %get3A_252 = arith.constant 0 : index
    %get3A_253 = arith.constant 0 : index
    %get3A_254 = vector.load %arg1[%get3A_251, %get3A_252, %get3A_253] : memref<20x400x128xf32, #tpu.memory_space<vmem>>, vector<1x400x128xf32>
    %get3A_255 = vector.shape_cast %get3A_254 : vector<1x400x128xf32> to vector<400x128xf32>
    %get3A_256 = arith.constant 4 : index
    %get3A_257 = arith.constant 0 : index
    %get3A_258 = arith.constant 0 : index
    %get3A_259 = vector.load %arg2[%get3A_256, %get3A_257, %get3A_258] : memref<20x400x128xf32, #tpu.memory_space<vmem>>, vector<1x400x128xf32>
    %get3A_260 = vector.shape_cast %get3A_259 : vector<1x400x128xf32> to vector<400x128xf32>
    %dot_general3A_261 = arith.constant dense<0.000000e+00> : vector<400x256xf32>
    %dot_general3A_262 = tpu.matmul %add3A_250, %get3A_1, %dot_general3A_261 {dimension_numbers = #tpu.dot_dimension_numbers<[1], [0], [0], [1], [0, 0, 1, 1], [], []>, transpose_lhs_hint = false} : vector<400x128xf32>, vector<128x256xf32>, vector<400x256xf32> -> vector<400x256xf32>
    %dot_general3A_263 = arith.constant dense<0.000000e+00> : vector<400x256xf32>
    %dot_general3A_264 = tpu.matmul %get3A_260, %get3A_4, %dot_general3A_263 {dimension_numbers = #tpu.dot_dimension_numbers<[1], [0], [0], [1], [0, 0, 1, 1], [], []>, transpose_lhs_hint = false} : vector<400x128xf32>, vector<128x256xf32>, vector<400x256xf32> -> vector<400x256xf32>
    %slice3A_265 = vector.extract_strided_slice %dot_general3A_262 {offsets = [0, 0], sizes = [400, 128], strides = [1, 1]} : vector<400x256xf32> to vector<400x128xf32>
    %add3A_266 = arith.addf %get3A_255, %slice3A_265 : vector<400x128xf32>
    %dot_general3A_267 = arith.constant dense<0.000000e+00> : vector<400x256xf32>
    %dot_general3A_268 = tpu.matmul %add3A_266, %get3A_7, %dot_general3A_267 {dimension_numbers = #tpu.dot_dimension_numbers<[1], [0], [0], [1], [0, 0, 1, 1], [], []>, transpose_lhs_hint = false} : vector<400x128xf32>, vector<128x256xf32>, vector<400x256xf32> -> vector<400x256xf32>
    %slice3A_269 = vector.extract_strided_slice %dot_general3A_268 {offsets = [0, 0], sizes = [400, 128], strides = [1, 1]} : vector<400x256xf32> to vector<400x128xf32>
    %add3A_270 = vector.broadcast %get3A_10 : vector<1x128xf32> to vector<400x128xf32>
    %add3A_271 = arith.addf %slice3A_269, %add3A_270 : vector<400x128xf32>
    %tanh3A_272 = math.tanh %add3A_271 : vector<400x128xf32>
    %slice3A_273 = vector.extract_strided_slice %dot_general3A_268 {offsets = [0, 128], sizes = [400, 128], strides = [1, 1]} : vector<400x256xf32> to vector<400x128xf32>
    %slice3A_274 = vector.extract_strided_slice %dot_general3A_264 {offsets = [0, 0], sizes = [400, 128], strides = [1, 1]} : vector<400x256xf32> to vector<400x128xf32>
    %add3A_275 = arith.addf %slice3A_273, %slice3A_274 : vector<400x128xf32>
    %add3A_276 = vector.broadcast %get3A_13 : vector<1x128xf32> to vector<400x128xf32>
    %add3A_277 = arith.addf %add3A_275, %add3A_276 : vector<400x128xf32>
    %mul3A_278 = arith.constant 5.000000e-01 : f32
    %mul3A_279 = vector.broadcast %mul3A_278 : f32 to vector<400x128xf32>
    %mul3A_280 = arith.mulf %mul3A_279, %add3A_277 : vector<400x128xf32>
    %tanh3A_281 = math.tanh %mul3A_280 : vector<400x128xf32>
    %mul3A_282 = arith.constant 5.000000e-01 : f32
    %mul3A_283 = vector.broadcast %mul3A_282 : f32 to vector<400x128xf32>
    %mul3A_284 = arith.mulf %mul3A_283, %tanh3A_281 : vector<400x128xf32>
    %add3A_285 = arith.constant 5.000000e-01 : f32
    %add3A_286 = vector.broadcast %add3A_285 : f32 to vector<400x128xf32>
    %add3A_287 = arith.addf %add3A_286, %mul3A_284 : vector<400x128xf32>
    %mul3A_288 = arith.mulf %add3A_287, %tanh3A_272 : vector<400x128xf32>
    %slice3A_289 = vector.extract_strided_slice %dot_general3A_262 {offsets = [0, 128], sizes = [400, 128], strides = [1, 1]} : vector<400x256xf32> to vector<400x128xf32>
    %slice3A_290 = vector.extract_strided_slice %dot_general3A_264 {offsets = [0, 128], sizes = [400, 128], strides = [1, 1]} : vector<400x256xf32> to vector<400x128xf32>
    %add3A_291 = arith.addf %slice3A_289, %slice3A_290 : vector<400x128xf32>
    %add3A_292 = vector.broadcast %get3A_16 : vector<1x128xf32> to vector<400x128xf32>
    %add3A_293 = arith.addf %add3A_291, %add3A_292 : vector<400x128xf32>
    %mul3A_294 = arith.constant 5.000000e-01 : f32
    %mul3A_295 = vector.broadcast %mul3A_294 : f32 to vector<400x128xf32>
    %mul3A_296 = arith.mulf %mul3A_295, %add3A_293 : vector<400x128xf32>
    %tanh3A_297 = math.tanh %mul3A_296 : vector<400x128xf32>
    %mul3A_298 = arith.constant 5.000000e-01 : f32
    %mul3A_299 = vector.broadcast %mul3A_298 : f32 to vector<400x128xf32>
    %mul3A_300 = arith.mulf %mul3A_299, %tanh3A_297 : vector<400x128xf32>
    %add3A_301 = arith.constant 5.000000e-01 : f32
    %add3A_302 = vector.broadcast %add3A_301 : f32 to vector<400x128xf32>
    %add3A_303 = arith.addf %add3A_302, %mul3A_300 : vector<400x128xf32>
    %mul3A_304 = arith.mulf %add3A_303, %add3A_250 : vector<400x128xf32>
    %sub3A_305 = arith.constant 1.000000e+00 : f32
    %sub3A_306 = vector.broadcast %sub3A_305 : f32 to vector<400x128xf32>
    %sub3A_307 = arith.subf %sub3A_306, %add3A_303 : vector<400x128xf32>
    %mul3A_308 = arith.mulf %sub3A_307, %mul3A_288 : vector<400x128xf32>
    %add3A_309 = arith.addf %mul3A_304, %mul3A_308 : vector<400x128xf32>
    %get3A_310 = arith.constant 5 : index
    %get3A_311 = arith.constant 0 : index
    %get3A_312 = arith.constant 0 : index
    %get3A_313 = vector.load %arg1[%get3A_310, %get3A_311, %get3A_312] : memref<20x400x128xf32, #tpu.memory_space<vmem>>, vector<1x400x128xf32>
    %get3A_314 = vector.shape_cast %get3A_313 : vector<1x400x128xf32> to vector<400x128xf32>
    %get3A_315 = arith.constant 5 : index
    %get3A_316 = arith.constant 0 : index
    %get3A_317 = arith.constant 0 : index
    %get3A_318 = vector.load %arg2[%get3A_315, %get3A_316, %get3A_317] : memref<20x400x128xf32, #tpu.memory_space<vmem>>, vector<1x400x128xf32>
    %get3A_319 = vector.shape_cast %get3A_318 : vector<1x400x128xf32> to vector<400x128xf32>
    %dot_general3A_320 = arith.constant dense<0.000000e+00> : vector<400x256xf32>
    %dot_general3A_321 = tpu.matmul %add3A_309, %get3A_1, %dot_general3A_320 {dimension_numbers = #tpu.dot_dimension_numbers<[1], [0], [0], [1], [0, 0, 1, 1], [], []>, transpose_lhs_hint = false} : vector<400x128xf32>, vector<128x256xf32>, vector<400x256xf32> -> vector<400x256xf32>
    %dot_general3A_322 = arith.constant dense<0.000000e+00> : vector<400x256xf32>
    %dot_general3A_323 = tpu.matmul %get3A_319, %get3A_4, %dot_general3A_322 {dimension_numbers = #tpu.dot_dimension_numbers<[1], [0], [0], [1], [0, 0, 1, 1], [], []>, transpose_lhs_hint = false} : vector<400x128xf32>, vector<128x256xf32>, vector<400x256xf32> -> vector<400x256xf32>
    %slice3A_324 = vector.extract_strided_slice %dot_general3A_321 {offsets = [0, 0], sizes = [400, 128], strides = [1, 1]} : vector<400x256xf32> to vector<400x128xf32>
    %add3A_325 = arith.addf %get3A_314, %slice3A_324 : vector<400x128xf32>
    %dot_general3A_326 = arith.constant dense<0.000000e+00> : vector<400x256xf32>
    %dot_general3A_327 = tpu.matmul %add3A_325, %get3A_7, %dot_general3A_326 {dimension_numbers = #tpu.dot_dimension_numbers<[1], [0], [0], [1], [0, 0, 1, 1], [], []>, transpose_lhs_hint = false} : vector<400x128xf32>, vector<128x256xf32>, vector<400x256xf32> -> vector<400x256xf32>
    %slice3A_328 = vector.extract_strided_slice %dot_general3A_327 {offsets = [0, 0], sizes = [400, 128], strides = [1, 1]} : vector<400x256xf32> to vector<400x128xf32>
    %add3A_329 = vector.broadcast %get3A_10 : vector<1x128xf32> to vector<400x128xf32>
    %add3A_330 = arith.addf %slice3A_328, %add3A_329 : vector<400x128xf32>
    %tanh3A_331 = math.tanh %add3A_330 : vector<400x128xf32>
    %slice3A_332 = vector.extract_strided_slice %dot_general3A_327 {offsets = [0, 128], sizes = [400, 128], strides = [1, 1]} : vector<400x256xf32> to vector<400x128xf32>
    %slice3A_333 = vector.extract_strided_slice %dot_general3A_323 {offsets = [0, 0], sizes = [400, 128], strides = [1, 1]} : vector<400x256xf32> to vector<400x128xf32>
    %add3A_334 = arith.addf %slice3A_332, %slice3A_333 : vector<400x128xf32>
    %add3A_335 = vector.broadcast %get3A_13 : vector<1x128xf32> to vector<400x128xf32>
    %add3A_336 = arith.addf %add3A_334, %add3A_335 : vector<400x128xf32>
    %mul3A_337 = arith.constant 5.000000e-01 : f32
    %mul3A_338 = vector.broadcast %mul3A_337 : f32 to vector<400x128xf32>
    %mul3A_339 = arith.mulf %mul3A_338, %add3A_336 : vector<400x128xf32>
    %tanh3A_340 = math.tanh %mul3A_339 : vector<400x128xf32>
    %mul3A_341 = arith.constant 5.000000e-01 : f32
    %mul3A_342 = vector.broadcast %mul3A_341 : f32 to vector<400x128xf32>
    %mul3A_343 = arith.mulf %mul3A_342, %tanh3A_340 : vector<400x128xf32>
    %add3A_344 = arith.constant 5.000000e-01 : f32
    %add3A_345 = vector.broadcast %add3A_344 : f32 to vector<400x128xf32>
    %add3A_346 = arith.addf %add3A_345, %mul3A_343 : vector<400x128xf32>
    %mul3A_347 = arith.mulf %add3A_346, %tanh3A_331 : vector<400x128xf32>
    %slice3A_348 = vector.extract_strided_slice %dot_general3A_321 {offsets = [0, 128], sizes = [400, 128], strides = [1, 1]} : vector<400x256xf32> to vector<400x128xf32>
    %slice3A_349 = vector.extract_strided_slice %dot_general3A_323 {offsets = [0, 128], sizes = [400, 128], strides = [1, 1]} : vector<400x256xf32> to vector<400x128xf32>
    %add3A_350 = arith.addf %slice3A_348, %slice3A_349 : vector<400x128xf32>
    %add3A_351 = vector.broadcast %get3A_16 : vector<1x128xf32> to vector<400x128xf32>
    %add3A_352 = arith.addf %add3A_350, %add3A_351 : vector<400x128xf32>
    %mul3A_353 = arith.constant 5.000000e-01 : f32
    %mul3A_354 = vector.broadcast %mul3A_353 : f32 to vector<400x128xf32>
    %mul3A_355 = arith.mulf %mul3A_354, %add3A_352 : vector<400x128xf32>
    %tanh3A_356 = math.tanh %mul3A_355 : vector<400x128xf32>
    %mul3A_357 = arith.constant 5.000000e-01 : f32
    %mul3A_358 = vector.broadcast %mul3A_357 : f32 to vector<400x128xf32>
    %mul3A_359 = arith.mulf %mul3A_358, %tanh3A_356 : vector<400x128xf32>
    %add3A_360 = arith.constant 5.000000e-01 : f32
    %add3A_361 = vector.broadcast %add3A_360 : f32 to vector<400x128xf32>
    %add3A_362 = arith.addf %add3A_361, %mul3A_359 : vector<400x128xf32>
    %mul3A_363 = arith.mulf %add3A_362, %add3A_309 : vector<400x128xf32>
    %sub3A_364 = arith.constant 1.000000e+00 : f32
    %sub3A_365 = vector.broadcast %sub3A_364 : f32 to vector<400x128xf32>
    %sub3A_366 = arith.subf %sub3A_365, %add3A_362 : vector<400x128xf32>
    %mul3A_367 = arith.mulf %sub3A_366, %mul3A_347 : vector<400x128xf32>
    %add3A_368 = arith.addf %mul3A_363, %mul3A_367 : vector<400x128xf32>
    %get3A_369 = arith.constant 6 : index
    %get3A_370 = arith.constant 0 : index
    %get3A_371 = arith.constant 0 : index
    %get3A_372 = vector.load %arg1[%get3A_369, %get3A_370, %get3A_371] : memref<20x400x128xf32, #tpu.memory_space<vmem>>, vector<1x400x128xf32>
    %get3A_373 = vector.shape_cast %get3A_372 : vector<1x400x128xf32> to vector<400x128xf32>
    %get3A_374 = arith.constant 6 : index
    %get3A_375 = arith.constant 0 : index
    %get3A_376 = arith.constant 0 : index
    %get3A_377 = vector.load %arg2[%get3A_374, %get3A_375, %get3A_376] : memref<20x400x128xf32, #tpu.memory_space<vmem>>, vector<1x400x128xf32>
    %get3A_378 = vector.shape_cast %get3A_377 : vector<1x400x128xf32> to vector<400x128xf32>
    %dot_general3A_379 = arith.constant dense<0.000000e+00> : vector<400x256xf32>
    %dot_general3A_380 = tpu.matmul %add3A_368, %get3A_1, %dot_general3A_379 {dimension_numbers = #tpu.dot_dimension_numbers<[1], [0], [0], [1], [0, 0, 1, 1], [], []>, transpose_lhs_hint = false} : vector<400x128xf32>, vector<128x256xf32>, vector<400x256xf32> -> vector<400x256xf32>
    %dot_general3A_381 = arith.constant dense<0.000000e+00> : vector<400x256xf32>
    %dot_general3A_382 = tpu.matmul %get3A_378, %get3A_4, %dot_general3A_381 {dimension_numbers = #tpu.dot_dimension_numbers<[1], [0], [0], [1], [0, 0, 1, 1], [], []>, transpose_lhs_hint = false} : vector<400x128xf32>, vector<128x256xf32>, vector<400x256xf32> -> vector<400x256xf32>
    %slice3A_383 = vector.extract_strided_slice %dot_general3A_380 {offsets = [0, 0], sizes = [400, 128], strides = [1, 1]} : vector<400x256xf32> to vector<400x128xf32>
    %add3A_384 = arith.addf %get3A_373, %slice3A_383 : vector<400x128xf32>
    %dot_general3A_385 = arith.constant dense<0.000000e+00> : vector<400x256xf32>
    %dot_general3A_386 = tpu.matmul %add3A_384, %get3A_7, %dot_general3A_385 {dimension_numbers = #tpu.dot_dimension_numbers<[1], [0], [0], [1], [0, 0, 1, 1], [], []>, transpose_lhs_hint = false} : vector<400x128xf32>, vector<128x256xf32>, vector<400x256xf32> -> vector<400x256xf32>
    %slice3A_387 = vector.extract_strided_slice %dot_general3A_386 {offsets = [0, 0], sizes = [400, 128], strides = [1, 1]} : vector<400x256xf32> to vector<400x128xf32>
    %add3A_388 = vector.broadcast %get3A_10 : vector<1x128xf32> to vector<400x128xf32>
    %add3A_389 = arith.addf %slice3A_387, %add3A_388 : vector<400x128xf32>
    %tanh3A_390 = math.tanh %add3A_389 : vector<400x128xf32>
    %slice3A_391 = vector.extract_strided_slice %dot_general3A_386 {offsets = [0, 128], sizes = [400, 128], strides = [1, 1]} : vector<400x256xf32> to vector<400x128xf32>
    %slice3A_392 = vector.extract_strided_slice %dot_general3A_382 {offsets = [0, 0], sizes = [400, 128], strides = [1, 1]} : vector<400x256xf32> to vector<400x128xf32>
    %add3A_393 = arith.addf %slice3A_391, %slice3A_392 : vector<400x128xf32>
    %add3A_394 = vector.broadcast %get3A_13 : vector<1x128xf32> to vector<400x128xf32>
    %add3A_395 = arith.addf %add3A_393, %add3A_394 : vector<400x128xf32>
    %mul3A_396 = arith.constant 5.000000e-01 : f32
    %mul3A_397 = vector.broadcast %mul3A_396 : f32 to vector<400x128xf32>
    %mul3A_398 = arith.mulf %mul3A_397, %add3A_395 : vector<400x128xf32>
    %tanh3A_399 = math.tanh %mul3A_398 : vector<400x128xf32>
    %mul3A_400 = arith.constant 5.000000e-01 : f32
    %mul3A_401 = vector.broadcast %mul3A_400 : f32 to vector<400x128xf32>
    %mul3A_402 = arith.mulf %mul3A_401, %tanh3A_399 : vector<400x128xf32>
    %add3A_403 = arith.constant 5.000000e-01 : f32
    %add3A_404 = vector.broadcast %add3A_403 : f32 to vector<400x128xf32>
    %add3A_405 = arith.addf %add3A_404, %mul3A_402 : vector<400x128xf32>
    %mul3A_406 = arith.mulf %add3A_405, %tanh3A_390 : vector<400x128xf32>
    %slice3A_407 = vector.extract_strided_slice %dot_general3A_380 {offsets = [0, 128], sizes = [400, 128], strides = [1, 1]} : vector<400x256xf32> to vector<400x128xf32>
    %slice3A_408 = vector.extract_strided_slice %dot_general3A_382 {offsets = [0, 128], sizes = [400, 128], strides = [1, 1]} : vector<400x256xf32> to vector<400x128xf32>
    %add3A_409 = arith.addf %slice3A_407, %slice3A_408 : vector<400x128xf32>
    %add3A_410 = vector.broadcast %get3A_16 : vector<1x128xf32> to vector<400x128xf32>
    %add3A_411 = arith.addf %add3A_409, %add3A_410 : vector<400x128xf32>
    %mul3A_412 = arith.constant 5.000000e-01 : f32
    %mul3A_413 = vector.broadcast %mul3A_412 : f32 to vector<400x128xf32>
    %mul3A_414 = arith.mulf %mul3A_413, %add3A_411 : vector<400x128xf32>
    %tanh3A_415 = math.tanh %mul3A_414 : vector<400x128xf32>
    %mul3A_416 = arith.constant 5.000000e-01 : f32
    %mul3A_417 = vector.broadcast %mul3A_416 : f32 to vector<400x128xf32>
    %mul3A_418 = arith.mulf %mul3A_417, %tanh3A_415 : vector<400x128xf32>
    %add3A_419 = arith.constant 5.000000e-01 : f32
    %add3A_420 = vector.broadcast %add3A_419 : f32 to vector<400x128xf32>
    %add3A_421 = arith.addf %add3A_420, %mul3A_418 : vector<400x128xf32>
    %mul3A_422 = arith.mulf %add3A_421, %add3A_368 : vector<400x128xf32>
    %sub3A_423 = arith.constant 1.000000e+00 : f32
    %sub3A_424 = vector.broadcast %sub3A_423 : f32 to vector<400x128xf32>
    %sub3A_425 = arith.subf %sub3A_424, %add3A_421 : vector<400x128xf32>
    %mul3A_426 = arith.mulf %sub3A_425, %mul3A_406 : vector<400x128xf32>
    %add3A_427 = arith.addf %mul3A_422, %mul3A_426 : vector<400x128xf32>
    %get3A_428 = arith.constant 7 : index
    %get3A_429 = arith.constant 0 : index
    %get3A_430 = arith.constant 0 : index
    %get3A_431 = vector.load %arg1[%get3A_428, %get3A_429, %get3A_430] : memref<20x400x128xf32, #tpu.memory_space<vmem>>, vector<1x400x128xf32>
    %get3A_432 = vector.shape_cast %get3A_431 : vector<1x400x128xf32> to vector<400x128xf32>
    %get3A_433 = arith.constant 7 : index
    %get3A_434 = arith.constant 0 : index
    %get3A_435 = arith.constant 0 : index
    %get3A_436 = vector.load %arg2[%get3A_433, %get3A_434, %get3A_435] : memref<20x400x128xf32, #tpu.memory_space<vmem>>, vector<1x400x128xf32>
    %get3A_437 = vector.shape_cast %get3A_436 : vector<1x400x128xf32> to vector<400x128xf32>
    %dot_general3A_438 = arith.constant dense<0.000000e+00> : vector<400x256xf32>
    %dot_general3A_439 = tpu.matmul %add3A_427, %get3A_1, %dot_general3A_438 {dimension_numbers = #tpu.dot_dimension_numbers<[1], [0], [0], [1], [0, 0, 1, 1], [], []>, transpose_lhs_hint = false} : vector<400x128xf32>, vector<128x256xf32>, vector<400x256xf32> -> vector<400x256xf32>
    %dot_general3A_440 = arith.constant dense<0.000000e+00> : vector<400x256xf32>
    %dot_general3A_441 = tpu.matmul %get3A_437, %get3A_4, %dot_general3A_440 {dimension_numbers = #tpu.dot_dimension_numbers<[1], [0], [0], [1], [0, 0, 1, 1], [], []>, transpose_lhs_hint = false} : vector<400x128xf32>, vector<128x256xf32>, vector<400x256xf32> -> vector<400x256xf32>
    %slice3A_442 = vector.extract_strided_slice %dot_general3A_439 {offsets = [0, 0], sizes = [400, 128], strides = [1, 1]} : vector<400x256xf32> to vector<400x128xf32>
    %add3A_443 = arith.addf %get3A_432, %slice3A_442 : vector<400x128xf32>
    %dot_general3A_444 = arith.constant dense<0.000000e+00> : vector<400x256xf32>
    %dot_general3A_445 = tpu.matmul %add3A_443, %get3A_7, %dot_general3A_444 {dimension_numbers = #tpu.dot_dimension_numbers<[1], [0], [0], [1], [0, 0, 1, 1], [], []>, transpose_lhs_hint = false} : vector<400x128xf32>, vector<128x256xf32>, vector<400x256xf32> -> vector<400x256xf32>
    %slice3A_446 = vector.extract_strided_slice %dot_general3A_445 {offsets = [0, 0], sizes = [400, 128], strides = [1, 1]} : vector<400x256xf32> to vector<400x128xf32>
    %add3A_447 = vector.broadcast %get3A_10 : vector<1x128xf32> to vector<400x128xf32>
    %add3A_448 = arith.addf %slice3A_446, %add3A_447 : vector<400x128xf32>
    %tanh3A_449 = math.tanh %add3A_448 : vector<400x128xf32>
    %slice3A_450 = vector.extract_strided_slice %dot_general3A_445 {offsets = [0, 128], sizes = [400, 128], strides = [1, 1]} : vector<400x256xf32> to vector<400x128xf32>
    %slice3A_451 = vector.extract_strided_slice %dot_general3A_441 {offsets = [0, 0], sizes = [400, 128], strides = [1, 1]} : vector<400x256xf32> to vector<400x128xf32>
    %add3A_452 = arith.addf %slice3A_450, %slice3A_451 : vector<400x128xf32>
    %add3A_453 = vector.broadcast %get3A_13 : vector<1x128xf32> to vector<400x128xf32>
    %add3A_454 = arith.addf %add3A_452, %add3A_453 : vector<400x128xf32>
    %mul3A_455 = arith.constant 5.000000e-01 : f32
    %mul3A_456 = vector.broadcast %mul3A_455 : f32 to vector<400x128xf32>
    %mul3A_457 = arith.mulf %mul3A_456, %add3A_454 : vector<400x128xf32>
    %tanh3A_458 = math.tanh %mul3A_457 : vector<400x128xf32>
    %mul3A_459 = arith.constant 5.000000e-01 : f32
    %mul3A_460 = vector.broadcast %mul3A_459 : f32 to vector<400x128xf32>
    %mul3A_461 = arith.mulf %mul3A_460, %tanh3A_458 : vector<400x128xf32>
    %add3A_462 = arith.constant 5.000000e-01 : f32
    %add3A_463 = vector.broadcast %add3A_462 : f32 to vector<400x128xf32>
    %add3A_464 = arith.addf %add3A_463, %mul3A_461 : vector<400x128xf32>
    %mul3A_465 = arith.mulf %add3A_464, %tanh3A_449 : vector<400x128xf32>
    %slice3A_466 = vector.extract_strided_slice %dot_general3A_439 {offsets = [0, 128], sizes = [400, 128], strides = [1, 1]} : vector<400x256xf32> to vector<400x128xf32>
    %slice3A_467 = vector.extract_strided_slice %dot_general3A_441 {offsets = [0, 128], sizes = [400, 128], strides = [1, 1]} : vector<400x256xf32> to vector<400x128xf32>
    %add3A_468 = arith.addf %slice3A_466, %slice3A_467 : vector<400x128xf32>
    %add3A_469 = vector.broadcast %get3A_16 : vector<1x128xf32> to vector<400x128xf32>
    %add3A_470 = arith.addf %add3A_468, %add3A_469 : vector<400x128xf32>
    %mul3A_471 = arith.constant 5.000000e-01 : f32
    %mul3A_472 = vector.broadcast %mul3A_471 : f32 to vector<400x128xf32>
    %mul3A_473 = arith.mulf %mul3A_472, %add3A_470 : vector<400x128xf32>
    %tanh3A_474 = math.tanh %mul3A_473 : vector<400x128xf32>
    %mul3A_475 = arith.constant 5.000000e-01 : f32
    %mul3A_476 = vector.broadcast %mul3A_475 : f32 to vector<400x128xf32>
    %mul3A_477 = arith.mulf %mul3A_476, %tanh3A_474 : vector<400x128xf32>
    %add3A_478 = arith.constant 5.000000e-01 : f32
    %add3A_479 = vector.broadcast %add3A_478 : f32 to vector<400x128xf32>
    %add3A_480 = arith.addf %add3A_479, %mul3A_477 : vector<400x128xf32>
    %mul3A_481 = arith.mulf %add3A_480, %add3A_427 : vector<400x128xf32>
    %sub3A_482 = arith.constant 1.000000e+00 : f32
    %sub3A_483 = vector.broadcast %sub3A_482 : f32 to vector<400x128xf32>
    %sub3A_484 = arith.subf %sub3A_483, %add3A_480 : vector<400x128xf32>
    %mul3A_485 = arith.mulf %sub3A_484, %mul3A_465 : vector<400x128xf32>
    %add3A_486 = arith.addf %mul3A_481, %mul3A_485 : vector<400x128xf32>
    %get3A_487 = arith.constant 8 : index
    %get3A_488 = arith.constant 0 : index
    %get3A_489 = arith.constant 0 : index
    %get3A_490 = vector.load %arg1[%get3A_487, %get3A_488, %get3A_489] : memref<20x400x128xf32, #tpu.memory_space<vmem>>, vector<1x400x128xf32>
    %get3A_491 = vector.shape_cast %get3A_490 : vector<1x400x128xf32> to vector<400x128xf32>
    %get3A_492 = arith.constant 8 : index
    %get3A_493 = arith.constant 0 : index
    %get3A_494 = arith.constant 0 : index
    %get3A_495 = vector.load %arg2[%get3A_492, %get3A_493, %get3A_494] : memref<20x400x128xf32, #tpu.memory_space<vmem>>, vector<1x400x128xf32>
    %get3A_496 = vector.shape_cast %get3A_495 : vector<1x400x128xf32> to vector<400x128xf32>
    %dot_general3A_497 = arith.constant dense<0.000000e+00> : vector<400x256xf32>
    %dot_general3A_498 = tpu.matmul %add3A_486, %get3A_1, %dot_general3A_497 {dimension_numbers = #tpu.dot_dimension_numbers<[1], [0], [0], [1], [0, 0, 1, 1], [], []>, transpose_lhs_hint = false} : vector<400x128xf32>, vector<128x256xf32>, vector<400x256xf32> -> vector<400x256xf32>
    %dot_general3A_499 = arith.constant dense<0.000000e+00> : vector<400x256xf32>
    %dot_general3A_500 = tpu.matmul %get3A_496, %get3A_4, %dot_general3A_499 {dimension_numbers = #tpu.dot_dimension_numbers<[1], [0], [0], [1], [0, 0, 1, 1], [], []>, transpose_lhs_hint = false} : vector<400x128xf32>, vector<128x256xf32>, vector<400x256xf32> -> vector<400x256xf32>
    %slice3A_501 = vector.extract_strided_slice %dot_general3A_498 {offsets = [0, 0], sizes = [400, 128], strides = [1, 1]} : vector<400x256xf32> to vector<400x128xf32>
    %add3A_502 = arith.addf %get3A_491, %slice3A_501 : vector<400x128xf32>
    %dot_general3A_503 = arith.constant dense<0.000000e+00> : vector<400x256xf32>
    %dot_general3A_504 = tpu.matmul %add3A_502, %get3A_7, %dot_general3A_503 {dimension_numbers = #tpu.dot_dimension_numbers<[1], [0], [0], [1], [0, 0, 1, 1], [], []>, transpose_lhs_hint = false} : vector<400x128xf32>, vector<128x256xf32>, vector<400x256xf32> -> vector<400x256xf32>
    %slice3A_505 = vector.extract_strided_slice %dot_general3A_504 {offsets = [0, 0], sizes = [400, 128], strides = [1, 1]} : vector<400x256xf32> to vector<400x128xf32>
    %add3A_506 = vector.broadcast %get3A_10 : vector<1x128xf32> to vector<400x128xf32>
    %add3A_507 = arith.addf %slice3A_505, %add3A_506 : vector<400x128xf32>
    %tanh3A_508 = math.tanh %add3A_507 : vector<400x128xf32>
    %slice3A_509 = vector.extract_strided_slice %dot_general3A_504 {offsets = [0, 128], sizes = [400, 128], strides = [1, 1]} : vector<400x256xf32> to vector<400x128xf32>
    %slice3A_510 = vector.extract_strided_slice %dot_general3A_500 {offsets = [0, 0], sizes = [400, 128], strides = [1, 1]} : vector<400x256xf32> to vector<400x128xf32>
    %add3A_511 = arith.addf %slice3A_509, %slice3A_510 : vector<400x128xf32>
    %add3A_512 = vector.broadcast %get3A_13 : vector<1x128xf32> to vector<400x128xf32>
    %add3A_513 = arith.addf %add3A_511, %add3A_512 : vector<400x128xf32>
    %mul3A_514 = arith.constant 5.000000e-01 : f32
    %mul3A_515 = vector.broadcast %mul3A_514 : f32 to vector<400x128xf32>
    %mul3A_516 = arith.mulf %mul3A_515, %add3A_513 : vector<400x128xf32>
    %tanh3A_517 = math.tanh %mul3A_516 : vector<400x128xf32>
    %mul3A_518 = arith.constant 5.000000e-01 : f32
    %mul3A_519 = vector.broadcast %mul3A_518 : f32 to vector<400x128xf32>
    %mul3A_520 = arith.mulf %mul3A_519, %tanh3A_517 : vector<400x128xf32>
    %add3A_521 = arith.constant 5.000000e-01 : f32
    %add3A_522 = vector.broadcast %add3A_521 : f32 to vector<400x128xf32>
    %add3A_523 = arith.addf %add3A_522, %mul3A_520 : vector<400x128xf32>
    %mul3A_524 = arith.mulf %add3A_523, %tanh3A_508 : vector<400x128xf32>
    %slice3A_525 = vector.extract_strided_slice %dot_general3A_498 {offsets = [0, 128], sizes = [400, 128], strides = [1, 1]} : vector<400x256xf32> to vector<400x128xf32>
    %slice3A_526 = vector.extract_strided_slice %dot_general3A_500 {offsets = [0, 128], sizes = [400, 128], strides = [1, 1]} : vector<400x256xf32> to vector<400x128xf32>
    %add3A_527 = arith.addf %slice3A_525, %slice3A_526 : vector<400x128xf32>
    %add3A_528 = vector.broadcast %get3A_16 : vector<1x128xf32> to vector<400x128xf32>
    %add3A_529 = arith.addf %add3A_527, %add3A_528 : vector<400x128xf32>
    %mul3A_530 = arith.constant 5.000000e-01 : f32
    %mul3A_531 = vector.broadcast %mul3A_530 : f32 to vector<400x128xf32>
    %mul3A_532 = arith.mulf %mul3A_531, %add3A_529 : vector<400x128xf32>
    %tanh3A_533 = math.tanh %mul3A_532 : vector<400x128xf32>
    %mul3A_534 = arith.constant 5.000000e-01 : f32
    %mul3A_535 = vector.broadcast %mul3A_534 : f32 to vector<400x128xf32>
    %mul3A_536 = arith.mulf %mul3A_535, %tanh3A_533 : vector<400x128xf32>
    %add3A_537 = arith.constant 5.000000e-01 : f32
    %add3A_538 = vector.broadcast %add3A_537 : f32 to vector<400x128xf32>
    %add3A_539 = arith.addf %add3A_538, %mul3A_536 : vector<400x128xf32>
    %mul3A_540 = arith.mulf %add3A_539, %add3A_486 : vector<400x128xf32>
    %sub3A_541 = arith.constant 1.000000e+00 : f32
    %sub3A_542 = vector.broadcast %sub3A_541 : f32 to vector<400x128xf32>
    %sub3A_543 = arith.subf %sub3A_542, %add3A_539 : vector<400x128xf32>
    %mul3A_544 = arith.mulf %sub3A_543, %mul3A_524 : vector<400x128xf32>
    %add3A_545 = arith.addf %mul3A_540, %mul3A_544 : vector<400x128xf32>
    %get3A_546 = arith.constant 9 : index
    %get3A_547 = arith.constant 0 : index
    %get3A_548 = arith.constant 0 : index
    %get3A_549 = vector.load %arg1[%get3A_546, %get3A_547, %get3A_548] : memref<20x400x128xf32, #tpu.memory_space<vmem>>, vector<1x400x128xf32>
    %get3A_550 = vector.shape_cast %get3A_549 : vector<1x400x128xf32> to vector<400x128xf32>
    %get3A_551 = arith.constant 9 : index
    %get3A_552 = arith.constant 0 : index
    %get3A_553 = arith.constant 0 : index
    %get3A_554 = vector.load %arg2[%get3A_551, %get3A_552, %get3A_553] : memref<20x400x128xf32, #tpu.memory_space<vmem>>, vector<1x400x128xf32>
    %get3A_555 = vector.shape_cast %get3A_554 : vector<1x400x128xf32> to vector<400x128xf32>
    %dot_general3A_556 = arith.constant dense<0.000000e+00> : vector<400x256xf32>
    %dot_general3A_557 = tpu.matmul %add3A_545, %get3A_1, %dot_general3A_556 {dimension_numbers = #tpu.dot_dimension_numbers<[1], [0], [0], [1], [0, 0, 1, 1], [], []>, transpose_lhs_hint = false} : vector<400x128xf32>, vector<128x256xf32>, vector<400x256xf32> -> vector<400x256xf32>
    %dot_general3A_558 = arith.constant dense<0.000000e+00> : vector<400x256xf32>
    %dot_general3A_559 = tpu.matmul %get3A_555, %get3A_4, %dot_general3A_558 {dimension_numbers = #tpu.dot_dimension_numbers<[1], [0], [0], [1], [0, 0, 1, 1], [], []>, transpose_lhs_hint = false} : vector<400x128xf32>, vector<128x256xf32>, vector<400x256xf32> -> vector<400x256xf32>
    %slice3A_560 = vector.extract_strided_slice %dot_general3A_557 {offsets = [0, 0], sizes = [400, 128], strides = [1, 1]} : vector<400x256xf32> to vector<400x128xf32>
    %add3A_561 = arith.addf %get3A_550, %slice3A_560 : vector<400x128xf32>
    %dot_general3A_562 = arith.constant dense<0.000000e+00> : vector<400x256xf32>
    %dot_general3A_563 = tpu.matmul %add3A_561, %get3A_7, %dot_general3A_562 {dimension_numbers = #tpu.dot_dimension_numbers<[1], [0], [0], [1], [0, 0, 1, 1], [], []>, transpose_lhs_hint = false} : vector<400x128xf32>, vector<128x256xf32>, vector<400x256xf32> -> vector<400x256xf32>
    %slice3A_564 = vector.extract_strided_slice %dot_general3A_563 {offsets = [0, 0], sizes = [400, 128], strides = [1, 1]} : vector<400x256xf32> to vector<400x128xf32>
    %add3A_565 = vector.broadcast %get3A_10 : vector<1x128xf32> to vector<400x128xf32>
    %add3A_566 = arith.addf %slice3A_564, %add3A_565 : vector<400x128xf32>
    %tanh3A_567 = math.tanh %add3A_566 : vector<400x128xf32>
    %slice3A_568 = vector.extract_strided_slice %dot_general3A_563 {offsets = [0, 128], sizes = [400, 128], strides = [1, 1]} : vector<400x256xf32> to vector<400x128xf32>
    %slice3A_569 = vector.extract_strided_slice %dot_general3A_559 {offsets = [0, 0], sizes = [400, 128], strides = [1, 1]} : vector<400x256xf32> to vector<400x128xf32>
    %add3A_570 = arith.addf %slice3A_568, %slice3A_569 : vector<400x128xf32>
    %add3A_571 = vector.broadcast %get3A_13 : vector<1x128xf32> to vector<400x128xf32>
    %add3A_572 = arith.addf %add3A_570, %add3A_571 : vector<400x128xf32>
    %mul3A_573 = arith.constant 5.000000e-01 : f32
    %mul3A_574 = vector.broadcast %mul3A_573 : f32 to vector<400x128xf32>
    %mul3A_575 = arith.mulf %mul3A_574, %add3A_572 : vector<400x128xf32>
    %tanh3A_576 = math.tanh %mul3A_575 : vector<400x128xf32>
    %mul3A_577 = arith.constant 5.000000e-01 : f32
    %mul3A_578 = vector.broadcast %mul3A_577 : f32 to vector<400x128xf32>
    %mul3A_579 = arith.mulf %mul3A_578, %tanh3A_576 : vector<400x128xf32>
    %add3A_580 = arith.constant 5.000000e-01 : f32
    %add3A_581 = vector.broadcast %add3A_580 : f32 to vector<400x128xf32>
    %add3A_582 = arith.addf %add3A_581, %mul3A_579 : vector<400x128xf32>
    %mul3A_583 = arith.mulf %add3A_582, %tanh3A_567 : vector<400x128xf32>
    %slice3A_584 = vector.extract_strided_slice %dot_general3A_557 {offsets = [0, 128], sizes = [400, 128], strides = [1, 1]} : vector<400x256xf32> to vector<400x128xf32>
    %slice3A_585 = vector.extract_strided_slice %dot_general3A_559 {offsets = [0, 128], sizes = [400, 128], strides = [1, 1]} : vector<400x256xf32> to vector<400x128xf32>
    %add3A_586 = arith.addf %slice3A_584, %slice3A_585 : vector<400x128xf32>
    %add3A_587 = vector.broadcast %get3A_16 : vector<1x128xf32> to vector<400x128xf32>
    %add3A_588 = arith.addf %add3A_586, %add3A_587 : vector<400x128xf32>
    %mul3A_589 = arith.constant 5.000000e-01 : f32
    %mul3A_590 = vector.broadcast %mul3A_589 : f32 to vector<400x128xf32>
    %mul3A_591 = arith.mulf %mul3A_590, %add3A_588 : vector<400x128xf32>
    %tanh3A_592 = math.tanh %mul3A_591 : vector<400x128xf32>
    %mul3A_593 = arith.constant 5.000000e-01 : f32
    %mul3A_594 = vector.broadcast %mul3A_593 : f32 to vector<400x128xf32>
    %mul3A_595 = arith.mulf %mul3A_594, %tanh3A_592 : vector<400x128xf32>
    %add3A_596 = arith.constant 5.000000e-01 : f32
    %add3A_597 = vector.broadcast %add3A_596 : f32 to vector<400x128xf32>
    %add3A_598 = arith.addf %add3A_597, %mul3A_595 : vector<400x128xf32>
    %mul3A_599 = arith.mulf %add3A_598, %add3A_545 : vector<400x128xf32>
    %sub3A_600 = arith.constant 1.000000e+00 : f32
    %sub3A_601 = vector.broadcast %sub3A_600 : f32 to vector<400x128xf32>
    %sub3A_602 = arith.subf %sub3A_601, %add3A_598 : vector<400x128xf32>
    %mul3A_603 = arith.mulf %sub3A_602, %mul3A_583 : vector<400x128xf32>
    %add3A_604 = arith.addf %mul3A_599, %mul3A_603 : vector<400x128xf32>
    %get3A_605 = arith.constant 10 : index
    %get3A_606 = arith.constant 0 : index
    %get3A_607 = arith.constant 0 : index
    %get3A_608 = vector.load %arg1[%get3A_605, %get3A_606, %get3A_607] : memref<20x400x128xf32, #tpu.memory_space<vmem>>, vector<1x400x128xf32>
    %get3A_609 = vector.shape_cast %get3A_608 : vector<1x400x128xf32> to vector<400x128xf32>
    %get3A_610 = arith.constant 10 : index
    %get3A_611 = arith.constant 0 : index
    %get3A_612 = arith.constant 0 : index
    %get3A_613 = vector.load %arg2[%get3A_610, %get3A_611, %get3A_612] : memref<20x400x128xf32, #tpu.memory_space<vmem>>, vector<1x400x128xf32>
    %get3A_614 = vector.shape_cast %get3A_613 : vector<1x400x128xf32> to vector<400x128xf32>
    %dot_general3A_615 = arith.constant dense<0.000000e+00> : vector<400x256xf32>
    %dot_general3A_616 = tpu.matmul %add3A_604, %get3A_1, %dot_general3A_615 {dimension_numbers = #tpu.dot_dimension_numbers<[1], [0], [0], [1], [0, 0, 1, 1], [], []>, transpose_lhs_hint = false} : vector<400x128xf32>, vector<128x256xf32>, vector<400x256xf32> -> vector<400x256xf32>
    %dot_general3A_617 = arith.constant dense<0.000000e+00> : vector<400x256xf32>
    %dot_general3A_618 = tpu.matmul %get3A_614, %get3A_4, %dot_general3A_617 {dimension_numbers = #tpu.dot_dimension_numbers<[1], [0], [0], [1], [0, 0, 1, 1], [], []>, transpose_lhs_hint = false} : vector<400x128xf32>, vector<128x256xf32>, vector<400x256xf32> -> vector<400x256xf32>
    %slice3A_619 = vector.extract_strided_slice %dot_general3A_616 {offsets = [0, 0], sizes = [400, 128], strides = [1, 1]} : vector<400x256xf32> to vector<400x128xf32>
    %add3A_620 = arith.addf %get3A_609, %slice3A_619 : vector<400x128xf32>
    %dot_general3A_621 = arith.constant dense<0.000000e+00> : vector<400x256xf32>
    %dot_general3A_622 = tpu.matmul %add3A_620, %get3A_7, %dot_general3A_621 {dimension_numbers = #tpu.dot_dimension_numbers<[1], [0], [0], [1], [0, 0, 1, 1], [], []>, transpose_lhs_hint = false} : vector<400x128xf32>, vector<128x256xf32>, vector<400x256xf32> -> vector<400x256xf32>
    %slice3A_623 = vector.extract_strided_slice %dot_general3A_622 {offsets = [0, 0], sizes = [400, 128], strides = [1, 1]} : vector<400x256xf32> to vector<400x128xf32>
    %add3A_624 = vector.broadcast %get3A_10 : vector<1x128xf32> to vector<400x128xf32>
    %add3A_625 = arith.addf %slice3A_623, %add3A_624 : vector<400x128xf32>
    %tanh3A_626 = math.tanh %add3A_625 : vector<400x128xf32>
    %slice3A_627 = vector.extract_strided_slice %dot_general3A_622 {offsets = [0, 128], sizes = [400, 128], strides = [1, 1]} : vector<400x256xf32> to vector<400x128xf32>
    %slice3A_628 = vector.extract_strided_slice %dot_general3A_618 {offsets = [0, 0], sizes = [400, 128], strides = [1, 1]} : vector<400x256xf32> to vector<400x128xf32>
    %add3A_629 = arith.addf %slice3A_627, %slice3A_628 : vector<400x128xf32>
    %add3A_630 = vector.broadcast %get3A_13 : vector<1x128xf32> to vector<400x128xf32>
    %add3A_631 = arith.addf %add3A_629, %add3A_630 : vector<400x128xf32>
    %mul3A_632 = arith.constant 5.000000e-01 : f32
    %mul3A_633 = vector.broadcast %mul3A_632 : f32 to vector<400x128xf32>
    %mul3A_634 = arith.mulf %mul3A_633, %add3A_631 : vector<400x128xf32>
    %tanh3A_635 = math.tanh %mul3A_634 : vector<400x128xf32>
    %mul3A_636 = arith.constant 5.000000e-01 : f32
    %mul3A_637 = vector.broadcast %mul3A_636 : f32 to vector<400x128xf32>
    %mul3A_638 = arith.mulf %mul3A_637, %tanh3A_635 : vector<400x128xf32>
    %add3A_639 = arith.constant 5.000000e-01 : f32
    %add3A_640 = vector.broadcast %add3A_639 : f32 to vector<400x128xf32>
    %add3A_641 = arith.addf %add3A_640, %mul3A_638 : vector<400x128xf32>
    %mul3A_642 = arith.mulf %add3A_641, %tanh3A_626 : vector<400x128xf32>
    %slice3A_643 = vector.extract_strided_slice %dot_general3A_616 {offsets = [0, 128], sizes = [400, 128], strides = [1, 1]} : vector<400x256xf32> to vector<400x128xf32>
    %slice3A_644 = vector.extract_strided_slice %dot_general3A_618 {offsets = [0, 128], sizes = [400, 128], strides = [1, 1]} : vector<400x256xf32> to vector<400x128xf32>
    %add3A_645 = arith.addf %slice3A_643, %slice3A_644 : vector<400x128xf32>
    %add3A_646 = vector.broadcast %get3A_16 : vector<1x128xf32> to vector<400x128xf32>
    %add3A_647 = arith.addf %add3A_645, %add3A_646 : vector<400x128xf32>
    %mul3A_648 = arith.constant 5.000000e-01 : f32
    %mul3A_649 = vector.broadcast %mul3A_648 : f32 to vector<400x128xf32>
    %mul3A_650 = arith.mulf %mul3A_649, %add3A_647 : vector<400x128xf32>
    %tanh3A_651 = math.tanh %mul3A_650 : vector<400x128xf32>
    %mul3A_652 = arith.constant 5.000000e-01 : f32
    %mul3A_653 = vector.broadcast %mul3A_652 : f32 to vector<400x128xf32>
    %mul3A_654 = arith.mulf %mul3A_653, %tanh3A_651 : vector<400x128xf32>
    %add3A_655 = arith.constant 5.000000e-01 : f32
    %add3A_656 = vector.broadcast %add3A_655 : f32 to vector<400x128xf32>
    %add3A_657 = arith.addf %add3A_656, %mul3A_654 : vector<400x128xf32>
    %mul3A_658 = arith.mulf %add3A_657, %add3A_604 : vector<400x128xf32>
    %sub3A_659 = arith.constant 1.000000e+00 : f32
    %sub3A_660 = vector.broadcast %sub3A_659 : f32 to vector<400x128xf32>
    %sub3A_661 = arith.subf %sub3A_660, %add3A_657 : vector<400x128xf32>
    %mul3A_662 = arith.mulf %sub3A_661, %mul3A_642 : vector<400x128xf32>
    %add3A_663 = arith.addf %mul3A_658, %mul3A_662 : vector<400x128xf32>
    %get3A_664 = arith.constant 11 : index
    %get3A_665 = arith.constant 0 : index
    %get3A_666 = arith.constant 0 : index
    %get3A_667 = vector.load %arg1[%get3A_664, %get3A_665, %get3A_666] : memref<20x400x128xf32, #tpu.memory_space<vmem>>, vector<1x400x128xf32>
    %get3A_668 = vector.shape_cast %get3A_667 : vector<1x400x128xf32> to vector<400x128xf32>
    %get3A_669 = arith.constant 11 : index
    %get3A_670 = arith.constant 0 : index
    %get3A_671 = arith.constant 0 : index
    %get3A_672 = vector.load %arg2[%get3A_669, %get3A_670, %get3A_671] : memref<20x400x128xf32, #tpu.memory_space<vmem>>, vector<1x400x128xf32>
    %get3A_673 = vector.shape_cast %get3A_672 : vector<1x400x128xf32> to vector<400x128xf32>
    %dot_general3A_674 = arith.constant dense<0.000000e+00> : vector<400x256xf32>
    %dot_general3A_675 = tpu.matmul %add3A_663, %get3A_1, %dot_general3A_674 {dimension_numbers = #tpu.dot_dimension_numbers<[1], [0], [0], [1], [0, 0, 1, 1], [], []>, transpose_lhs_hint = false} : vector<400x128xf32>, vector<128x256xf32>, vector<400x256xf32> -> vector<400x256xf32>
    %dot_general3A_676 = arith.constant dense<0.000000e+00> : vector<400x256xf32>
    %dot_general3A_677 = tpu.matmul %get3A_673, %get3A_4, %dot_general3A_676 {dimension_numbers = #tpu.dot_dimension_numbers<[1], [0], [0], [1], [0, 0, 1, 1], [], []>, transpose_lhs_hint = false} : vector<400x128xf32>, vector<128x256xf32>, vector<400x256xf32> -> vector<400x256xf32>
    %slice3A_678 = vector.extract_strided_slice %dot_general3A_675 {offsets = [0, 0], sizes = [400, 128], strides = [1, 1]} : vector<400x256xf32> to vector<400x128xf32>
    %add3A_679 = arith.addf %get3A_668, %slice3A_678 : vector<400x128xf32>
    %dot_general3A_680 = arith.constant dense<0.000000e+00> : vector<400x256xf32>
    %dot_general3A_681 = tpu.matmul %add3A_679, %get3A_7, %dot_general3A_680 {dimension_numbers = #tpu.dot_dimension_numbers<[1], [0], [0], [1], [0, 0, 1, 1], [], []>, transpose_lhs_hint = false} : vector<400x128xf32>, vector<128x256xf32>, vector<400x256xf32> -> vector<400x256xf32>
    %slice3A_682 = vector.extract_strided_slice %dot_general3A_681 {offsets = [0, 0], sizes = [400, 128], strides = [1, 1]} : vector<400x256xf32> to vector<400x128xf32>
    %add3A_683 = vector.broadcast %get3A_10 : vector<1x128xf32> to vector<400x128xf32>
    %add3A_684 = arith.addf %slice3A_682, %add3A_683 : vector<400x128xf32>
    %tanh3A_685 = math.tanh %add3A_684 : vector<400x128xf32>
    %slice3A_686 = vector.extract_strided_slice %dot_general3A_681 {offsets = [0, 128], sizes = [400, 128], strides = [1, 1]} : vector<400x256xf32> to vector<400x128xf32>
    %slice3A_687 = vector.extract_strided_slice %dot_general3A_677 {offsets = [0, 0], sizes = [400, 128], strides = [1, 1]} : vector<400x256xf32> to vector<400x128xf32>
    %add3A_688 = arith.addf %slice3A_686, %slice3A_687 : vector<400x128xf32>
    %add3A_689 = vector.broadcast %get3A_13 : vector<1x128xf32> to vector<400x128xf32>
    %add3A_690 = arith.addf %add3A_688, %add3A_689 : vector<400x128xf32>
    %mul3A_691 = arith.constant 5.000000e-01 : f32
    %mul3A_692 = vector.broadcast %mul3A_691 : f32 to vector<400x128xf32>
    %mul3A_693 = arith.mulf %mul3A_692, %add3A_690 : vector<400x128xf32>
    %tanh3A_694 = math.tanh %mul3A_693 : vector<400x128xf32>
    %mul3A_695 = arith.constant 5.000000e-01 : f32
    %mul3A_696 = vector.broadcast %mul3A_695 : f32 to vector<400x128xf32>
    %mul3A_697 = arith.mulf %mul3A_696, %tanh3A_694 : vector<400x128xf32>
    %add3A_698 = arith.constant 5.000000e-01 : f32
    %add3A_699 = vector.broadcast %add3A_698 : f32 to vector<400x128xf32>
    %add3A_700 = arith.addf %add3A_699, %mul3A_697 : vector<400x128xf32>
    %mul3A_701 = arith.mulf %add3A_700, %tanh3A_685 : vector<400x128xf32>
    %slice3A_702 = vector.extract_strided_slice %dot_general3A_675 {offsets = [0, 128], sizes = [400, 128], strides = [1, 1]} : vector<400x256xf32> to vector<400x128xf32>
    %slice3A_703 = vector.extract_strided_slice %dot_general3A_677 {offsets = [0, 128], sizes = [400, 128], strides = [1, 1]} : vector<400x256xf32> to vector<400x128xf32>
    %add3A_704 = arith.addf %slice3A_702, %slice3A_703 : vector<400x128xf32>
    %add3A_705 = vector.broadcast %get3A_16 : vector<1x128xf32> to vector<400x128xf32>
    %add3A_706 = arith.addf %add3A_704, %add3A_705 : vector<400x128xf32>
    %mul3A_707 = arith.constant 5.000000e-01 : f32
    %mul3A_708 = vector.broadcast %mul3A_707 : f32 to vector<400x128xf32>
    %mul3A_709 = arith.mulf %mul3A_708, %add3A_706 : vector<400x128xf32>
    %tanh3A_710 = math.tanh %mul3A_709 : vector<400x128xf32>
    %mul3A_711 = arith.constant 5.000000e-01 : f32
    %mul3A_712 = vector.broadcast %mul3A_711 : f32 to vector<400x128xf32>
    %mul3A_713 = arith.mulf %mul3A_712, %tanh3A_710 : vector<400x128xf32>
    %add3A_714 = arith.constant 5.000000e-01 : f32
    %add3A_715 = vector.broadcast %add3A_714 : f32 to vector<400x128xf32>
    %add3A_716 = arith.addf %add3A_715, %mul3A_713 : vector<400x128xf32>
    %mul3A_717 = arith.mulf %add3A_716, %add3A_663 : vector<400x128xf32>
    %sub3A_718 = arith.constant 1.000000e+00 : f32
    %sub3A_719 = vector.broadcast %sub3A_718 : f32 to vector<400x128xf32>
    %sub3A_720 = arith.subf %sub3A_719, %add3A_716 : vector<400x128xf32>
    %mul3A_721 = arith.mulf %sub3A_720, %mul3A_701 : vector<400x128xf32>
    %add3A_722 = arith.addf %mul3A_717, %mul3A_721 : vector<400x128xf32>
    %get3A_723 = arith.constant 12 : index
    %get3A_724 = arith.constant 0 : index
    %get3A_725 = arith.constant 0 : index
    %get3A_726 = vector.load %arg1[%get3A_723, %get3A_724, %get3A_725] : memref<20x400x128xf32, #tpu.memory_space<vmem>>, vector<1x400x128xf32>
    %get3A_727 = vector.shape_cast %get3A_726 : vector<1x400x128xf32> to vector<400x128xf32>
    %get3A_728 = arith.constant 12 : index
    %get3A_729 = arith.constant 0 : index
    %get3A_730 = arith.constant 0 : index
    %get3A_731 = vector.load %arg2[%get3A_728, %get3A_729, %get3A_730] : memref<20x400x128xf32, #tpu.memory_space<vmem>>, vector<1x400x128xf32>
    %get3A_732 = vector.shape_cast %get3A_731 : vector<1x400x128xf32> to vector<400x128xf32>
    %dot_general3A_733 = arith.constant dense<0.000000e+00> : vector<400x256xf32>
    %dot_general3A_734 = tpu.matmul %add3A_722, %get3A_1, %dot_general3A_733 {dimension_numbers = #tpu.dot_dimension_numbers<[1], [0], [0], [1], [0, 0, 1, 1], [], []>, transpose_lhs_hint = false} : vector<400x128xf32>, vector<128x256xf32>, vector<400x256xf32> -> vector<400x256xf32>
    %dot_general3A_735 = arith.constant dense<0.000000e+00> : vector<400x256xf32>
    %dot_general3A_736 = tpu.matmul %get3A_732, %get3A_4, %dot_general3A_735 {dimension_numbers = #tpu.dot_dimension_numbers<[1], [0], [0], [1], [0, 0, 1, 1], [], []>, transpose_lhs_hint = false} : vector<400x128xf32>, vector<128x256xf32>, vector<400x256xf32> -> vector<400x256xf32>
    %slice3A_737 = vector.extract_strided_slice %dot_general3A_734 {offsets = [0, 0], sizes = [400, 128], strides = [1, 1]} : vector<400x256xf32> to vector<400x128xf32>
    %add3A_738 = arith.addf %get3A_727, %slice3A_737 : vector<400x128xf32>
    %dot_general3A_739 = arith.constant dense<0.000000e+00> : vector<400x256xf32>
    %dot_general3A_740 = tpu.matmul %add3A_738, %get3A_7, %dot_general3A_739 {dimension_numbers = #tpu.dot_dimension_numbers<[1], [0], [0], [1], [0, 0, 1, 1], [], []>, transpose_lhs_hint = false} : vector<400x128xf32>, vector<128x256xf32>, vector<400x256xf32> -> vector<400x256xf32>
    %slice3A_741 = vector.extract_strided_slice %dot_general3A_740 {offsets = [0, 0], sizes = [400, 128], strides = [1, 1]} : vector<400x256xf32> to vector<400x128xf32>
    %add3A_742 = vector.broadcast %get3A_10 : vector<1x128xf32> to vector<400x128xf32>
    %add3A_743 = arith.addf %slice3A_741, %add3A_742 : vector<400x128xf32>
    %tanh3A_744 = math.tanh %add3A_743 : vector<400x128xf32>
    %slice3A_745 = vector.extract_strided_slice %dot_general3A_740 {offsets = [0, 128], sizes = [400, 128], strides = [1, 1]} : vector<400x256xf32> to vector<400x128xf32>
    %slice3A_746 = vector.extract_strided_slice %dot_general3A_736 {offsets = [0, 0], sizes = [400, 128], strides = [1, 1]} : vector<400x256xf32> to vector<400x128xf32>
    %add3A_747 = arith.addf %slice3A_745, %slice3A_746 : vector<400x128xf32>
    %add3A_748 = vector.broadcast %get3A_13 : vector<1x128xf32> to vector<400x128xf32>
    %add3A_749 = arith.addf %add3A_747, %add3A_748 : vector<400x128xf32>
    %mul3A_750 = arith.constant 5.000000e-01 : f32
    %mul3A_751 = vector.broadcast %mul3A_750 : f32 to vector<400x128xf32>
    %mul3A_752 = arith.mulf %mul3A_751, %add3A_749 : vector<400x128xf32>
    %tanh3A_753 = math.tanh %mul3A_752 : vector<400x128xf32>
    %mul3A_754 = arith.constant 5.000000e-01 : f32
    %mul3A_755 = vector.broadcast %mul3A_754 : f32 to vector<400x128xf32>
    %mul3A_756 = arith.mulf %mul3A_755, %tanh3A_753 : vector<400x128xf32>
    %add3A_757 = arith.constant 5.000000e-01 : f32
    %add3A_758 = vector.broadcast %add3A_757 : f32 to vector<400x128xf32>
    %add3A_759 = arith.addf %add3A_758, %mul3A_756 : vector<400x128xf32>
    %mul3A_760 = arith.mulf %add3A_759, %tanh3A_744 : vector<400x128xf32>
    %slice3A_761 = vector.extract_strided_slice %dot_general3A_734 {offsets = [0, 128], sizes = [400, 128], strides = [1, 1]} : vector<400x256xf32> to vector<400x128xf32>
    %slice3A_762 = vector.extract_strided_slice %dot_general3A_736 {offsets = [0, 128], sizes = [400, 128], strides = [1, 1]} : vector<400x256xf32> to vector<400x128xf32>
    %add3A_763 = arith.addf %slice3A_761, %slice3A_762 : vector<400x128xf32>
    %add3A_764 = vector.broadcast %get3A_16 : vector<1x128xf32> to vector<400x128xf32>
    %add3A_765 = arith.addf %add3A_763, %add3A_764 : vector<400x128xf32>
    %mul3A_766 = arith.constant 5.000000e-01 : f32
    %mul3A_767 = vector.broadcast %mul3A_766 : f32 to vector<400x128xf32>
    %mul3A_768 = arith.mulf %mul3A_767, %add3A_765 : vector<400x128xf32>
    %tanh3A_769 = math.tanh %mul3A_768 : vector<400x128xf32>
    %mul3A_770 = arith.constant 5.000000e-01 : f32
    %mul3A_771 = vector.broadcast %mul3A_770 : f32 to vector<400x128xf32>
    %mul3A_772 = arith.mulf %mul3A_771, %tanh3A_769 : vector<400x128xf32>
    %add3A_773 = arith.constant 5.000000e-01 : f32
    %add3A_774 = vector.broadcast %add3A_773 : f32 to vector<400x128xf32>
    %add3A_775 = arith.addf %add3A_774, %mul3A_772 : vector<400x128xf32>
    %mul3A_776 = arith.mulf %add3A_775, %add3A_722 : vector<400x128xf32>
    %sub3A_777 = arith.constant 1.000000e+00 : f32
    %sub3A_778 = vector.broadcast %sub3A_777 : f32 to vector<400x128xf32>
    %sub3A_779 = arith.subf %sub3A_778, %add3A_775 : vector<400x128xf32>
    %mul3A_780 = arith.mulf %sub3A_779, %mul3A_760 : vector<400x128xf32>
    %add3A_781 = arith.addf %mul3A_776, %mul3A_780 : vector<400x128xf32>
    %get3A_782 = arith.constant 13 : index
    %get3A_783 = arith.constant 0 : index
    %get3A_784 = arith.constant 0 : index
    %get3A_785 = vector.load %arg1[%get3A_782, %get3A_783, %get3A_784] : memref<20x400x128xf32, #tpu.memory_space<vmem>>, vector<1x400x128xf32>
    %get3A_786 = vector.shape_cast %get3A_785 : vector<1x400x128xf32> to vector<400x128xf32>
    %get3A_787 = arith.constant 13 : index
    %get3A_788 = arith.constant 0 : index
    %get3A_789 = arith.constant 0 : index
    %get3A_790 = vector.load %arg2[%get3A_787, %get3A_788, %get3A_789] : memref<20x400x128xf32, #tpu.memory_space<vmem>>, vector<1x400x128xf32>
    %get3A_791 = vector.shape_cast %get3A_790 : vector<1x400x128xf32> to vector<400x128xf32>
    %dot_general3A_792 = arith.constant dense<0.000000e+00> : vector<400x256xf32>
    %dot_general3A_793 = tpu.matmul %add3A_781, %get3A_1, %dot_general3A_792 {dimension_numbers = #tpu.dot_dimension_numbers<[1], [0], [0], [1], [0, 0, 1, 1], [], []>, transpose_lhs_hint = false} : vector<400x128xf32>, vector<128x256xf32>, vector<400x256xf32> -> vector<400x256xf32>
    %dot_general3A_794 = arith.constant dense<0.000000e+00> : vector<400x256xf32>
    %dot_general3A_795 = tpu.matmul %get3A_791, %get3A_4, %dot_general3A_794 {dimension_numbers = #tpu.dot_dimension_numbers<[1], [0], [0], [1], [0, 0, 1, 1], [], []>, transpose_lhs_hint = false} : vector<400x128xf32>, vector<128x256xf32>, vector<400x256xf32> -> vector<400x256xf32>
    %slice3A_796 = vector.extract_strided_slice %dot_general3A_793 {offsets = [0, 0], sizes = [400, 128], strides = [1, 1]} : vector<400x256xf32> to vector<400x128xf32>
    %add3A_797 = arith.addf %get3A_786, %slice3A_796 : vector<400x128xf32>
    %dot_general3A_798 = arith.constant dense<0.000000e+00> : vector<400x256xf32>
    %dot_general3A_799 = tpu.matmul %add3A_797, %get3A_7, %dot_general3A_798 {dimension_numbers = #tpu.dot_dimension_numbers<[1], [0], [0], [1], [0, 0, 1, 1], [], []>, transpose_lhs_hint = false} : vector<400x128xf32>, vector<128x256xf32>, vector<400x256xf32> -> vector<400x256xf32>
    %slice3A_800 = vector.extract_strided_slice %dot_general3A_799 {offsets = [0, 0], sizes = [400, 128], strides = [1, 1]} : vector<400x256xf32> to vector<400x128xf32>
    %add3A_801 = vector.broadcast %get3A_10 : vector<1x128xf32> to vector<400x128xf32>
    %add3A_802 = arith.addf %slice3A_800, %add3A_801 : vector<400x128xf32>
    %tanh3A_803 = math.tanh %add3A_802 : vector<400x128xf32>
    %slice3A_804 = vector.extract_strided_slice %dot_general3A_799 {offsets = [0, 128], sizes = [400, 128], strides = [1, 1]} : vector<400x256xf32> to vector<400x128xf32>
    %slice3A_805 = vector.extract_strided_slice %dot_general3A_795 {offsets = [0, 0], sizes = [400, 128], strides = [1, 1]} : vector<400x256xf32> to vector<400x128xf32>
    %add3A_806 = arith.addf %slice3A_804, %slice3A_805 : vector<400x128xf32>
    %add3A_807 = vector.broadcast %get3A_13 : vector<1x128xf32> to vector<400x128xf32>
    %add3A_808 = arith.addf %add3A_806, %add3A_807 : vector<400x128xf32>
    %mul3A_809 = arith.constant 5.000000e-01 : f32
    %mul3A_810 = vector.broadcast %mul3A_809 : f32 to vector<400x128xf32>
    %mul3A_811 = arith.mulf %mul3A_810, %add3A_808 : vector<400x128xf32>
    %tanh3A_812 = math.tanh %mul3A_811 : vector<400x128xf32>
    %mul3A_813 = arith.constant 5.000000e-01 : f32
    %mul3A_814 = vector.broadcast %mul3A_813 : f32 to vector<400x128xf32>
    %mul3A_815 = arith.mulf %mul3A_814, %tanh3A_812 : vector<400x128xf32>
    %add3A_816 = arith.constant 5.000000e-01 : f32
    %add3A_817 = vector.broadcast %add3A_816 : f32 to vector<400x128xf32>
    %add3A_818 = arith.addf %add3A_817, %mul3A_815 : vector<400x128xf32>
    %mul3A_819 = arith.mulf %add3A_818, %tanh3A_803 : vector<400x128xf32>
    %slice3A_820 = vector.extract_strided_slice %dot_general3A_793 {offsets = [0, 128], sizes = [400, 128], strides = [1, 1]} : vector<400x256xf32> to vector<400x128xf32>
    %slice3A_821 = vector.extract_strided_slice %dot_general3A_795 {offsets = [0, 128], sizes = [400, 128], strides = [1, 1]} : vector<400x256xf32> to vector<400x128xf32>
    %add3A_822 = arith.addf %slice3A_820, %slice3A_821 : vector<400x128xf32>
    %add3A_823 = vector.broadcast %get3A_16 : vector<1x128xf32> to vector<400x128xf32>
    %add3A_824 = arith.addf %add3A_822, %add3A_823 : vector<400x128xf32>
    %mul3A_825 = arith.constant 5.000000e-01 : f32
    %mul3A_826 = vector.broadcast %mul3A_825 : f32 to vector<400x128xf32>
    %mul3A_827 = arith.mulf %mul3A_826, %add3A_824 : vector<400x128xf32>
    %tanh3A_828 = math.tanh %mul3A_827 : vector<400x128xf32>
    %mul3A_829 = arith.constant 5.000000e-01 : f32
    %mul3A_830 = vector.broadcast %mul3A_829 : f32 to vector<400x128xf32>
    %mul3A_831 = arith.mulf %mul3A_830, %tanh3A_828 : vector<400x128xf32>
    %add3A_832 = arith.constant 5.000000e-01 : f32
    %add3A_833 = vector.broadcast %add3A_832 : f32 to vector<400x128xf32>
    %add3A_834 = arith.addf %add3A_833, %mul3A_831 : vector<400x128xf32>
    %mul3A_835 = arith.mulf %add3A_834, %add3A_781 : vector<400x128xf32>
    %sub3A_836 = arith.constant 1.000000e+00 : f32
    %sub3A_837 = vector.broadcast %sub3A_836 : f32 to vector<400x128xf32>
    %sub3A_838 = arith.subf %sub3A_837, %add3A_834 : vector<400x128xf32>
    %mul3A_839 = arith.mulf %sub3A_838, %mul3A_819 : vector<400x128xf32>
    %add3A_840 = arith.addf %mul3A_835, %mul3A_839 : vector<400x128xf32>
    %get3A_841 = arith.constant 14 : index
    %get3A_842 = arith.constant 0 : index
    %get3A_843 = arith.constant 0 : index
    %get3A_844 = vector.load %arg1[%get3A_841, %get3A_842, %get3A_843] : memref<20x400x128xf32, #tpu.memory_space<vmem>>, vector<1x400x128xf32>
    %get3A_845 = vector.shape_cast %get3A_844 : vector<1x400x128xf32> to vector<400x128xf32>
    %get3A_846 = arith.constant 14 : index
    %get3A_847 = arith.constant 0 : index
    %get3A_848 = arith.constant 0 : index
    %get3A_849 = vector.load %arg2[%get3A_846, %get3A_847, %get3A_848] : memref<20x400x128xf32, #tpu.memory_space<vmem>>, vector<1x400x128xf32>
    %get3A_850 = vector.shape_cast %get3A_849 : vector<1x400x128xf32> to vector<400x128xf32>
    %dot_general3A_851 = arith.constant dense<0.000000e+00> : vector<400x256xf32>
    %dot_general3A_852 = tpu.matmul %add3A_840, %get3A_1, %dot_general3A_851 {dimension_numbers = #tpu.dot_dimension_numbers<[1], [0], [0], [1], [0, 0, 1, 1], [], []>, transpose_lhs_hint = false} : vector<400x128xf32>, vector<128x256xf32>, vector<400x256xf32> -> vector<400x256xf32>
    %dot_general3A_853 = arith.constant dense<0.000000e+00> : vector<400x256xf32>
    %dot_general3A_854 = tpu.matmul %get3A_850, %get3A_4, %dot_general3A_853 {dimension_numbers = #tpu.dot_dimension_numbers<[1], [0], [0], [1], [0, 0, 1, 1], [], []>, transpose_lhs_hint = false} : vector<400x128xf32>, vector<128x256xf32>, vector<400x256xf32> -> vector<400x256xf32>
    %slice3A_855 = vector.extract_strided_slice %dot_general3A_852 {offsets = [0, 0], sizes = [400, 128], strides = [1, 1]} : vector<400x256xf32> to vector<400x128xf32>
    %add3A_856 = arith.addf %get3A_845, %slice3A_855 : vector<400x128xf32>
    %dot_general3A_857 = arith.constant dense<0.000000e+00> : vector<400x256xf32>
    %dot_general3A_858 = tpu.matmul %add3A_856, %get3A_7, %dot_general3A_857 {dimension_numbers = #tpu.dot_dimension_numbers<[1], [0], [0], [1], [0, 0, 1, 1], [], []>, transpose_lhs_hint = false} : vector<400x128xf32>, vector<128x256xf32>, vector<400x256xf32> -> vector<400x256xf32>
    %slice3A_859 = vector.extract_strided_slice %dot_general3A_858 {offsets = [0, 0], sizes = [400, 128], strides = [1, 1]} : vector<400x256xf32> to vector<400x128xf32>
    %add3A_860 = vector.broadcast %get3A_10 : vector<1x128xf32> to vector<400x128xf32>
    %add3A_861 = arith.addf %slice3A_859, %add3A_860 : vector<400x128xf32>
    %tanh3A_862 = math.tanh %add3A_861 : vector<400x128xf32>
    %slice3A_863 = vector.extract_strided_slice %dot_general3A_858 {offsets = [0, 128], sizes = [400, 128], strides = [1, 1]} : vector<400x256xf32> to vector<400x128xf32>
    %slice3A_864 = vector.extract_strided_slice %dot_general3A_854 {offsets = [0, 0], sizes = [400, 128], strides = [1, 1]} : vector<400x256xf32> to vector<400x128xf32>
    %add3A_865 = arith.addf %slice3A_863, %slice3A_864 : vector<400x128xf32>
    %add3A_866 = vector.broadcast %get3A_13 : vector<1x128xf32> to vector<400x128xf32>
    %add3A_867 = arith.addf %add3A_865, %add3A_866 : vector<400x128xf32>
    %mul3A_868 = arith.constant 5.000000e-01 : f32
    %mul3A_869 = vector.broadcast %mul3A_868 : f32 to vector<400x128xf32>
    %mul3A_870 = arith.mulf %mul3A_869, %add3A_867 : vector<400x128xf32>
    %tanh3A_871 = math.tanh %mul3A_870 : vector<400x128xf32>
    %mul3A_872 = arith.constant 5.000000e-01 : f32
    %mul3A_873 = vector.broadcast %mul3A_872 : f32 to vector<400x128xf32>
    %mul3A_874 = arith.mulf %mul3A_873, %tanh3A_871 : vector<400x128xf32>
    %add3A_875 = arith.constant 5.000000e-01 : f32
    %add3A_876 = vector.broadcast %add3A_875 : f32 to vector<400x128xf32>
    %add3A_877 = arith.addf %add3A_876, %mul3A_874 : vector<400x128xf32>
    %mul3A_878 = arith.mulf %add3A_877, %tanh3A_862 : vector<400x128xf32>
    %slice3A_879 = vector.extract_strided_slice %dot_general3A_852 {offsets = [0, 128], sizes = [400, 128], strides = [1, 1]} : vector<400x256xf32> to vector<400x128xf32>
    %slice3A_880 = vector.extract_strided_slice %dot_general3A_854 {offsets = [0, 128], sizes = [400, 128], strides = [1, 1]} : vector<400x256xf32> to vector<400x128xf32>
    %add3A_881 = arith.addf %slice3A_879, %slice3A_880 : vector<400x128xf32>
    %add3A_882 = vector.broadcast %get3A_16 : vector<1x128xf32> to vector<400x128xf32>
    %add3A_883 = arith.addf %add3A_881, %add3A_882 : vector<400x128xf32>
    %mul3A_884 = arith.constant 5.000000e-01 : f32
    %mul3A_885 = vector.broadcast %mul3A_884 : f32 to vector<400x128xf32>
    %mul3A_886 = arith.mulf %mul3A_885, %add3A_883 : vector<400x128xf32>
    %tanh3A_887 = math.tanh %mul3A_886 : vector<400x128xf32>
    %mul3A_888 = arith.constant 5.000000e-01 : f32
    %mul3A_889 = vector.broadcast %mul3A_888 : f32 to vector<400x128xf32>
    %mul3A_890 = arith.mulf %mul3A_889, %tanh3A_887 : vector<400x128xf32>
    %add3A_891 = arith.constant 5.000000e-01 : f32
    %add3A_892 = vector.broadcast %add3A_891 : f32 to vector<400x128xf32>
    %add3A_893 = arith.addf %add3A_892, %mul3A_890 : vector<400x128xf32>
    %mul3A_894 = arith.mulf %add3A_893, %add3A_840 : vector<400x128xf32>
    %sub3A_895 = arith.constant 1.000000e+00 : f32
    %sub3A_896 = vector.broadcast %sub3A_895 : f32 to vector<400x128xf32>
    %sub3A_897 = arith.subf %sub3A_896, %add3A_893 : vector<400x128xf32>
    %mul3A_898 = arith.mulf %sub3A_897, %mul3A_878 : vector<400x128xf32>
    %add3A_899 = arith.addf %mul3A_894, %mul3A_898 : vector<400x128xf32>
    %get3A_900 = arith.constant 15 : index
    %get3A_901 = arith.constant 0 : index
    %get3A_902 = arith.constant 0 : index
    %get3A_903 = vector.load %arg1[%get3A_900, %get3A_901, %get3A_902] : memref<20x400x128xf32, #tpu.memory_space<vmem>>, vector<1x400x128xf32>
    %get3A_904 = vector.shape_cast %get3A_903 : vector<1x400x128xf32> to vector<400x128xf32>
    %get3A_905 = arith.constant 15 : index
    %get3A_906 = arith.constant 0 : index
    %get3A_907 = arith.constant 0 : index
    %get3A_908 = vector.load %arg2[%get3A_905, %get3A_906, %get3A_907] : memref<20x400x128xf32, #tpu.memory_space<vmem>>, vector<1x400x128xf32>
    %get3A_909 = vector.shape_cast %get3A_908 : vector<1x400x128xf32> to vector<400x128xf32>
    %dot_general3A_910 = arith.constant dense<0.000000e+00> : vector<400x256xf32>
    %dot_general3A_911 = tpu.matmul %add3A_899, %get3A_1, %dot_general3A_910 {dimension_numbers = #tpu.dot_dimension_numbers<[1], [0], [0], [1], [0, 0, 1, 1], [], []>, transpose_lhs_hint = false} : vector<400x128xf32>, vector<128x256xf32>, vector<400x256xf32> -> vector<400x256xf32>
    %dot_general3A_912 = arith.constant dense<0.000000e+00> : vector<400x256xf32>
    %dot_general3A_913 = tpu.matmul %get3A_909, %get3A_4, %dot_general3A_912 {dimension_numbers = #tpu.dot_dimension_numbers<[1], [0], [0], [1], [0, 0, 1, 1], [], []>, transpose_lhs_hint = false} : vector<400x128xf32>, vector<128x256xf32>, vector<400x256xf32> -> vector<400x256xf32>
    %slice3A_914 = vector.extract_strided_slice %dot_general3A_911 {offsets = [0, 0], sizes = [400, 128], strides = [1, 1]} : vector<400x256xf32> to vector<400x128xf32>
    %add3A_915 = arith.addf %get3A_904, %slice3A_914 : vector<400x128xf32>
    %dot_general3A_916 = arith.constant dense<0.000000e+00> : vector<400x256xf32>
    %dot_general3A_917 = tpu.matmul %add3A_915, %get3A_7, %dot_general3A_916 {dimension_numbers = #tpu.dot_dimension_numbers<[1], [0], [0], [1], [0, 0, 1, 1], [], []>, transpose_lhs_hint = false} : vector<400x128xf32>, vector<128x256xf32>, vector<400x256xf32> -> vector<400x256xf32>
    %slice3A_918 = vector.extract_strided_slice %dot_general3A_917 {offsets = [0, 0], sizes = [400, 128], strides = [1, 1]} : vector<400x256xf32> to vector<400x128xf32>
    %add3A_919 = vector.broadcast %get3A_10 : vector<1x128xf32> to vector<400x128xf32>
    %add3A_920 = arith.addf %slice3A_918, %add3A_919 : vector<400x128xf32>
    %tanh3A_921 = math.tanh %add3A_920 : vector<400x128xf32>
    %slice3A_922 = vector.extract_strided_slice %dot_general3A_917 {offsets = [0, 128], sizes = [400, 128], strides = [1, 1]} : vector<400x256xf32> to vector<400x128xf32>
    %slice3A_923 = vector.extract_strided_slice %dot_general3A_913 {offsets = [0, 0], sizes = [400, 128], strides = [1, 1]} : vector<400x256xf32> to vector<400x128xf32>
    %add3A_924 = arith.addf %slice3A_922, %slice3A_923 : vector<400x128xf32>
    %add3A_925 = vector.broadcast %get3A_13 : vector<1x128xf32> to vector<400x128xf32>
    %add3A_926 = arith.addf %add3A_924, %add3A_925 : vector<400x128xf32>
    %mul3A_927 = arith.constant 5.000000e-01 : f32
    %mul3A_928 = vector.broadcast %mul3A_927 : f32 to vector<400x128xf32>
    %mul3A_929 = arith.mulf %mul3A_928, %add3A_926 : vector<400x128xf32>
    %tanh3A_930 = math.tanh %mul3A_929 : vector<400x128xf32>
    %mul3A_931 = arith.constant 5.000000e-01 : f32
    %mul3A_932 = vector.broadcast %mul3A_931 : f32 to vector<400x128xf32>
    %mul3A_933 = arith.mulf %mul3A_932, %tanh3A_930 : vector<400x128xf32>
    %add3A_934 = arith.constant 5.000000e-01 : f32
    %add3A_935 = vector.broadcast %add3A_934 : f32 to vector<400x128xf32>
    %add3A_936 = arith.addf %add3A_935, %mul3A_933 : vector<400x128xf32>
    %mul3A_937 = arith.mulf %add3A_936, %tanh3A_921 : vector<400x128xf32>
    %slice3A_938 = vector.extract_strided_slice %dot_general3A_911 {offsets = [0, 128], sizes = [400, 128], strides = [1, 1]} : vector<400x256xf32> to vector<400x128xf32>
    %slice3A_939 = vector.extract_strided_slice %dot_general3A_913 {offsets = [0, 128], sizes = [400, 128], strides = [1, 1]} : vector<400x256xf32> to vector<400x128xf32>
    %add3A_940 = arith.addf %slice3A_938, %slice3A_939 : vector<400x128xf32>
    %add3A_941 = vector.broadcast %get3A_16 : vector<1x128xf32> to vector<400x128xf32>
    %add3A_942 = arith.addf %add3A_940, %add3A_941 : vector<400x128xf32>
    %mul3A_943 = arith.constant 5.000000e-01 : f32
    %mul3A_944 = vector.broadcast %mul3A_943 : f32 to vector<400x128xf32>
    %mul3A_945 = arith.mulf %mul3A_944, %add3A_942 : vector<400x128xf32>
    %tanh3A_946 = math.tanh %mul3A_945 : vector<400x128xf32>
    %mul3A_947 = arith.constant 5.000000e-01 : f32
    %mul3A_948 = vector.broadcast %mul3A_947 : f32 to vector<400x128xf32>
    %mul3A_949 = arith.mulf %mul3A_948, %tanh3A_946 : vector<400x128xf32>
    %add3A_950 = arith.constant 5.000000e-01 : f32
    %add3A_951 = vector.broadcast %add3A_950 : f32 to vector<400x128xf32>
    %add3A_952 = arith.addf %add3A_951, %mul3A_949 : vector<400x128xf32>
    %mul3A_953 = arith.mulf %add3A_952, %add3A_899 : vector<400x128xf32>
    %sub3A_954 = arith.constant 1.000000e+00 : f32
    %sub3A_955 = vector.broadcast %sub3A_954 : f32 to vector<400x128xf32>
    %sub3A_956 = arith.subf %sub3A_955, %add3A_952 : vector<400x128xf32>
    %mul3A_957 = arith.mulf %sub3A_956, %mul3A_937 : vector<400x128xf32>
    %add3A_958 = arith.addf %mul3A_953, %mul3A_957 : vector<400x128xf32>
    %get3A_959 = arith.constant 16 : index
    %get3A_960 = arith.constant 0 : index
    %get3A_961 = arith.constant 0 : index
    %get3A_962 = vector.load %arg1[%get3A_959, %get3A_960, %get3A_961] : memref<20x400x128xf32, #tpu.memory_space<vmem>>, vector<1x400x128xf32>
    %get3A_963 = vector.shape_cast %get3A_962 : vector<1x400x128xf32> to vector<400x128xf32>
    %get3A_964 = arith.constant 16 : index
    %get3A_965 = arith.constant 0 : index
    %get3A_966 = arith.constant 0 : index
    %get3A_967 = vector.load %arg2[%get3A_964, %get3A_965, %get3A_966] : memref<20x400x128xf32, #tpu.memory_space<vmem>>, vector<1x400x128xf32>
    %get3A_968 = vector.shape_cast %get3A_967 : vector<1x400x128xf32> to vector<400x128xf32>
    %dot_general3A_969 = arith.constant dense<0.000000e+00> : vector<400x256xf32>
    %dot_general3A_970 = tpu.matmul %add3A_958, %get3A_1, %dot_general3A_969 {dimension_numbers = #tpu.dot_dimension_numbers<[1], [0], [0], [1], [0, 0, 1, 1], [], []>, transpose_lhs_hint = false} : vector<400x128xf32>, vector<128x256xf32>, vector<400x256xf32> -> vector<400x256xf32>
    %dot_general3A_971 = arith.constant dense<0.000000e+00> : vector<400x256xf32>
    %dot_general3A_972 = tpu.matmul %get3A_968, %get3A_4, %dot_general3A_971 {dimension_numbers = #tpu.dot_dimension_numbers<[1], [0], [0], [1], [0, 0, 1, 1], [], []>, transpose_lhs_hint = false} : vector<400x128xf32>, vector<128x256xf32>, vector<400x256xf32> -> vector<400x256xf32>
    %slice3A_973 = vector.extract_strided_slice %dot_general3A_970 {offsets = [0, 0], sizes = [400, 128], strides = [1, 1]} : vector<400x256xf32> to vector<400x128xf32>
    %add3A_974 = arith.addf %get3A_963, %slice3A_973 : vector<400x128xf32>
    %dot_general3A_975 = arith.constant dense<0.000000e+00> : vector<400x256xf32>
    %dot_general3A_976 = tpu.matmul %add3A_974, %get3A_7, %dot_general3A_975 {dimension_numbers = #tpu.dot_dimension_numbers<[1], [0], [0], [1], [0, 0, 1, 1], [], []>, transpose_lhs_hint = false} : vector<400x128xf32>, vector<128x256xf32>, vector<400x256xf32> -> vector<400x256xf32>
    %slice3A_977 = vector.extract_strided_slice %dot_general3A_976 {offsets = [0, 0], sizes = [400, 128], strides = [1, 1]} : vector<400x256xf32> to vector<400x128xf32>
    %add3A_978 = vector.broadcast %get3A_10 : vector<1x128xf32> to vector<400x128xf32>
    %add3A_979 = arith.addf %slice3A_977, %add3A_978 : vector<400x128xf32>
    %tanh3A_980 = math.tanh %add3A_979 : vector<400x128xf32>
    %slice3A_981 = vector.extract_strided_slice %dot_general3A_976 {offsets = [0, 128], sizes = [400, 128], strides = [1, 1]} : vector<400x256xf32> to vector<400x128xf32>
    %slice3A_982 = vector.extract_strided_slice %dot_general3A_972 {offsets = [0, 0], sizes = [400, 128], strides = [1, 1]} : vector<400x256xf32> to vector<400x128xf32>
    %add3A_983 = arith.addf %slice3A_981, %slice3A_982 : vector<400x128xf32>
    %add3A_984 = vector.broadcast %get3A_13 : vector<1x128xf32> to vector<400x128xf32>
    %add3A_985 = arith.addf %add3A_983, %add3A_984 : vector<400x128xf32>
    %mul3A_986 = arith.constant 5.000000e-01 : f32
    %mul3A_987 = vector.broadcast %mul3A_986 : f32 to vector<400x128xf32>
    %mul3A_988 = arith.mulf %mul3A_987, %add3A_985 : vector<400x128xf32>
    %tanh3A_989 = math.tanh %mul3A_988 : vector<400x128xf32>
    %mul3A_990 = arith.constant 5.000000e-01 : f32
    %mul3A_991 = vector.broadcast %mul3A_990 : f32 to vector<400x128xf32>
    %mul3A_992 = arith.mulf %mul3A_991, %tanh3A_989 : vector<400x128xf32>
    %add3A_993 = arith.constant 5.000000e-01 : f32
    %add3A_994 = vector.broadcast %add3A_993 : f32 to vector<400x128xf32>
    %add3A_995 = arith.addf %add3A_994, %mul3A_992 : vector<400x128xf32>
    %mul3A_996 = arith.mulf %add3A_995, %tanh3A_980 : vector<400x128xf32>
    %slice3A_997 = vector.extract_strided_slice %dot_general3A_970 {offsets = [0, 128], sizes = [400, 128], strides = [1, 1]} : vector<400x256xf32> to vector<400x128xf32>
    %slice3A_998 = vector.extract_strided_slice %dot_general3A_972 {offsets = [0, 128], sizes = [400, 128], strides = [1, 1]} : vector<400x256xf32> to vector<400x128xf32>
    %add3A_999 = arith.addf %slice3A_997, %slice3A_998 : vector<400x128xf32>
    %add3A_1000 = vector.broadcast %get3A_16 : vector<1x128xf32> to vector<400x128xf32>
    %add3A_1001 = arith.addf %add3A_999, %add3A_1000 : vector<400x128xf32>
    %mul3A_1002 = arith.constant 5.000000e-01 : f32
    %mul3A_1003 = vector.broadcast %mul3A_1002 : f32 to vector<400x128xf32>
    %mul3A_1004 = arith.mulf %mul3A_1003, %add3A_1001 : vector<400x128xf32>
    %tanh3A_1005 = math.tanh %mul3A_1004 : vector<400x128xf32>
    %mul3A_1006 = arith.constant 5.000000e-01 : f32
    %mul3A_1007 = vector.broadcast %mul3A_1006 : f32 to vector<400x128xf32>
    %mul3A_1008 = arith.mulf %mul3A_1007, %tanh3A_1005 : vector<400x128xf32>
    %add3A_1009 = arith.constant 5.000000e-01 : f32
    %add3A_1010 = vector.broadcast %add3A_1009 : f32 to vector<400x128xf32>
    %add3A_1011 = arith.addf %add3A_1010, %mul3A_1008 : vector<400x128xf32>
    %mul3A_1012 = arith.mulf %add3A_1011, %add3A_958 : vector<400x128xf32>
    %sub3A_1013 = arith.constant 1.000000e+00 : f32
    %sub3A_1014 = vector.broadcast %sub3A_1013 : f32 to vector<400x128xf32>
    %sub3A_1015 = arith.subf %sub3A_1014, %add3A_1011 : vector<400x128xf32>
    %mul3A_1016 = arith.mulf %sub3A_1015, %mul3A_996 : vector<400x128xf32>
    %add3A_1017 = arith.addf %mul3A_1012, %mul3A_1016 : vector<400x128xf32>
    %get3A_1018 = arith.constant 17 : index
    %get3A_1019 = arith.constant 0 : index
    %get3A_1020 = arith.constant 0 : index
    %get3A_1021 = vector.load %arg1[%get3A_1018, %get3A_1019, %get3A_1020] : memref<20x400x128xf32, #tpu.memory_space<vmem>>, vector<1x400x128xf32>
    %get3A_1022 = vector.shape_cast %get3A_1021 : vector<1x400x128xf32> to vector<400x128xf32>
    %get3A_1023 = arith.constant 17 : index
    %get3A_1024 = arith.constant 0 : index
    %get3A_1025 = arith.constant 0 : index
    %get3A_1026 = vector.load %arg2[%get3A_1023, %get3A_1024, %get3A_1025] : memref<20x400x128xf32, #tpu.memory_space<vmem>>, vector<1x400x128xf32>
    %get3A_1027 = vector.shape_cast %get3A_1026 : vector<1x400x128xf32> to vector<400x128xf32>
    %dot_general3A_1028 = arith.constant dense<0.000000e+00> : vector<400x256xf32>
    %dot_general3A_1029 = tpu.matmul %add3A_1017, %get3A_1, %dot_general3A_1028 {dimension_numbers = #tpu.dot_dimension_numbers<[1], [0], [0], [1], [0, 0, 1, 1], [], []>, transpose_lhs_hint = false} : vector<400x128xf32>, vector<128x256xf32>, vector<400x256xf32> -> vector<400x256xf32>
    %dot_general3A_1030 = arith.constant dense<0.000000e+00> : vector<400x256xf32>
    %dot_general3A_1031 = tpu.matmul %get3A_1027, %get3A_4, %dot_general3A_1030 {dimension_numbers = #tpu.dot_dimension_numbers<[1], [0], [0], [1], [0, 0, 1, 1], [], []>, transpose_lhs_hint = false} : vector<400x128xf32>, vector<128x256xf32>, vector<400x256xf32> -> vector<400x256xf32>
    %slice3A_1032 = vector.extract_strided_slice %dot_general3A_1029 {offsets = [0, 0], sizes = [400, 128], strides = [1, 1]} : vector<400x256xf32> to vector<400x128xf32>
    %add3A_1033 = arith.addf %get3A_1022, %slice3A_1032 : vector<400x128xf32>
    %dot_general3A_1034 = arith.constant dense<0.000000e+00> : vector<400x256xf32>
    %dot_general3A_1035 = tpu.matmul %add3A_1033, %get3A_7, %dot_general3A_1034 {dimension_numbers = #tpu.dot_dimension_numbers<[1], [0], [0], [1], [0, 0, 1, 1], [], []>, transpose_lhs_hint = false} : vector<400x128xf32>, vector<128x256xf32>, vector<400x256xf32> -> vector<400x256xf32>
    %slice3A_1036 = vector.extract_strided_slice %dot_general3A_1035 {offsets = [0, 0], sizes = [400, 128], strides = [1, 1]} : vector<400x256xf32> to vector<400x128xf32>
    %add3A_1037 = vector.broadcast %get3A_10 : vector<1x128xf32> to vector<400x128xf32>
    %add3A_1038 = arith.addf %slice3A_1036, %add3A_1037 : vector<400x128xf32>
    %tanh3A_1039 = math.tanh %add3A_1038 : vector<400x128xf32>
    %slice3A_1040 = vector.extract_strided_slice %dot_general3A_1035 {offsets = [0, 128], sizes = [400, 128], strides = [1, 1]} : vector<400x256xf32> to vector<400x128xf32>
    %slice3A_1041 = vector.extract_strided_slice %dot_general3A_1031 {offsets = [0, 0], sizes = [400, 128], strides = [1, 1]} : vector<400x256xf32> to vector<400x128xf32>
    %add3A_1042 = arith.addf %slice3A_1040, %slice3A_1041 : vector<400x128xf32>
    %add3A_1043 = vector.broadcast %get3A_13 : vector<1x128xf32> to vector<400x128xf32>
    %add3A_1044 = arith.addf %add3A_1042, %add3A_1043 : vector<400x128xf32>
    %mul3A_1045 = arith.constant 5.000000e-01 : f32
    %mul3A_1046 = vector.broadcast %mul3A_1045 : f32 to vector<400x128xf32>
    %mul3A_1047 = arith.mulf %mul3A_1046, %add3A_1044 : vector<400x128xf32>
    %tanh3A_1048 = math.tanh %mul3A_1047 : vector<400x128xf32>
    %mul3A_1049 = arith.constant 5.000000e-01 : f32
    %mul3A_1050 = vector.broadcast %mul3A_1049 : f32 to vector<400x128xf32>
    %mul3A_1051 = arith.mulf %mul3A_1050, %tanh3A_1048 : vector<400x128xf32>
    %add3A_1052 = arith.constant 5.000000e-01 : f32
    %add3A_1053 = vector.broadcast %add3A_1052 : f32 to vector<400x128xf32>
    %add3A_1054 = arith.addf %add3A_1053, %mul3A_1051 : vector<400x128xf32>
    %mul3A_1055 = arith.mulf %add3A_1054, %tanh3A_1039 : vector<400x128xf32>
    %slice3A_1056 = vector.extract_strided_slice %dot_general3A_1029 {offsets = [0, 128], sizes = [400, 128], strides = [1, 1]} : vector<400x256xf32> to vector<400x128xf32>
    %slice3A_1057 = vector.extract_strided_slice %dot_general3A_1031 {offsets = [0, 128], sizes = [400, 128], strides = [1, 1]} : vector<400x256xf32> to vector<400x128xf32>
    %add3A_1058 = arith.addf %slice3A_1056, %slice3A_1057 : vector<400x128xf32>
    %add3A_1059 = vector.broadcast %get3A_16 : vector<1x128xf32> to vector<400x128xf32>
    %add3A_1060 = arith.addf %add3A_1058, %add3A_1059 : vector<400x128xf32>
    %mul3A_1061 = arith.constant 5.000000e-01 : f32
    %mul3A_1062 = vector.broadcast %mul3A_1061 : f32 to vector<400x128xf32>
    %mul3A_1063 = arith.mulf %mul3A_1062, %add3A_1060 : vector<400x128xf32>
    %tanh3A_1064 = math.tanh %mul3A_1063 : vector<400x128xf32>
    %mul3A_1065 = arith.constant 5.000000e-01 : f32
    %mul3A_1066 = vector.broadcast %mul3A_1065 : f32 to vector<400x128xf32>
    %mul3A_1067 = arith.mulf %mul3A_1066, %tanh3A_1064 : vector<400x128xf32>
    %add3A_1068 = arith.constant 5.000000e-01 : f32
    %add3A_1069 = vector.broadcast %add3A_1068 : f32 to vector<400x128xf32>
    %add3A_1070 = arith.addf %add3A_1069, %mul3A_1067 : vector<400x128xf32>
    %mul3A_1071 = arith.mulf %add3A_1070, %add3A_1017 : vector<400x128xf32>
    %sub3A_1072 = arith.constant 1.000000e+00 : f32
    %sub3A_1073 = vector.broadcast %sub3A_1072 : f32 to vector<400x128xf32>
    %sub3A_1074 = arith.subf %sub3A_1073, %add3A_1070 : vector<400x128xf32>
    %mul3A_1075 = arith.mulf %sub3A_1074, %mul3A_1055 : vector<400x128xf32>
    %add3A_1076 = arith.addf %mul3A_1071, %mul3A_1075 : vector<400x128xf32>
    %get3A_1077 = arith.constant 18 : index
    %get3A_1078 = arith.constant 0 : index
    %get3A_1079 = arith.constant 0 : index
    %get3A_1080 = vector.load %arg1[%get3A_1077, %get3A_1078, %get3A_1079] : memref<20x400x128xf32, #tpu.memory_space<vmem>>, vector<1x400x128xf32>
    %get3A_1081 = vector.shape_cast %get3A_1080 : vector<1x400x128xf32> to vector<400x128xf32>
    %get3A_1082 = arith.constant 18 : index
    %get3A_1083 = arith.constant 0 : index
    %get3A_1084 = arith.constant 0 : index
    %get3A_1085 = vector.load %arg2[%get3A_1082, %get3A_1083, %get3A_1084] : memref<20x400x128xf32, #tpu.memory_space<vmem>>, vector<1x400x128xf32>
    %get3A_1086 = vector.shape_cast %get3A_1085 : vector<1x400x128xf32> to vector<400x128xf32>
    %dot_general3A_1087 = arith.constant dense<0.000000e+00> : vector<400x256xf32>
    %dot_general3A_1088 = tpu.matmul %add3A_1076, %get3A_1, %dot_general3A_1087 {dimension_numbers = #tpu.dot_dimension_numbers<[1], [0], [0], [1], [0, 0, 1, 1], [], []>, transpose_lhs_hint = false} : vector<400x128xf32>, vector<128x256xf32>, vector<400x256xf32> -> vector<400x256xf32>
    %dot_general3A_1089 = arith.constant dense<0.000000e+00> : vector<400x256xf32>
    %dot_general3A_1090 = tpu.matmul %get3A_1086, %get3A_4, %dot_general3A_1089 {dimension_numbers = #tpu.dot_dimension_numbers<[1], [0], [0], [1], [0, 0, 1, 1], [], []>, transpose_lhs_hint = false} : vector<400x128xf32>, vector<128x256xf32>, vector<400x256xf32> -> vector<400x256xf32>
    %slice3A_1091 = vector.extract_strided_slice %dot_general3A_1088 {offsets = [0, 0], sizes = [400, 128], strides = [1, 1]} : vector<400x256xf32> to vector<400x128xf32>
    %add3A_1092 = arith.addf %get3A_1081, %slice3A_1091 : vector<400x128xf32>
    %dot_general3A_1093 = arith.constant dense<0.000000e+00> : vector<400x256xf32>
    %dot_general3A_1094 = tpu.matmul %add3A_1092, %get3A_7, %dot_general3A_1093 {dimension_numbers = #tpu.dot_dimension_numbers<[1], [0], [0], [1], [0, 0, 1, 1], [], []>, transpose_lhs_hint = false} : vector<400x128xf32>, vector<128x256xf32>, vector<400x256xf32> -> vector<400x256xf32>
    %slice3A_1095 = vector.extract_strided_slice %dot_general3A_1094 {offsets = [0, 0], sizes = [400, 128], strides = [1, 1]} : vector<400x256xf32> to vector<400x128xf32>
    %add3A_1096 = vector.broadcast %get3A_10 : vector<1x128xf32> to vector<400x128xf32>
    %add3A_1097 = arith.addf %slice3A_1095, %add3A_1096 : vector<400x128xf32>
    %tanh3A_1098 = math.tanh %add3A_1097 : vector<400x128xf32>
    %slice3A_1099 = vector.extract_strided_slice %dot_general3A_1094 {offsets = [0, 128], sizes = [400, 128], strides = [1, 1]} : vector<400x256xf32> to vector<400x128xf32>
    %slice3A_1100 = vector.extract_strided_slice %dot_general3A_1090 {offsets = [0, 0], sizes = [400, 128], strides = [1, 1]} : vector<400x256xf32> to vector<400x128xf32>
    %add3A_1101 = arith.addf %slice3A_1099, %slice3A_1100 : vector<400x128xf32>
    %add3A_1102 = vector.broadcast %get3A_13 : vector<1x128xf32> to vector<400x128xf32>
    %add3A_1103 = arith.addf %add3A_1101, %add3A_1102 : vector<400x128xf32>
    %mul3A_1104 = arith.constant 5.000000e-01 : f32
    %mul3A_1105 = vector.broadcast %mul3A_1104 : f32 to vector<400x128xf32>
    %mul3A_1106 = arith.mulf %mul3A_1105, %add3A_1103 : vector<400x128xf32>
    %tanh3A_1107 = math.tanh %mul3A_1106 : vector<400x128xf32>
    %mul3A_1108 = arith.constant 5.000000e-01 : f32
    %mul3A_1109 = vector.broadcast %mul3A_1108 : f32 to vector<400x128xf32>
    %mul3A_1110 = arith.mulf %mul3A_1109, %tanh3A_1107 : vector<400x128xf32>
    %add3A_1111 = arith.constant 5.000000e-01 : f32
    %add3A_1112 = vector.broadcast %add3A_1111 : f32 to vector<400x128xf32>
    %add3A_1113 = arith.addf %add3A_1112, %mul3A_1110 : vector<400x128xf32>
    %mul3A_1114 = arith.mulf %add3A_1113, %tanh3A_1098 : vector<400x128xf32>
    %slice3A_1115 = vector.extract_strided_slice %dot_general3A_1088 {offsets = [0, 128], sizes = [400, 128], strides = [1, 1]} : vector<400x256xf32> to vector<400x128xf32>
    %slice3A_1116 = vector.extract_strided_slice %dot_general3A_1090 {offsets = [0, 128], sizes = [400, 128], strides = [1, 1]} : vector<400x256xf32> to vector<400x128xf32>
    %add3A_1117 = arith.addf %slice3A_1115, %slice3A_1116 : vector<400x128xf32>
    %add3A_1118 = vector.broadcast %get3A_16 : vector<1x128xf32> to vector<400x128xf32>
    %add3A_1119 = arith.addf %add3A_1117, %add3A_1118 : vector<400x128xf32>
    %mul3A_1120 = arith.constant 5.000000e-01 : f32
    %mul3A_1121 = vector.broadcast %mul3A_1120 : f32 to vector<400x128xf32>
    %mul3A_1122 = arith.mulf %mul3A_1121, %add3A_1119 : vector<400x128xf32>
    %tanh3A_1123 = math.tanh %mul3A_1122 : vector<400x128xf32>
    %mul3A_1124 = arith.constant 5.000000e-01 : f32
    %mul3A_1125 = vector.broadcast %mul3A_1124 : f32 to vector<400x128xf32>
    %mul3A_1126 = arith.mulf %mul3A_1125, %tanh3A_1123 : vector<400x128xf32>
    %add3A_1127 = arith.constant 5.000000e-01 : f32
    %add3A_1128 = vector.broadcast %add3A_1127 : f32 to vector<400x128xf32>
    %add3A_1129 = arith.addf %add3A_1128, %mul3A_1126 : vector<400x128xf32>
    %mul3A_1130 = arith.mulf %add3A_1129, %add3A_1076 : vector<400x128xf32>
    %sub3A_1131 = arith.constant 1.000000e+00 : f32
    %sub3A_1132 = vector.broadcast %sub3A_1131 : f32 to vector<400x128xf32>
    %sub3A_1133 = arith.subf %sub3A_1132, %add3A_1129 : vector<400x128xf32>
    %mul3A_1134 = arith.mulf %sub3A_1133, %mul3A_1114 : vector<400x128xf32>
    %add3A_1135 = arith.addf %mul3A_1130, %mul3A_1134 : vector<400x128xf32>
    %get3A_1136 = arith.constant 19 : index
    %get3A_1137 = arith.constant 0 : index
    %get3A_1138 = arith.constant 0 : index
    %get3A_1139 = vector.load %arg1[%get3A_1136, %get3A_1137, %get3A_1138] : memref<20x400x128xf32, #tpu.memory_space<vmem>>, vector<1x400x128xf32>
    %get3A_1140 = vector.shape_cast %get3A_1139 : vector<1x400x128xf32> to vector<400x128xf32>
    %get3A_1141 = arith.constant 19 : index
    %get3A_1142 = arith.constant 0 : index
    %get3A_1143 = arith.constant 0 : index
    %get3A_1144 = vector.load %arg2[%get3A_1141, %get3A_1142, %get3A_1143] : memref<20x400x128xf32, #tpu.memory_space<vmem>>, vector<1x400x128xf32>
    %get3A_1145 = vector.shape_cast %get3A_1144 : vector<1x400x128xf32> to vector<400x128xf32>
    %dot_general3A_1146 = arith.constant dense<0.000000e+00> : vector<400x256xf32>
    %dot_general3A_1147 = tpu.matmul %add3A_1135, %get3A_1, %dot_general3A_1146 {dimension_numbers = #tpu.dot_dimension_numbers<[1], [0], [0], [1], [0, 0, 1, 1], [], []>, transpose_lhs_hint = false} : vector<400x128xf32>, vector<128x256xf32>, vector<400x256xf32> -> vector<400x256xf32>
    %dot_general3A_1148 = arith.constant dense<0.000000e+00> : vector<400x256xf32>
    %dot_general3A_1149 = tpu.matmul %get3A_1145, %get3A_4, %dot_general3A_1148 {dimension_numbers = #tpu.dot_dimension_numbers<[1], [0], [0], [1], [0, 0, 1, 1], [], []>, transpose_lhs_hint = false} : vector<400x128xf32>, vector<128x256xf32>, vector<400x256xf32> -> vector<400x256xf32>
    %slice3A_1150 = vector.extract_strided_slice %dot_general3A_1147 {offsets = [0, 0], sizes = [400, 128], strides = [1, 1]} : vector<400x256xf32> to vector<400x128xf32>
    %add3A_1151 = arith.addf %get3A_1140, %slice3A_1150 : vector<400x128xf32>
    %dot_general3A_1152 = arith.constant dense<0.000000e+00> : vector<400x256xf32>
    %dot_general3A_1153 = tpu.matmul %add3A_1151, %get3A_7, %dot_general3A_1152 {dimension_numbers = #tpu.dot_dimension_numbers<[1], [0], [0], [1], [0, 0, 1, 1], [], []>, transpose_lhs_hint = false} : vector<400x128xf32>, vector<128x256xf32>, vector<400x256xf32> -> vector<400x256xf32>
    %slice3A_1154 = vector.extract_strided_slice %dot_general3A_1153 {offsets = [0, 0], sizes = [400, 128], strides = [1, 1]} : vector<400x256xf32> to vector<400x128xf32>
    %add3A_1155 = vector.broadcast %get3A_10 : vector<1x128xf32> to vector<400x128xf32>
    %add3A_1156 = arith.addf %slice3A_1154, %add3A_1155 : vector<400x128xf32>
    %tanh3A_1157 = math.tanh %add3A_1156 : vector<400x128xf32>
    %slice3A_1158 = vector.extract_strided_slice %dot_general3A_1153 {offsets = [0, 128], sizes = [400, 128], strides = [1, 1]} : vector<400x256xf32> to vector<400x128xf32>
    %slice3A_1159 = vector.extract_strided_slice %dot_general3A_1149 {offsets = [0, 0], sizes = [400, 128], strides = [1, 1]} : vector<400x256xf32> to vector<400x128xf32>
    %add3A_1160 = arith.addf %slice3A_1158, %slice3A_1159 : vector<400x128xf32>
    %add3A_1161 = vector.broadcast %get3A_13 : vector<1x128xf32> to vector<400x128xf32>
    %add3A_1162 = arith.addf %add3A_1160, %add3A_1161 : vector<400x128xf32>
    %mul3A_1163 = arith.constant 5.000000e-01 : f32
    %mul3A_1164 = vector.broadcast %mul3A_1163 : f32 to vector<400x128xf32>
    %mul3A_1165 = arith.mulf %mul3A_1164, %add3A_1162 : vector<400x128xf32>
    %tanh3A_1166 = math.tanh %mul3A_1165 : vector<400x128xf32>
    %mul3A_1167 = arith.constant 5.000000e-01 : f32
    %mul3A_1168 = vector.broadcast %mul3A_1167 : f32 to vector<400x128xf32>
    %mul3A_1169 = arith.mulf %mul3A_1168, %tanh3A_1166 : vector<400x128xf32>
    %add3A_1170 = arith.constant 5.000000e-01 : f32
    %add3A_1171 = vector.broadcast %add3A_1170 : f32 to vector<400x128xf32>
    %add3A_1172 = arith.addf %add3A_1171, %mul3A_1169 : vector<400x128xf32>
    %mul3A_1173 = arith.mulf %add3A_1172, %tanh3A_1157 : vector<400x128xf32>
    %slice3A_1174 = vector.extract_strided_slice %dot_general3A_1147 {offsets = [0, 128], sizes = [400, 128], strides = [1, 1]} : vector<400x256xf32> to vector<400x128xf32>
    %slice3A_1175 = vector.extract_strided_slice %dot_general3A_1149 {offsets = [0, 128], sizes = [400, 128], strides = [1, 1]} : vector<400x256xf32> to vector<400x128xf32>
    %add3A_1176 = arith.addf %slice3A_1174, %slice3A_1175 : vector<400x128xf32>
    %add3A_1177 = vector.broadcast %get3A_16 : vector<1x128xf32> to vector<400x128xf32>
    %add3A_1178 = arith.addf %add3A_1176, %add3A_1177 : vector<400x128xf32>
    %mul3A_1179 = arith.constant 5.000000e-01 : f32
    %mul3A_1180 = vector.broadcast %mul3A_1179 : f32 to vector<400x128xf32>
    %mul3A_1181 = arith.mulf %mul3A_1180, %add3A_1178 : vector<400x128xf32>
    %tanh3A_1182 = math.tanh %mul3A_1181 : vector<400x128xf32>
    %mul3A_1183 = arith.constant 5.000000e-01 : f32
    %mul3A_1184 = vector.broadcast %mul3A_1183 : f32 to vector<400x128xf32>
    %mul3A_1185 = arith.mulf %mul3A_1184, %tanh3A_1182 : vector<400x128xf32>
    %add3A_1186 = arith.constant 5.000000e-01 : f32
    %add3A_1187 = vector.broadcast %add3A_1186 : f32 to vector<400x128xf32>
    %add3A_1188 = arith.addf %add3A_1187, %mul3A_1185 : vector<400x128xf32>
    %mul3A_1189 = arith.mulf %add3A_1188, %add3A_1135 : vector<400x128xf32>
    %sub3A_1190 = arith.constant 1.000000e+00 : f32
    %sub3A_1191 = vector.broadcast %sub3A_1190 : f32 to vector<400x128xf32>
    %sub3A_1192 = arith.subf %sub3A_1191, %add3A_1188 : vector<400x128xf32>
    %mul3A_1193 = arith.mulf %sub3A_1192, %mul3A_1173 : vector<400x128xf32>
    %add3A_1194 = arith.addf %mul3A_1189, %mul3A_1193 : vector<400x128xf32>
    %swap3A = arith.constant 0 : index
    %swap3A_1195 = arith.constant 0 : index
    %swap3A_1196 = vector.load %arg10[%swap3A, %swap3A_1195] : memref<400x128xf32, #tpu.memory_space<vmem>>, vector<400x128xf32>
    tpu.vector_store %arg10[%swap3A, %swap3A_1195], %add3A_1194 {strides = array<i32>} : memref<400x128xf32, #tpu.memory_space<vmem>>, vector<400x128xf32>,
    return
  }
  func.func @transform_0(%arg0: i32) -> (i32, i32, i32) {
    %c0_i32 = arith.constant 0 : i32
    %c0_i32_0 = arith.constant 0 : i32
    %c0_i32_1 = arith.constant 0 : i32
    return %c0_i32, %arg0, %c0_i32_0 : i32, i32, i32
  }
  func.func @transform_1(%arg0: i32) -> (i32, i32, i32) {
    %c0_i32 = arith.constant 0 : i32
    %c0_i32_0 = arith.constant 0 : i32
    %c0_i32_1 = arith.constant 0 : i32
    return %c0_i32, %arg0, %c0_i32_0 : i32, i32, i32
  }
  func.func @transform_2(%arg0: i32) -> (i32, i32) {
    %c0_i32 = arith.constant 0 : i32
    %c0_i32_0 = arith.constant 0 : i32
    %c0_i32_1 = arith.constant 0 : i32
    return %c0_i32, %c0_i32_0 : i32, i32
  }
  func.func @transform_3(%arg0: i32) -> (i32, i32) {
    %c0_i32 = arith.constant 0 : i32
    %c0_i32_0 = arith.constant 0 : i32
    %c0_i32_1 = arith.constant 0 : i32
    return %c0_i32, %c0_i32_0 : i32, i32
  }
  func.func @transform_4(%arg0: i32) -> (i32, i32) {
    %c0_i32 = arith.constant 0 : i32
    %c0_i32_0 = arith.constant 0 : i32
    %c0_i32_1 = arith.constant 0 : i32
    return %c0_i32, %c0_i32_0 : i32, i32
  }
  func.func @transform_5(%arg0: i32) -> (i32, i32) {
    %c0_i32 = arith.constant 0 : i32
    %c0_i32_0 = arith.constant 0 : i32
    %c0_i32_1 = arith.constant 0 : i32
    return %c0_i32, %c0_i32_0 : i32, i32
  }
  func.func @transform_6(%arg0: i32) -> (i32, i32) {
    %c0_i32 = arith.constant 0 : i32
    %c0_i32_0 = arith.constant 0 : i32
    %c0_i32_1 = arith.constant 0 : i32
    return %c0_i32, %c0_i32_0 : i32, i32
  }
  func.func @transform_7(%arg0: i32) -> (i32, i32) {
    %c0_i32 = arith.constant 0 : i32
    %c0_i32_0 = arith.constant 0 : i32
    %c0_i32_1 = arith.constant 0 : i32
    return %c0_i32, %c0_i32_0 : i32, i32
  }
  func.func @transform_8(%arg0: i32) -> (i32, i32) {
    %c0_i32 = arith.constant 0 : i32
    %c0_i32_0 = arith.constant 0 : i32
    %c0_i32_1 = arith.constant 0 : i32
    return %c0_i32, %c0_i32_0 : i32, i32
  }
  func.func @transform_9(%arg0: i32) -> (i32, i32) {
    %c0_i32 = arith.constant 0 : i32
    %c0_i32_0 = arith.constant 0 : i32
    return %arg0, %c0_i32 : i32, i32
  }
}

</mosaic_0001>

<sc_bundles>
// kernel: kernel.7.cloned.1.call-start
scs
__scs_entry_jumppad:
0x0: {  	(pc) =	sbr.rel $0x88, $3  }
0x1: {  	(tag) =	ssettag $0x0;
	lr =	simm.s32 $0x1  }
0x2: {  	[smem:$0x3F86] =	sst lr;
	_ =	strace $0xD0000000  }
0x3: {  	_ = 	snop  }
0x4: {  	_ = 	snop  }
0x5: {  	_ = 	snop  }
0x6: {  	_ = 	snop  }
0x7: {  	_ = 	snop  }
__scs_overlays_trampoline_lowered:
0x8: {  	[smem:$0x3F95] =	sst s0  }
0x9: {  	[smem:$0x3F96] =	sst s1  }
0xa: {  	[smem:$0x3F97] =	sst s2  }
0xb: {  	[smem:$0x3F98] =	sst s3  }
0xc: {  	[smem:$0x3F99] =	sst s4  }
0xd: {  	[smem:$0x3F9A] =	sst s5  }
0xe: {  	[smem:$0x3F9B] =	sst s6  }
0xf: {  	[smem:$0x3F9C] =	sst s7  }
0x10: {  	[smem:$0x3F9D] =	sst s8  }
0x11: {  	[smem:$0x3F9E] =	sst s9;
	s0 =	simm.s32 @!p0 $0x0  }
0x12: {  	s1 =	sld [smem:$0x3F84];
	s0 =	simm.s32 @p0 $0x1  }
0x13: {  	[smem:$0x3F9F] =	sst s0;
	s0 =	simm.s32 @!p1 $0x0  }
0x14: {  	s2 =	sld [smem:$0x3F83];
	s0 =	simm.s32 @p1 $0x1  }
0x15: {  	[smem:$0x3FA0] =	sst s0;
	s0 =	simm.s32 @!p2 $0x0  }
0x16: {  	s3 =	sld [smem:$0x3FDB];
	s0 =	simm.s32 @p2 $0x1  }
0x17: {  	s4 =	simm.s32 $0x1BF5;
	[smem:$0x3FA2] =	sst s0  }
0x18: {  	s0 =	sld [smem:$0x3F85];
	_ =	swait.ge [sflag:s4], $0x0  }
0x19: {  	s7 =	sld [smem:$0x3F86]  }
0x1a: {  	s8 =	sadd.s32 $0xFFFFE003, lr  }
0x1b: {  	s9 =	sadd.s32 $0xFFFFFEF7, lr;
	s5 =	simm.s32 $0xFFFFFFFF;
	p2 =	slt.u32 s8, $0xFFFFF086  }
0x1c: {  	p1 =	slt.u32 s9, $0xF7A;
	s5 =	simm.s32 @!p2 $0x0  }
0x1d: {  	s5 =	simm.s32 @p1 $0x1;
	p0 =	seq.s32 s7, s2  }
0x1e: {  	s7 =	smul.u32 @!p0 $0xF7A, s2;
	p2 =	seq.s32 @!p0 s5, $0x0  }
0x1f: {  	s9 =	smul.u32 $0xF7A, s1;
	s8 =	simm.s32 @!p0 $0x1BF5;
	p2 =	por !p2, p0  }
0x20: {  	[sflag:s8] =	ssyncset.s32 @!p0 $0xFFFFF086;
	s6 =	sadd.s32 @!p0 s3, s7;
	s7 =	simm.s32 @!p0 $0x108  }
0x21: {  	s3 =	sadd.s32 s3, s9;
	s6 =	sadd.s32 @!p0 $0x88, s6;
	s7 =	simm.s32 @p2 $0x1082  }
0x22: {  	[simem:s7], [sflag:s8] =	dma.local @!p0 [hbm:s6], $0xF7A  }
0x23: {  	s9 =	sor.u32 $0xD0000000, s2;
	s6 =	simm.s32 $0x108;
	_ =	swait.ge @!p0 [sflag:s8], $0x0  }
0x24: {  	s3 =	sadd.s32 $0x88, s3;
	s6 =	simm.s32 @!p1 $0x1082;
	[sflag:s4] =	ssyncset.s32 $0xFFFFF086  }
0x25: {  	[simem:s6], [sflag:s4] =	dma.local [hbm:s3], $0xF7A  }
0x26: {  	[smem:$0x3F86] =	sst s1;
	(tag) =	ssettag s2;
	_ =	strace s9  }
0x27: {  	s1 =	sld [smem:$0x3F96]  }
0x28: {  	s2 =	sld [smem:$0x3F97]  }
0x29: {  	s4 =	sld [smem:$0x3F99]  }
0x2a: {  	p0 =	seq.s32 s5, $0x0;
	s5 =	sld [smem:$0x3F9A]  }
0x2b: {  	s6 =	sld [smem:$0x3F9B]  }
0x2c: {  	s7 =	sld [smem:$0x3F9C]  }
0x2d: {  	s3 =	simm.s32 $0x108;
	s8 =	sld [smem:$0x3F9D]  }
0x2e: {  	s3 =	simm.s32 @!p0 $0x1082;
	s9 =	sld [smem:$0x3F9E]  }
0x2f: {  	lr =	sadd.s32 s0, s3;
	s0 =	sld [smem:$0x3F95]  }
0x30: {  	s3 =	sld [smem:$0x3F98]  }
0x31: {  	[smem:$0x3FA1] =	sst s10  }
0x32: {  	s10 =	sld [smem:$0x3F9F];
	_ =	sdelay $0x3  }
0x33: {  	p0 =	seq.s32 s10, $0x1;
	s10 =	sld [smem:$0x3FA1];
	_ =	sdelay $0x3  }
0x34: {  	[smem:$0x3FA1] =	sst s10  }
0x35: {  	s10 =	sld [smem:$0x3FA0];
	_ =	sdelay $0x3  }
0x36: {  	p1 =	seq.s32 s10, $0x1;
	s10 =	sld [smem:$0x3FA1];
	_ =	sdelay $0x3  }
0x37: {  	[smem:$0x3FA1] =	sst s10  }
0x38: {  	s10 =	sld [smem:$0x3FA2]  }
0x39: {  	_ = 	snop;
	(pc) =	sbr.ind lr, $3  }
0x3a: {  	_ = 	snop  }
0x3b: {  	_ = 	snop  }
0x3c: {  	p2 =	seq.s32 s10, $0x1;
	s10 =	sld [smem:$0x3FA1]  }
0x3d: {  	_ =	shalt  }
0x3e: {  	_ =	shalt  }
0x3f: {  	_ =	shalt  }
0x40: {  	_ =	shalt  }
0x41: {  	_ =	shalt  }
0x42: {  	_ =	shalt  }
0x43: {  	_ =	shalt  }
0x44: {  	_ =	shalt  }
0x45: {  	_ =	shalt  }
0x46: {  	_ =	shalt  }
0x47: {  	_ =	shalt  }
0x48: {  	_ =	shalt  }
0x49: {  	_ =	shalt  }
0x4a: {  	_ =	shalt  }
0x4b: {  	_ =	shalt  }
0x4c: {  	_ =	shalt  }
0x4d: {  	_ =	shalt  }
0x4e: {  	_ =	shalt  }
0x4f: {  	_ =	shalt  }
0x50: {  	_ =	shalt  }
0x51: {  	_ =	shalt  }
0x52: {  	_ =	shalt  }
0x53: {  	_ =	shalt  }
0x54: {  	_ =	shalt  }
0x55: {  	_ =	shalt  }
0x56: {  	_ =	shalt  }
0x57: {  	_ =	shalt  }
0x58: {  	_ =	shalt  }
0x59: {  	_ =	shalt  }
0x5a: {  	_ =	shalt  }
0x5b: {  	_ =	shalt  }
0x5c: {  	_ =	shalt  }
0x5d: {  	_ =	shalt  }
0x5e: {  	_ =	shalt  }
0x5f: {  	_ =	shalt  }
0x60: {  	_ =	shalt  }
0x61: {  	_ =	shalt  }
0x62: {  	_ =	shalt  }
0x63: {  	_ =	shalt  }
0x64: {  	_ =	shalt  }
0x65: {  	_ =	shalt  }
0x66: {  	_ =	shalt  }
0x67: {  	_ =	shalt  }
0x68: {  	_ =	shalt  }
0x69: {  	_ =	shalt  }
0x6a: {  	_ =	shalt  }
0x6b: {  	_ =	shalt  }
0x6c: {  	_ =	shalt  }
0x6d: {  	_ =	shalt  }
0x6e: {  	_ =	shalt  }
0x6f: {  	_ =	shalt  }
0x70: {  	_ =	shalt  }
0x71: {  	_ =	shalt  }
0x72: {  	_ =	shalt  }
0x73: {  	_ =	shalt  }
0x74: {  	_ =	shalt  }
0x75: {  	_ =	shalt  }
0x76: {  	_ =	shalt  }
0x77: {  	_ =	shalt  }
0x78: {  	_ =	shalt  }
0x79: {  	_ =	shalt  }
0x7a: {  	_ =	shalt  }
0x7b: {  	_ =	shalt  }
0x7c: {  	_ =	shalt  }
0x7d: {  	_ =	shalt  }
0x7e: {  	_ =	shalt  }
0x7f: {  	_ =	shalt  }
0x80: {  	_ =	shalt  }
0x81: {  	_ =	shalt  }
0x82: {  	_ =	shalt  }
0x83: {  	_ =	shalt  }
0x84: {  	_ =	shalt  }
0x85: {  	_ =	shalt  }
0x86: {  	_ =	shalt  }
0x87: {  	_ =	shalt  }
.Lfunc_end0:
.L_simem_size_0:
called_computation_lowered:
.L_overlay_start_0:
0x88: {  	s2 =	sld [smem:$0x3FD9]  }
0x89: {  	s3 =	sld [smem:$0x3FFE];
	_ =	sdelay $0x1  }
0x8a: {  	s1 =	srdreg.scid  }
0x8b: {  	s0 =	sand.u32 $0x1, s1  }
0x8c: {  	s14 =	sshll.u32 s0, $0xA;
	s2 =	sadd.s32 s3, s2  }
0x8d: {  	s2 =	sadd.s32 s2, s14  }
0x8e: {  	[smem:$0x3FAD] =	sst s2  }
0x8f: {  	_ = 	snop  }
0x90: {  	s2 =	sld [smem:$0x3FD0];
	_ =	sdelay $0x2  }
0x91: {  	s15 =	simm.s32 $0xA;
	s4 =	simm.s32 $0x10  }
0x92: {  	[smem:s4], [sflag:s15] =	dma.local [hbm:s2], $0x1  }
0x93: {  	_ =	swait.eq [sflag:s15], $0x1  }
0x94: {  	[sflag:s15] =	ssyncset.done $0x0  }
0x95: {  	s16 =	sld [smem:$0x10];
	[sflag:s15] =	ssyncadd.s32 $0xFFFFFFFF  }
0x96: {  	s17 =	sld [smem:$0x11];
	(tm) =	ssettm $0x1  }
0x97: {  	s18 =	sld [smem:$0x3FFB];
	_ =	sdelay $0x3  }
0x98: {  	_ =	strace s18  }
0x99: {  	s4 =	sld [smem:$0x3FFC];
	_ =	sdelay $0x3  }
0x9a: {  	_ =	strace s4  }
0x9b: {  	s4 =	sld [smem:$0x3FFD];
	_ =	sdelay $0x3  }
0x9c: {  	_ =	strace s4  }
0x9d: {  	_ =	strace $0x8FFFFFFF  }
0x9e: {  	s19 =	sld [smem:$0x3FDB];
	_ =	sdelay $0x1  }
0x9f: {  	s5 =	simm.s32 $_scs_section_size  }
0xa0: {  	s6 =	simm.s32 $_size__tile_overlayer_lowered;
	s7 =	simm.s32 $_tile_overlayer_lowered  }
0xa1: {  	s22 =	simm.s32 $0x1BFF;
	s21 =	sshll.u32 s7, $0x1;
	s4 =	sadd.s32 s5, s19  }
0xa2: {  	s8 =	simm.s32 $0x0;
	s20 =	sshll.u32 s6, $0x1;
	s6 =	sadd.s32 s21, s4  }
0xa3: {  	[timem:s8], [sflag:s22] =	dma.local [hbm:s6], s20  }
0xa4: {  	_ =	swait.ge [sflag:s22], s20  }
0xa5: {  	s5 =	ssub.s32 $0x0, s20;
	[sflag:s22] =	ssyncset.done $0x0  }
0xa6: {  	[sflag:s22] =	ssyncadd.s32 s5;
	_ =	sdelay $0x1  }
0xa7: {  	s23 =	simm.s32 $0x1B8B  }
0xa8: {  	_ =	swait.ge [sflag:s23], $0x1  }
0xa9: {  	[sflag:s23] =	ssyncset.done $0x0  }
0xaa: {  	s25 =	simm.s32 $0x1B8E;
	s24 =	sld [smem:$0x3FFE];
	[sflag:s23] =	ssyncadd.s32 $0xFFFFFFFF  }
0xab: {  	s26 =	simm.s32 $execute0_lowered;
	[smem:$0x3FD2] =	sst s25  }
0xac: {  	s6 =	sshll.u32 s26, $0x1;
	_ =	strace $0x80000046;
	[dreg:$0x1] =	wrdreg $0xFFFFFFFF  }
0xad: {  	s28 =	simm.s32 $_size_execute0_lowered;
	s4 =	sadd.s32 s4, s6;
	[dreg:$0x0] =	wrdreg $0x0  }
0xae: {  	s6 =	sshll.u32 s28, $0x1;
	[dreg:$0x2] =	wrdreg s4  }
0xaf: {  	[dreg:$0x3] =	wrdreg s6  }
0xb0: {  	[dreg:$0x4] =	wrdreg $0xC0  }
0xb1: {  	_ =	task [dreg:s8], $0x5FFFF  }
0xb2: {  	[dreg:$0x1] =	wrdreg $0xFFFFFFFF  }
0xb3: {  	[dreg:$0x0] =	wrdreg $0x60  }
0xb4: {  	[dreg:$0x2] =	wrdreg s16  }
0xb5: {  	[dreg:$0x3] =	wrdreg s17  }
0xb6: {  	[dreg:$0x4] =	wrdreg s24  }
0xb7: {  	[dreg:$0x5] =	wrdreg $0x9  }
0xb8: {  	_ =	task.clear_ibuf [dreg:s8], $0x6FFFF;
	_ =	strace $0x90000046  }
0xb9: {  	s29 =	simm.s32 $0x9;
	_ =	strace $0x80000048  }
0xba: {  	_ =	swait.ge [sflag:s29], $0x1  }
0xbb: {  	[sflag:s29] =	ssyncadd.s32 $0xFFFFFFFF  }
0xbc: {  	_ =	strace $0x90000048  }
0xbd: {  	_ =	sfence  }
0xbe: {  	s30 =	sld [smem:$0x0];
	_ =	sdelay $0x2  }
0xbf: {  	s31 =	sshll.u32 s1, $0xD;
	s1 =	sshrl.u32 s1, $0x2  }
0xc0: {  	s3 =	sand.u32 $0x4000, s31;
	s1 =	sadd.s32 s1, s30  }
0xc1: {  	s0 =	sor.u32 s3, s0;
	s1 =	sshll.u32 s1, $0x11  }
0xc2: {  	s0 =	sor.u32 s1, s0  }
0xc3: {  	s0 =	sadd.s32 $0x8F2B, s0  }
0xc4: {  	[sflag:s0] =	ssyncadd.remote.s32 $0x1  }
0xc5: {  	_ =	sfence.sel $0xFFFF  }
0xc6: {  	[dreg:$0x0] =	wrdreg $0xFFFFFFFF;
	(pc) =	sbr.abs _section_cstart, $3  }
0xc7: {  	[dreg:$0x1] =	wrdreg $0xFFFFFFFF  }
0xc8: {  	_ =	task.clear_ibuf [dreg:s8], $0x2FFFF;
	_ =	strace $0x9FFFFFFF  }
0xc9: {  	(tm) =	ssettm $0x7FFFFFFF  }
tec
execute0_lowered:
.L_overlay_start_1:
0x0: {  	(tag) =	ssettag $0x1  }
0x1: {  	s1 =	rddreg [dreg:$0x0]  }
0x2: {  	s2 =	rddreg [dreg:$0x1]  }
0x3: {  	s0 =	rddreg [dreg:$0x2];
	s4 =	simm.s32 $0x0;
	s3 =	srdreg.scid  }
0x4: {  	s14 =	stileid.u32;
	s28 =	simm.s32 $0x80;
	s29 =	simm.s32 $0x300  }
0x5: {  	s30 =	simm.s32 $0x4300;
	s31 =	simm.s32 $0x4;
	[smem:$0x7FF] =	sst s4  }
0x6: {  	s9 =	sadd.s32 $0x4800, s0;
	s3 =	sand.u32 $0x1, s3;
	s7 =	sshll.u32 s14, $0x1  }
0x7: {  	s5 =	sadd.s32 $0x9800, s0;
	s6 =	sadd.s32 $0xFA00, s0;
	s8 =	sadd.s32 $0x280A00, s0  }
0x8: {  	s0 =	sadd.s32 $0x5400, s0;
	s20 =	sshll.u32 s14, $0x10;
	s21 =	sshll.u32 s14, $0xD  }
0x9: {  	p1 =	sgt.u32 s14, $0x9;
	_ =	strace $0x80000047;
	s7 =	sor.u32 s3, s7  }
0xa: {  	s10 =	ssub.s32 $0x2, s3;
	[dreg:$0x7] =	wrdreg s0;
	s16 =	sshll.u32 s3, $0x8  }
0xb: {  	s17 =	sshll.u32 s3, $0x5;
	s22 =	sshll.u32 s3, $0xF;
	s3 =	sshll.u32 s3, $0xC  }
0xc: {  	s11 =	sshll.u32 s7, $0x5;
	s12 =	smul.u32 $0x2710, s7;
	s13 =	sshrl.u32 s10, $0x1  }
0xd: {  	s18 =	sadd.s32 $0xFFFFFE2F, s7;
	p0 =	sgt.u32 s7, $0x1C;
	s15 =	sadd.s32 s9, s11  }
0xe: {  	s10 =	ssub.s32 s10, s13;
	s13 =	sshll.u32 s14, $0x9;
	[dreg:$0xc] =	wrdreg s18  }
0xf: {  	s11 =	sadd.s32 $0x400, s15;
	s23 =	sadd.s32 $0x2700, s12;
	[dreg:$0x4] =	wrdreg s15  }
0x10: {  	s24 =	sadd.s32 $0x800, s15;
	s12 =	smax.u32 s10, $0x1;
	[dreg:$0x5] =	wrdreg s11  }
0x11: {  	s15 =	sshll.u32 s14, $0x6;
	s0 =	sor.u32 s16, s13;
	[dreg:$0x6] =	wrdreg s24  }
0x12: {  	s10 =	simm.s32 $0x6;
	s25 =	sshrl.u32 s23, $0x3;
	[dreg:$0xa] =	wrdreg s12  }
0x13: {  	s11 =	sshll.u32 s23, $0x4;
	[dreg:$0xb] =	wrdreg s0;
	s23 =	sadd.s32 $0xFFFFFDCF, s7  }
0x14: {  	s9 =	sadd.s32 s15, s9;
	s26 =	sadd.s32 s5, s25;
	[dreg:$0xf] =	wrdreg s23  }
0x15: {  	s11 =	sadd.s32 s8, s11;
	s19 =	sadd.s32 s17, s9;
	[dreg:$0x8] =	wrdreg s26  }
0x16: {  	s9 =	sadd.s32 s21, s6;
	s25 =	sadd.s32 $0xFFFFFE0F, s7;
	[dreg:$0x9] =	wrdreg s11  }
.Ltmp0:
0x17: {  	s0 =	sadd.s32 $0x1400, s19;
	[dreg:$0x11] =	wrdreg s25;
	(pc) =	sbr.rel .LBB2_1-.Ltmp0, $4  }
0x18: {  	s24 =	sadd.s32 s3, s9;
	s26 =	sadd.s32 $0xFFFFFDAF, s7;
	[dreg:$0xd] =	wrdreg s0  }
0x19: {  	s11 =	simm.s32 $0x10300;
	s0 =	sor.u32 s22, s20;
	[dreg:$0x12] =	wrdreg s26  }
0x1a: {  	s9 =	simm.s32 $0x0;
	[dreg:$0xe] =	wrdreg s0;
	s0 =	sadd.s32 $0x40000, s24  }
0x1b: {  	s26 =	simm.s32 $0x1;
	[dreg:$0x10] =	wrdreg s0;
	s0 =	simm.s32 $0x5  }
.LBB2_22:
0x1c: {  	s3 =	simm.s32 $0x7  }
0x1d: {  	_ =	swait.ge [sflag:s3], $0x8000  }
0x1e: {  	[sflag:s3] =	ssyncset.done $0x0  }
0x1f: {  	[sflag:s3] =	ssyncadd.s32 $0xFFFF8000;
	s3 =	simm.s32 @!p0 $0x8  }
0x20: {  	_ =	swait.ge @!p0 [sflag:s3], $0x8000  }
0x21: {  	s9 =	simm.s32 @!p1 $0x18300;
	[sflag:s3] =	ssyncset.done @!p0 $0x0  }
0x22: {  	s12 =	rddreg [dreg:$0x8];
	[sflag:s3] =	ssyncadd.s32 @!p0 $0xFFFF8000;
	s3 =	simm.s32 @!p1 $0x0  }
0x23: {  	[tilespmem:s9], [sflag:$0xB] =	stream.linear.gather @!p1 [hbm4b:s12+s3], $0x10, $0x38;
	[tilespmem:$0x18B80] =	vst v63  }
0x24: {  	s12 =	simm.s32 @!p1 $0xB  }
0x25: {  	_ =	swait.ge @!p1 [sflag:s12], $0x10  }
0x26: {  	[sflag:s12] =	ssyncset.done @!p1 $0x0  }
0x27: {  	s13 =	simm.s32 @!p1 $0x10;
	s14 =	simm.s32 @!p1 $0x18380;
	[sflag:s12] =	ssyncadd.s32 @!p1 $0xFFFFFFF0  }
0x28: {  	[tilespmem:s14], [sflag:$0xA] =	stream.indirect.gather @!p1 [hbm4b:s2+s13], $0x80, s9, s13, $0xb8;
	[tilespmem:$0x18B80] =	vst v63  }
0x29: {  	s9 =	simm.s32 @!p1 $0xA  }
0x2a: {  	_ =	swait.ge @!p1 [sflag:s9], $0x800  }
0x2b: {  	[sflag:s9] =	ssyncset.done @!p1 $0x0  }
0x2c: {  	[sflag:s9] =	ssyncadd.s32 @!p1 $0xFFFFF800;
	s9 =	rddreg [dreg:$0x9]  }
0x2d: {  	[hbm4b:s9+s3] =	stream.linear.scatter @!p1 [tilespmem:s14], [sflag:$0xB], $0x800, $0x38;
	[tilespmem:$0x18B80] =	vst v63  }
0x2e: {  	_ =	swait.ge @!p1 [sflag:s12], $0x800  }
0x2f: {  	s24 =	rddreg [dreg:$0x13]  }
0x30: {  	s25 =	rddreg [dreg:$0xa];
	s9 =	sadd.s32 $0x1, s24  }
0x31: {  	p2 =	sne.s32 s9, s25  }
.Ltmp1:
0x32: {  	_ = 	snop;
	(pc) =	sbr.rel @!p2 .LBB2_23-.Ltmp1, $3  }
0x33: {  	_ =	sdelay $0x1  }
0x34: {  	[sflag:s12] =	ssyncset.done @!p1 $0x0  }
0x35: {  	[sflag:s12] =	ssyncadd.s32 @!p1 $0xFFFFF800  }
.LBB2_1:
0x36: {  	[dreg:$0x13] =	wrdreg s9  }
0x37: {  	s3 =	rddreg [dreg:$0x4]  }
0x38: {  	s22 =	rddreg [dreg:$0x5]  }
0x39: {  	s24 =	rddreg [dreg:$0x6]  }
0x3a: {  	s21 =	rddreg [dreg:$0x10]  }
0x3b: {  	s20 =	rddreg [dreg:$0xf]  }
0x3c: {  	s19 =	rddreg [dreg:$0xe]  }
0x3d: {  	s18 =	rddreg [dreg:$0xd]  }
0x3e: {  	s9 =	rddreg [dreg:$0xc]  }
0x3f: {  	[tilespmem:s4], [sflag:$0x1] =	stream.linear.gather [hbm4b:s3+s4], $0x100, $0x38;
	[tilespmem:$0x18B80] =	vst v63  }
.Ltmp2:
0x40: {  	s23 =	simm.s32 $0x100;
	s17 =	rddreg [dreg:$0xb];
	(pc) =	sbr.rel .LBB2_2-.Ltmp2, $4  }
0x41: {  	[tilespmem:s23], [sflag:$0x2] =	stream.linear.gather [hbm4b:s22+s4], $0x100, $0x38;
	[tilespmem:$0x18B80] =	vst v63  }
0x42: {  	s23 =	rddreg [dreg:$0x12]  }
0x43: {  	s25 =	simm.s32 $0x200;
	s16 =	simm.s32 $0x0;
	s22 =	rddreg [dreg:$0x11]  }
0x44: {  	[tilespmem:s25], [sflag:$0x3] =	stream.linear.gather [hbm4b:s24+s4], $0x100, $0x38;
	[tilespmem:$0x18B80] =	vst v63  }
.LBB2_19:
0x45: {  	s3 =	smul.u32 $0x6F97, s15;
	_ =	sdelay $0x1  }
0x46: {  	s3 =	sadd.s32 $0x4EB9, s3  }
0x47: {  	s12 =	sadd.s32 $0xFFFFFE2F, s15;
	s3 =	sand.u32 $0xFFFF, s3  }
0x48: {  	p2 =	seq.s32 s12, $0x0;
	p3 =	sgt.u32 s3, $0x690  }
0x49: {  	s25 =	sand.u32 $0xFFFF, s9;
	p2 =	por !p2, !p3  }
0x4a: {  	s12 =	simm.s32 $0x1;
	s3 =	smulhi.u32 $0x6906907, s25;
	p2 =	por !p2, !p2  }
0x4b: {  	s12 =	simm.s32 @!p2 $0x0  }
0x4c: {  	s3 =	ssub.s32 s3, s12  }
0x4d: {  	s3 =	sshll.u32 s3, $0x4  }
0x4e: {  	s3 =	sadd.s32 s3, s17  }
0x4f: {  	s3 =	sadd.s32 $0xFFFE2F00, s3  }
0x50: {  	s3 =	sshrl.u32 s3, $0x3  }
0x51: {  	s13 =	sadd.s32 s5, s3  }
.LBB2_20:
0x52: {  	s3 =	simm.s32 $0x200  }
0x53: {  	[tilespmem:s3], [sflag:$0x3] =	stream.linear.gather [hbm4b:s13+s4], $0x100, $0x38;
	[tilespmem:$0x18B80] =	vst v63  }
.LBB2_21:
0x54: {  	s16 =	sadd.s32 $0x60, s16  }
0x55: {  	p2 =	sne.s32 s16, $0x5A0  }
.Ltmp3:
0x56: {  	_ = 	snop;
	(pc) =	sbr.rel @!p2 .LBB2_22-.Ltmp3, $4  }
0x57: {  	_ = 	snop  }
0x58: {  	s17 =	sadd.s32 $0x6000, s17;
	s9 =	sadd.s32 $0x60, s9  }
0x59: {  	s18 =	sadd.s32 $0xC00, s18;
	s19 =	sadd.s32 $0x300000, s19;
	s20 =	sadd.s32 $0x60, s20  }
0x5a: {  	s21 =	sadd.s32 $0x60000, s21;
	s22 =	sadd.s32 $0x60, s22;
	s23 =	sadd.s32 $0x60, s23  }
.LBB2_2:
0x5b: {  	p5 =	seq.s32 s16, $0x0  }
0x5c: {  	s13 =	simm.s32 @!p5 $0x7  }
0x5d: {  	_ =	swait.ge @!p5 [sflag:s13], $0x8000  }
0x5e: {  	[sflag:s13] =	ssyncset.done @!p5 $0x0  }
0x5f: {  	[sflag:s13] =	ssyncadd.s32 @!p5 $0xFFFF8000  }
0x60: {  	s15 =	sadd.s32 s16, s7;
	_ =	swait.ge [sflag:s26], $0x100  }
0x61: {  	p4 =	slt.u32 s15, $0x271;
	s13 =	smov.u32 s2;
	[sflag:s26] =	ssyncset.done $0x0  }
0x62: {  	s13 =	smov.u32 @p4 s1;
	[sflag:s26] =	ssyncadd.s32 $0xFFFFFF00  }
0x63: {  	[tilespmem:s29], [sflag:$0x4] =	stream.indirect.gather [hbm4b:s13+s28], $0x80, s4, s28, $0xb8;
	[tilespmem:$0x18B80] =	vst v63  }
0x64: {  	_ = 	snop  }
0x65: {  	[tilespmem:s30], [sflag:$0x4] =	stream.indirect.gather [hbm4b:s13+s28], $0x80, s28, s28, $0xb8;
	[tilespmem:$0x18B80] =	vst v63  }
0x66: {  	s13 =	simm.s32 @!p5 $0x8  }
0x67: {  	s24 =	sadd.s32 $0x20, s15;
	_ =	swait.ge @!p5 [sflag:s13], $0x8000  }
0x68: {  	p3 =	sgt.u32 s24, $0x57C;
	[sflag:s13] =	ssyncset.done @!p5 $0x0  }
0x69: {  	s25 =	smov.u32 s1;
	[sflag:s13] =	ssyncadd.s32 @!p5 $0xFFFF8000;
	s13 =	simm.s32 @!p3 $0x2  }
0x6a: {  	p2 =	slt.u32 @!p3 s24, $0x271;
	s14 =	simm.s32 @!p3 $0x100;
	_ =	swait.ge @!p3 [sflag:s13], $0x100  }
0x6b: {  	s12 =	simm.s32 @!p3 $0x8300;
	p2 =	por !p2, p3;
	[sflag:s13] =	ssyncset.done @!p3 $0x0  }
0x6c: {  	s25 =	smov.u32 @p2 s2;
	[sflag:s13] =	ssyncadd.s32 @!p3 $0xFFFFFF00;
	s13 =	simm.s32 @!p3 $0x80  }
0x6d: {  	[tilespmem:s12], [sflag:$0x5] =	stream.indirect.gather @!p3 [hbm4b:s25+s13], $0x80, s14, s13, $0xb8;
	[tilespmem:$0x18B80] =	vst v63  }
0x6e: {  	s12 =	simm.s32 @!p3 $0x180;
	s14 =	simm.s32 @!p3 $0xC300  }
0x6f: {  	[tilespmem:s14], [sflag:$0x5] =	stream.indirect.gather @!p3 [hbm4b:s25+s13], $0x80, s12, s13, $0xb8;
	[tilespmem:$0x18B80] =	vst v63  }
0x70: {  	s12 =	simm.s32 @!p5 $0x9  }
0x71: {  	s13 =	sadd.s32 $0x40, s15;
	_ =	swait.ge @!p5 [sflag:s12], $0x8000  }
0x72: {  	p2 =	sgt.u32 s13, $0x57C;
	[sflag:s12] =	ssyncset.done @!p5 $0x0  }
0x73: {  	s14 =	smov.u32 s1;
	[sflag:s12] =	ssyncadd.s32 @!p5 $0xFFFF8000;
	s12 =	simm.s32 @!p2 $0x3  }
0x74: {  	s25 =	simm.s32 @!p2 $0x200;
	p5 =	slt.u32 @!p2 s13, $0x271;
	_ =	swait.ge @!p2 [sflag:s12], $0x100  }
0x75: {  	s3 =	simm.s32 @!p2 $0x10300;
	p5 =	por !p5, p2;
	[sflag:s12] =	ssyncset.done @!p2 $0x0  }
0x76: {  	s14 =	smov.u32 @p5 s2;
	[sflag:s12] =	ssyncadd.s32 @!p2 $0xFFFFFF00;
	s12 =	simm.s32 @!p2 $0x80  }
0x77: {  	[tilespmem:s3], [sflag:$0x6] =	stream.indirect.gather @!p2 [hbm4b:s14+s12], $0x80, s25, s12, $0xb8;
	[tilespmem:$0x18B80] =	vst v63  }
0x78: {  	s3 =	simm.s32 @!p2 $0x280;
	s25 =	simm.s32 @!p2 $0x14300  }
0x79: {  	[tilespmem:s25], [sflag:$0x6] =	stream.indirect.gather @!p2 [hbm4b:s14+s12], $0x80, s3, s12, $0xb8;
	[tilespmem:$0x18B80] =	vst v63  }
0x7a: {  	_ =	swait.ge [sflag:s31], $0x4000  }
.Ltmp4:
0x7b: {  	[sflag:s31] =	ssyncset.done $0x0;
	(pc) =	sbr.rel @!p4 .LBB2_3-.Ltmp4, $4  }
0x7c: {  	[sflag:s31] =	ssyncadd.s32 $0xFFFFC000  }
0x7d: {  	_ =	swait.ge [sflag:s31], $0x4000  }
0x7e: {  	[sflag:s31] =	ssyncset.done $0x0  }
0x7f: {  	[sflag:s31] =	ssyncadd.s32 $0xFFFFC000  }
0x80: {  	p4 =	sgt.u32 s15, $0x210  }
.Ltmp5:
0x81: {  	_ = 	snop;
	(pc) =	sbr.rel @p4 .LBB2_4-.Ltmp5, $4  }
0x82: {  	_ = 	snop  }
0x83: {  	s3 =	sshll.u32 s15, $0xC  }
0x84: {  	s3 =	sadd.s32 s6, s3  }
0x85: {  	[hbm4b:s3+s4] =	stream.linear.scatter [tilespmem:s29], [sflag:$0x7], $0x8000, $0x38;
	[tilespmem:$0x18B80] =	vst v63  }
.Ltmp6:
0x86: {  	(pc) =	sbr.rel .LBB2_7-.Ltmp6, $3  }
0x87: {  	_ =	sdelay $0x1  }
0x88: {  	s3 =	sshll.u32 s15, $0x5;
	s12 =	rddreg [dreg:$0x7]  }
0x89: {  	s25 =	sadd.s32 s3, s12  }
.LBB2_3:
0x8a: {  	s3 =	sadd.s32 $0xFFFFFD8F, s15  }
0x8b: {  	s12 =	sshll.u32 s3, $0x10  }
0x8c: {  	s12 =	sshra.s32 s12, $0x10  }
0x8d: {  	s12 =	smul.u32 $0x6907, s12;
	_ =	sdelay $0x1  }
0x8e: {  	s14 =	sshrl.u32 s12, $0x1F;
	s12 =	sshra.s32 s12, $0x14  }
0x8f: {  	s12 =	sadd.s32 s14, s12  }
0x90: {  	s14 =	smul.u32 $0xFFFFFFD9, s12  }
0x91: {  	s25 =	ssub.s32 $0x271, s15  }
0x92: {  	s25 =	sand.u32 $0xFFFF, s25;
	s14 =	sand.u32 $0xFFFF, s14  }
0x93: {  	p4 =	seq.s32 s15, $0x271;
	p5 =	sne.s32 s14, s25  }
0x94: {  	p4 =	por !p4, !p5  }
0x95: {  	s14 =	simm.s32 $0x1;
	p4 =	por !p4, !p4  }
0x96: {  	s14 =	simm.s32 @!p4 $0x0  }
0x97: {  	s12 =	ssub.s32 s12, s14  }
0x98: {  	s14 =	smul.u32 $0x1FFD9, s12;
	_ =	sdelay $0x1  }
0x99: {  	p4 =	slt.u32 s15, $0x51D;
	s12 =	smul.u32 $0x138800, s12;
	s3 =	sadd.s32 s3, s14  }
.Ltmp7:
0x9a: {  	s3 =	sshll.u32 s3, $0xF;
	(pc) =	sbr.rel @!p4 .LBB2_8-.Ltmp7, $4  }
0x9b: {  	s3 =	sadd.s32 s12, s3  }
0x9c: {  	s3 =	sshrl.u32 s3, $0x3  }
0x9d: {  	s3 =	sadd.s32 s8, s3  }
0x9e: {  	[hbm4b:s3+s4] =	stream.linear.scatter [tilespmem:s29], [sflag:$0x7], $0x8000, $0x38;
	[tilespmem:$0x18B80] =	vst v63  }
.LBB2_4:
0x9f: {  	s3 =	sadd.s32 $0xFFFFFDEF, s15  }
0xa0: {  	s12 =	smul.u32 $0xA41B, s3;
	_ =	sdelay $0x1  }
0xa1: {  	s14 =	smul.u32 $0x6F97, s3;
	s12 =	sshrl.u32 s12, $0x10  }
0xa2: {  	s25 =	ssub.s32 s3, s12  }
0xa3: {  	s14 =	sand.u32 $0xFFFF, s14;
	s25 =	sand.u32 $0xFFFE, s25  }
0xa4: {  	p5 =	seq.s32 s15, $0x211;
	p4 =	sgt.u32 s14, $0x690;
	s25 =	sshrl.u32 s25, $0x1  }
0xa5: {  	p4 =	por !p5, !p4;
	s12 =	sadd.s32 s12, s25  }
0xa6: {  	s14 =	simm.s32 $0x1;
	p4 =	por !p4, !p4;
	s12 =	sand.u32 $0xFFE0, s12  }
0xa7: {  	s14 =	simm.s32 @!p4 $0x0;
	s12 =	sshrl.u32 s12, $0x5  }
0xa8: {  	s12 =	ssub.s32 s12, s14  }
0xa9: {  	s14 =	smul.u32 $0xFFFFD9, s12;
	_ =	sdelay $0x1  }
0xaa: {  	s12 =	smul.u32 $0x2710, s12;
	s3 =	sadd.s32 s3, s14  }
0xab: {  	s3 =	sshll.u32 s3, $0x8  }
0xac: {  	s3 =	sadd.s32 s12, s3  }
0xad: {  	s3 =	sshrl.u32 s3, $0x3  }
0xae: {  	s25 =	sadd.s32 s5, s3  }
.LBB2_7:
0xaf: {  	[tilespmem:s4], [sflag:$0x1] =	stream.linear.gather [hbm4b:s25+s4], $0x100, $0x38;
	[tilespmem:$0x18B80] =	vst v63  }
.LBB2_8:
.Ltmp8:
0xb0: {  	(pc) =	sbr.rel @p3 .LBB2_15-.Ltmp8, $1  }
0xb1: {  	_ =	sdelay $0x3  }
0xb2: {  	_ =	swait.ge [sflag:s0], $0x4000;
	p3 =	slt.u32 s24, $0x271  }
.Ltmp9:
0xb3: {  	[sflag:s0] =	ssyncset.done $0x0;
	(pc) =	sbr.rel @!p3 .LBB2_10-.Ltmp9, $4  }
0xb4: {  	[sflag:s0] =	ssyncadd.s32 $0xFFFFC000  }
0xb5: {  	_ =	swait.ge [sflag:s0], $0x4000  }
0xb6: {  	[sflag:s0] =	ssyncset.done $0x0  }
0xb7: {  	[sflag:s0] =	ssyncadd.s32 $0xFFFFC000  }
0xb8: {  	p3 =	sgt.u32 s24, $0x210  }
.Ltmp10:
0xb9: {  	_ = 	snop;
	(pc) =	sbr.rel @p3 .LBB2_11-.Ltmp10, $3  }
0xba: {  	_ =	sdelay $0x1  }
0xbb: {  	s3 =	sadd.s32 $0xFFFE0000, s21;
	s12 =	simm.s32 $0x8300  }
0xbc: {  	[hbm4b:s3+s4] =	stream.linear.scatter [tilespmem:s12], [sflag:$0x8], $0x8000, $0x38;
	[tilespmem:$0x18B80] =	vst v63  }
.Ltmp11:
0xbd: {  	(pc) =	sbr.rel .LBB2_14-.Ltmp11, $2  }
0xbe: {  	_ =	sdelay $0x2  }
0xbf: {  	s24 =	sadd.s32 $0xFFFFFC00, s18  }
.LBB2_10:
0xc0: {  	s3 =	smul.u32 $0x6F97, s15;
	_ =	sdelay $0x1  }
0xc1: {  	s3 =	sadd.s32 $0xFFFF8339, s3  }
0xc2: {  	s12 =	sadd.s32 $0xFFFFFDAF, s15;
	s3 =	sand.u32 $0xFFFF, s3  }
0xc3: {  	p3 =	seq.s32 s12, $0x0;
	p4 =	sgt.u32 s3, $0x690  }
0xc4: {  	s14 =	sand.u32 $0xFFFF, s23;
	p3 =	por !p3, !p4  }
0xc5: {  	s12 =	simm.s32 $0x1;
	s3 =	smulhi.u32 $0x6906907, s14;
	p3 =	por !p3, !p3  }
0xc6: {  	s12 =	simm.s32 @!p3 $0x0  }
0xc7: {  	s3 =	ssub.s32 s3, s12  }
0xc8: {  	p3 =	slt.u32 s24, $0x51D;
	s3 =	sshll.u32 s3, $0xB  }
.Ltmp12:
0xc9: {  	s3 =	sadd.s32 s3, s19;
	(pc) =	sbr.rel @!p3 .LBB2_15-.Ltmp12, $4  }
0xca: {  	s3 =	sadd.s32 $0xFED78000, s3  }
0xcb: {  	s3 =	sshrl.u32 s3, $0x3  }
0xcc: {  	s25 =	simm.s32 $0x8300;
	s3 =	sadd.s32 s8, s3  }
0xcd: {  	[hbm4b:s3+s4] =	stream.linear.scatter [tilespmem:s25], [sflag:$0x8], $0x8000, $0x38;
	[tilespmem:$0x18B80] =	vst v63  }
.LBB2_11:
0xce: {  	s3 =	smul.u32 $0x6F97, s15;
	_ =	sdelay $0x1  }
0xcf: {  	s3 =	sadd.s32 $0x5BD9, s3  }
0xd0: {  	s12 =	sadd.s32 $0xFFFFFE0F, s15;
	s3 =	sand.u32 $0xFFFF, s3  }
0xd1: {  	p3 =	seq.s32 s12, $0x0;
	p4 =	sgt.u32 s3, $0x690  }
0xd2: {  	s25 =	sand.u32 $0xFFFF, s22;
	p3 =	por !p3, !p4  }
0xd3: {  	s12 =	simm.s32 $0x1;
	s3 =	smulhi.u32 $0x6906907, s25;
	p3 =	por !p3, !p3  }
0xd4: {  	s12 =	simm.s32 @!p3 $0x0  }
0xd5: {  	s3 =	ssub.s32 s3, s12  }
0xd6: {  	s3 =	sshll.u32 s3, $0x4  }
0xd7: {  	s3 =	sadd.s32 s3, s17  }
0xd8: {  	s3 =	sadd.s32 $0xFFFE0F00, s3  }
0xd9: {  	s3 =	sshrl.u32 s3, $0x3  }
0xda: {  	s24 =	sadd.s32 s5, s3  }
.LBB2_14:
0xdb: {  	s3 =	simm.s32 $0x100  }
0xdc: {  	[tilespmem:s3], [sflag:$0x2] =	stream.linear.gather [hbm4b:s24+s4], $0x100, $0x38;
	[tilespmem:$0x18B80] =	vst v63  }
.LBB2_15:
.Ltmp13:
0xdd: {  	(pc) =	sbr.rel @p2 .LBB2_21-.Ltmp13, $1  }
0xde: {  	_ =	sdelay $0x3  }
0xdf: {  	_ =	swait.ge [sflag:s10], $0x4000;
	p2 =	slt.u32 s13, $0x271  }
.Ltmp14:
0xe0: {  	[sflag:s10] =	ssyncset.done $0x0;
	(pc) =	sbr.rel @!p2 .LBB2_17-.Ltmp14, $4  }
0xe1: {  	[sflag:s10] =	ssyncadd.s32 $0xFFFFC000  }
0xe2: {  	_ =	swait.ge [sflag:s10], $0x4000  }
0xe3: {  	[sflag:s10] =	ssyncset.done $0x0  }
0xe4: {  	[sflag:s10] =	ssyncadd.s32 $0xFFFFC000  }
0xe5: {  	p2 =	slt.u32 s13, $0x211  }
.Ltmp15:
0xe6: {  	_ = 	snop;
	(pc) =	sbr.rel @p2 .LBB2_20-.Ltmp15, $4  }
.Ltmp16:
0xe7: {  	_ = 	snop;
	(pc) =	sbr.rel @!p2 .LBB2_19-.Ltmp16, $4  }
0xe8: {  	_ = 	snop  }
0xe9: {  	[hbm4b:s21+s4] =	stream.linear.scatter [tilespmem:s11], [sflag:$0x9], $0x8000, $0x38;
	[tilespmem:$0x18B80] =	vst v63  }
0xea: {  	s13 =	smov.u32 s18  }
0xeb: {  	_ = 	snop  }
.LBB2_17:
0xec: {  	s3 =	smul.u32 $0x6F97, s15;
	_ =	sdelay $0x1  }
0xed: {  	s3 =	sadd.s32 $0x7619, s3  }
0xee: {  	s12 =	sadd.s32 $0xFFFFFDCF, s15;
	s3 =	sand.u32 $0xFFFF, s3  }
0xef: {  	p2 =	seq.s32 s12, $0x0;
	p3 =	sgt.u32 s3, $0x690  }
0xf0: {  	s25 =	sand.u32 $0xFFFF, s20;
	p2 =	por !p2, !p3  }
0xf1: {  	s12 =	simm.s32 $0x1;
	s3 =	smulhi.u32 $0x6906907, s25;
	p2 =	por !p2, !p2  }
0xf2: {  	s12 =	simm.s32 @!p2 $0x0  }
0xf3: {  	s3 =	ssub.s32 s3, s12  }
0xf4: {  	p2 =	slt.u32 s13, $0x51D;
	s3 =	sshll.u32 s3, $0xB  }
.Ltmp17:
0xf5: {  	s3 =	sadd.s32 s3, s19;
	(pc) =	sbr.rel @p2 .LBB2_19-.Ltmp17, $4  }
.Ltmp18:
0xf6: {  	s3 =	sadd.s32 $0xFEE78000, s3;
	(pc) =	sbr.rel @!p2 .LBB2_21-.Ltmp18, $4  }
0xf7: {  	s3 =	sshrl.u32 s3, $0x3  }
0xf8: {  	s3 =	sadd.s32 s8, s3  }
0xf9: {  	[hbm4b:s3+s4] =	stream.linear.scatter [tilespmem:s11], [sflag:$0x9], $0x8000, $0x38;
	[tilespmem:$0x18B80] =	vst v63  }
0xfa: {  	_ = 	snop  }
.LBB2_23:
0xfb: {  	_ =	sfence.sel $0x180000  }
0xfc: {  	[bflag:$0x0] =	sbarrier.arrive $0xFFFF  }
0xfd: {  	_ =	strace $0x90000047  }
0xfe: {  	s0 =	stileid.u32;
	[bflag:$0x2] =	sbarrier.arrive $0xFFFF  }
0xff: {  	p0 =	sne.s32 s0, $0x0;
	s0 =	rddreg [dreg:$0x3]  }
0x100: {  	s0 =	sadd.s32 @!p0 $0x100000, s0  }
0x101: {  	[sflag:s0] =	ssyncadd.tile.s32 @!p0 $0x1;
	_ =	shalt  }
.Lfunc_end2:
_tile_overlayer_lowered:
.L_overlay_start_2:
0x102: {  	(tag) =	ssettag $0x2  }
0x103: {  	s0 =	rddreg [dreg:$0x0];
	s2 =	stileid.u32  }
0x104: {  	s1 =	rddreg [dreg:$0x1];
	p0 =	sne.s32 s2, $0x0  }
0x105: {  	s3 =	rddreg [dreg:$0x2];
	[bflag:$0x3] =	sbarrier.arrive $0xFFFF;
	s2 =	simm.s32 @!p0 $0x1C0B  }
0x106: {  	[timem:s3], [sflag:s2] =	dma.local @!p0 [hbm:s0], s1  }
0x107: {  	s0 =	simm.s32 @!p0 $0xB  }
0x108: {  	_ =	swait.ge @!p0 [sflag:s0], s1  }
0x109: {  	s1 =	ssub.s32 @!p0 $0x0, s1;
	[sflag:s0] =	ssyncset.done @!p0 $0x0  }
0x10a: {  	[sflag:s0] =	ssyncadd.s32 @!p0 s1  }
0x10b: {  	[bflag:$0x3] =	sbarrier.arrive $0xFFFF  }
0x10c: {  	_ =	shalt  }

</sc_bundles>
